<compile_context>
chip_gen: v7x
topology: tpu7x:2x2x1
jax: 0.10.2.dev20260603
libtpu: 0.0.44.dev20260713+nightly
codegen_flags: <defaults>
</compile_context>

<pallas_src>
import functools

import jax
import jax.numpy as jnp
from jax import lax
from jax.experimental import pallas as pl
from jax.experimental.pallas import tpu as pltpu
from jax.experimental.pallas import tpu_sc as plsc

D = 768
NW = 32
CHUNK = 16
NBUF = 4
LOOKAHEAD = 2
LANES = 16
D_VECS = D // LANES


def _pe_add_kernel(n_rows):
    rows_per_w = n_rows // NW
    n_chunks = rows_per_w // CHUNK
    assert n_chunks % NBUF == 0 and n_chunks >= NBUF
    mesh = plsc.VectorSubcoreMesh(core_axis_name="c", subcore_axis_name="s")

    @functools.partial(
        pl.kernel,
        mesh=mesh,
        out_type=jax.ShapeDtypeStruct((n_rows, D), jnp.float32),
        scratch_types=[
            pltpu.VMEM((rows_per_w,), jnp.int32),
            *[pltpu.VMEM((CHUNK, D), jnp.float32) for _ in range(2 * NBUF)],
            *[pltpu.SemaphoreType.DMA for _ in range(3 * NBUF)],
        ],
    )
    def k(x_hbm, idx_hbm, p_hbm, out_hbm, idx_all, *rest):
        x_bufs = rest[:NBUF]
        pe_bufs = rest[NBUF:2 * NBUF]
        xsem = rest[2 * NBUF:3 * NBUF]
        gsem = rest[3 * NBUF:4 * NBUF]
        ssem = rest[4 * NBUF:5 * NBUF]

        wid = lax.axis_index("s") * 2 + lax.axis_index("c")
        row0 = wid * rows_per_w
        pltpu.sync_copy(idx_hbm.at[pl.ds(row0, rows_per_w)], idx_all)

        def x_copy(chunk, b):
            return pltpu.make_async_copy(
                x_hbm.at[pl.ds(row0 + chunk * CHUNK, CHUNK)], x_bufs[b], xsem[b])

        def pe_copy(chunk, b):
            return pltpu.make_async_copy(
                p_hbm.at[idx_all.at[pl.ds(chunk * CHUNK, CHUNK)]],
                pe_bufs[b], gsem[b])

        def out_copy(chunk, b):
            return pltpu.make_async_copy(
                x_bufs[b], out_hbm.at[pl.ds(row0 + chunk * CHUNK, CHUNK)], ssem[b])

        for kk in range(LOOKAHEAD):
            x_copy(kk, kk).start()
            pe_copy(kk, kk).start()

        def body(i, carry):
            cbase = i * NBUF
            for b in range(NBUF):
                chunk = cbase + b
                x_copy(chunk, b).wait()
                pe_copy(chunk, b).wait()

                nb = (b + LOOKAHEAD) % NBUF
                nchunk = chunk + LOOKAHEAD

                @pl.when(nchunk < n_chunks)
                def _():
                    @pl.when(chunk >= LOOKAHEAD)
                    def _():
                        out_copy(chunk - LOOKAHEAD, nb).wait()
                    x_copy(nchunk, nb).start()
                    pe_copy(nchunk, nb).start()

                def row_body(r, c2):
                    for j in range(D_VECS):
                        sl = pl.ds(j * LANES, LANES)
                        plsc.addupdate(x_bufs[b].at[r, sl], pe_bufs[b][r, sl])
                    return c2

                lax.fori_loop(0, CHUNK, row_body, 0, unroll=False)
                out_copy(chunk, b).start()
            return carry

        lax.fori_loop(0, n_chunks // NBUF, body, 0, unroll=False)

        for b in range(NBUF):
            out_copy(n_chunks - NBUF + b, b).wait()

    return k


def kernel(x, dates, p):
    b, s, d = x.shape
    n = b * s
    xf = x.reshape(n, d)
    idx = dates.reshape(n).astype(jnp.int32)
    out = _pe_add_kernel(n)(xf, idx, p)
    return out.reshape(b, s, d)

# --- scband reference (transcript-rebuilt; emitter-appended) ---
"""Pipeline reference for scband-positional-encoding-63651415327001 (READ-ONLY COPY).

The authoritative reference and input builder live on the scoring server;
editing this copy changes nothing except your own understanding.
"""

import math
import jax, jax.numpy as jnp
import numpy as np

D_HID = 768
POS_ENC_LEN = 8192
T = 1000
PADDING_VALUE_DATES = -1
BATCH = 4
SEQ = 8192


def _build_p(d_hid, pos_enc_len, t):
    timesteps = np.arange(pos_enc_len, dtype=np.float32)[:, None]
    p = np.zeros((pos_enc_len, d_hid), dtype=np.float32)
    div_term = np.exp(np.arange(0, d_hid, 2, dtype=np.float32) * (-math.log(float(t)) / d_hid))
    p[:, 0::2] = np.sin(timesteps * div_term)
    p[:, 1::2] = np.cos(timesteps * div_term)
    return jnp.asarray(p)


def setup_inputs(seed: int = 0) -> dict:
    key = jax.random.key(seed)
    k1, k2 = jax.random.split(key)
    x = jax.random.normal(k1, (BATCH, SEQ, D_HID), dtype=jnp.float32)
    dates = jax.random.randint(k2, (BATCH, SEQ), 0, POS_ENC_LEN).astype(jnp.int64)
    p = _build_p(D_HID, POS_ENC_LEN, T)
    return {"x": x, "dates": dates, "p": p}


def reference(x, dates, p):
    # dates.size(-1) == x.size(-2), so the gather branch of the torch module runs.
    dates_mask = dates == PADDING_VALUE_DATES
    safe_dates = jnp.where(dates_mask, 0, dates)
    pe = jnp.take(p, safe_dates, axis=0)  # gather: [B, S, d_hid]
    pe = jnp.where(dates_mask[..., None], 0.0, pe)  # masked_fill
    return x + pe

if __name__ == "__main__":
    import jax
    _d = setup_inputs()
    print(jax.jit(kernel)(*tuple(_d.values())))

</pallas_src>

<mosaic_0001>
#map = affine_map<(d0, d1) -> (0, 0)>
#map1 = affine_map<(d0, d1) -> (0)>
module attributes {stable_mosaic.version = 14 : i64} {
  func.func @k(%arg0: i32, %arg1: i32, %arg2: memref<32768x768xf32, #tpu.memory_space<hbm>>, %arg3: memref<32768xi32, #tpu.memory_space<hbm>>, %arg4: memref<8192x768xf32, #tpu.memory_space<hbm>>, %arg5: memref<32768x768xf32, #tpu.memory_space<hbm>>, %arg6: memref<1024xi32, #tpu.memory_space<vmem>>, %arg7: memref<16x768xf32, #tpu.memory_space<vmem>>, %arg8: memref<16x768xf32, #tpu.memory_space<vmem>>, %arg9: memref<16x768xf32, #tpu.memory_space<vmem>>, %arg10: memref<16x768xf32, #tpu.memory_space<vmem>>, %arg11: memref<16x768xf32, #tpu.memory_space<vmem>>, %arg12: memref<16x768xf32, #tpu.memory_space<vmem>>, %arg13: memref<16x768xf32, #tpu.memory_space<vmem>>, %arg14: memref<16x768xf32, #tpu.memory_space<vmem>>, %arg15: memref<!tpu.dma_semaphore, #tpu.memory_space<semaphore_mem>>, %arg16: memref<!tpu.dma_semaphore, #tpu.memory_space<semaphore_mem>>, %arg17: memref<!tpu.dma_semaphore, #tpu.memory_space<semaphore_mem>>, %arg18: memref<!tpu.dma_semaphore, #tpu.memory_space<semaphore_mem>>, %arg19: memref<!tpu.dma_semaphore, #tpu.memory_space<semaphore_mem>>, %arg20: memref<!tpu.dma_semaphore, #tpu.memory_space<semaphore_mem>>, %arg21: memref<!tpu.dma_semaphore, #tpu.memory_space<semaphore_mem>>, %arg22: memref<!tpu.dma_semaphore, #tpu.memory_space<semaphore_mem>>, %arg23: memref<!tpu.dma_semaphore, #tpu.memory_space<semaphore_mem>>, %arg24: memref<!tpu.dma_semaphore, #tpu.memory_space<semaphore_mem>>, %arg25: memref<!tpu.dma_semaphore, #tpu.memory_space<semaphore_mem>>, %arg26: memref<!tpu.dma_semaphore, #tpu.memory_space<semaphore_mem>>) attributes {dimension_semantics = [#tpu.dimension_semantics<core_parallel>, #tpu.dimension_semantics<subcore_parallel>], iteration_bounds = array<i64: 2, 16>, scalar_prefetch = 0 : i64, scratch_operands = 21 : i64, tpu.core_type = #tpu.core_type<sc_vector_subcore>, window_params = [{transform_indices = #map}, {transform_indices = #map1}, {transform_indices = #map}, {transform_indices = #map}]} {
    %mul3A = arith.constant 2 : i32
    %mul3A_0 = arith.muli %arg1, %mul3A : i32
    %add3A = arith.addi %mul3A_0, %arg0 : i32
    %mul3A_1 = arith.constant 1024 : i32
    %mul3A_2 = arith.muli %add3A, %mul3A_1 : i32
    "tpu.region"() ({
      %run_scoped3A = tpu.sem_alloc : memref<!tpu.dma_semaphore, #tpu.memory_space<semaphore_mem>>
      %dma_start3A_52 = tpu.memref_slice %arg3[%mul3A_2] : memref<32768xi32, #tpu.memory_space<hbm>> -> memref<1024xi32, #tpu.memory_space<hbm>>
      %dma_start3A_53 = tpu.memref_slice %arg3[%mul3A_2] : memref<32768xi32, #tpu.memory_space<hbm>> -> memref<1024xi32, #tpu.memory_space<hbm>>
      tpu.enqueue_dma source(%dma_start3A_53 : memref<1024xi32, #tpu.memory_space<hbm>>) target(%arg6 : memref<1024xi32, #tpu.memory_space<vmem>>) target_semaphore(%run_scoped3A : memref<!tpu.dma_semaphore, #tpu.memory_space<semaphore_mem>>)
      %dma_wait3A_54 = tpu.memref_slice %arg3[%mul3A_2] : memref<32768xi32, #tpu.memory_space<hbm>> -> memref<1024xi32, #tpu.memory_space<hbm>>
      %dma_wait3A_55 = tpu.memref_slice %arg3[%mul3A_2] : memref<32768xi32, #tpu.memory_space<hbm>> -> memref<1024xi32, #tpu.memory_space<hbm>>
      tpu.wait_dma2 semaphore(%run_scoped3A : memref<!tpu.dma_semaphore, #tpu.memory_space<semaphore_mem>>) src(%dma_wait3A_55 : memref<1024xi32, #tpu.memory_space<hbm>>) dst(%arg6 : memref<1024xi32, #tpu.memory_space<vmem>>)
      tpu.yield
    }) : () -> ()
    %add3A_3 = arith.constant 0 : i32
    %add3A_4 = arith.addi %mul3A_2, %add3A_3 : i32
    %dma_start3A = arith.constant 0 : i32
    %dma_start3A_5 = tpu.memref_slice %arg2[%add3A_4, %dma_start3A] : memref<32768x768xf32, #tpu.memory_space<hbm>> -> memref<16x768xf32, #tpu.memory_space<hbm>>
    %dma_start3A_6 = arith.constant 0 : i32
    %dma_start3A_7 = tpu.memref_slice %arg2[%add3A_4, %dma_start3A_6] : memref<32768x768xf32, #tpu.memory_space<hbm>> -> memref<16x768xf32, #tpu.memory_space<hbm>>
    tpu.enqueue_dma source(%dma_start3A_7 : memref<16x768xf32, #tpu.memory_space<hbm>>) target(%arg7 : memref<16x768xf32, #tpu.memory_space<vmem>>) target_semaphore(%arg15 : memref<!tpu.dma_semaphore, #tpu.memory_space<semaphore_mem>>)
    %dma_start3A_8 = arith.constant 0 : i32
    %dma_start3A_9 = tpu.memref_slice %arg6[%dma_start3A_8] : memref<1024xi32, #tpu.memory_space<vmem>> -> memref<16xi32, #tpu.memory_space<vmem>>
    %dma_start3A_10 = arith.constant 0 : i32
    %dma_start3A_11 = arith.constant 0 : i32
    %dma_start3A_12 = tpu.memref_slice %arg4[%dma_start3A_10, %dma_start3A_11] : memref<8192x768xf32, #tpu.memory_space<hbm>> -> memref<8192x768xf32, #tpu.memory_space<hbm>>
    tpu.enqueue_indirect_dma source(%dma_start3A_12 : memref<8192x768xf32, #tpu.memory_space<hbm>>) target(%arg11 : memref<16x768xf32, #tpu.memory_space<vmem>>) offsets(%dma_start3A_9 : memref<16xi32, #tpu.memory_space<vmem>>) semaphore(%arg19 : memref<!tpu.dma_semaphore, #tpu.memory_space<semaphore_mem>>)
    %add3A_13 = arith.constant 16 : i32
    %add3A_14 = arith.addi %mul3A_2, %add3A_13 : i32
    %dma_start3A_15 = arith.constant 0 : i32
    %dma_start3A_16 = tpu.memref_slice %arg2[%add3A_14, %dma_start3A_15] : memref<32768x768xf32, #tpu.memory_space<hbm>> -> memref<16x768xf32, #tpu.memory_space<hbm>>
    %dma_start3A_17 = arith.constant 0 : i32
    %dma_start3A_18 = tpu.memref_slice %arg2[%add3A_14, %dma_start3A_17] : memref<32768x768xf32, #tpu.memory_space<hbm>> -> memref<16x768xf32, #tpu.memory_space<hbm>>
    tpu.enqueue_dma source(%dma_start3A_18 : memref<16x768xf32, #tpu.memory_space<hbm>>) target(%arg8 : memref<16x768xf32, #tpu.memory_space<vmem>>) target_semaphore(%arg16 : memref<!tpu.dma_semaphore, #tpu.memory_space<semaphore_mem>>)
    %dma_start3A_19 = arith.constant 16 : i32
    %dma_start3A_20 = tpu.memref_slice %arg6[%dma_start3A_19] : memref<1024xi32, #tpu.memory_space<vmem>> -> memref<16xi32, #tpu.memory_space<vmem>>
    %dma_start3A_21 = arith.constant 0 : i32
    %dma_start3A_22 = arith.constant 0 : i32
    %dma_start3A_23 = tpu.memref_slice %arg4[%dma_start3A_21, %dma_start3A_22] : memref<8192x768xf32, #tpu.memory_space<hbm>> -> memref<8192x768xf32, #tpu.memory_space<hbm>>
    tpu.enqueue_indirect_dma source(%dma_start3A_23 : memref<8192x768xf32, #tpu.memory_space<hbm>>) target(%arg12 : memref<16x768xf32, #tpu.memory_space<vmem>>) offsets(%dma_start3A_20 : memref<16xi32, #tpu.memory_space<vmem>>) semaphore(%arg20 : memref<!tpu.dma_semaphore, #tpu.memory_space<semaphore_mem>>)
    %scan3A = arith.constant 0 : i32
    %scan3A_24 = arith.constant 0 : i32
    %scan3A_25 = arith.constant 16 : i32
    %scan3A_26 = arith.addi %scan3A_24, %scan3A_25 : i32
    %scan3A_27 = arith.constant 1 : i32
    scf.for %scan3A_52 = %scan3A_24 to %scan3A_26 step %scan3A_27  : i32 {
      %mul3A_53 = arith.constant 4 : i32
      %mul3A_54 = arith.muli %scan3A_52, %mul3A_53 : i32
      %add3A_55 = arith.constant 0 : i32
      %add3A_56 = arith.addi %mul3A_54, %add3A_55 : i32
      %mul3A_57 = arith.constant 16 : i32
      %mul3A_58 = arith.muli %add3A_56, %mul3A_57 : i32
      %add3A_59 = arith.addi %mul3A_2, %mul3A_58 : i32
      %dma_wait3A_60 = arith.constant 0 : i32
      %dma_wait3A_61 = tpu.memref_slice %arg2[%add3A_59, %dma_wait3A_60] : memref<32768x768xf32, #tpu.memory_space<hbm>> -> memref<16x768xf32, #tpu.memory_space<hbm>>
      %dma_wait3A_62 = arith.constant 0 : i32
      %dma_wait3A_63 = tpu.memref_slice %arg2[%add3A_59, %dma_wait3A_62] : memref<32768x768xf32, #tpu.memory_space<hbm>> -> memref<16x768xf32, #tpu.memory_space<hbm>>
      tpu.wait_dma2 semaphore(%arg15 : memref<!tpu.dma_semaphore, #tpu.memory_space<semaphore_mem>>) src(%dma_wait3A_63 : memref<16x768xf32, #tpu.memory_space<hbm>>) dst(%arg7 : memref<16x768xf32, #tpu.memory_space<vmem>>)
      %mul3A_64 = arith.constant 16 : i32
      %mul3A_65 = arith.muli %add3A_56, %mul3A_64 : i32
      %dma_wait3A_66 = tpu.memref_slice %arg6[%mul3A_65] : memref<1024xi32, #tpu.memory_space<vmem>> -> memref<16xi32, #tpu.memory_space<vmem>>
      %dma_wait3A_67 = arith.constant 0 : i32
      %dma_wait3A_68 = arith.constant 0 : i32
      %dma_wait3A_69 = tpu.memref_slice %arg4[%dma_wait3A_67, %dma_wait3A_68] : memref<8192x768xf32, #tpu.memory_space<hbm>> -> memref<8192x768xf32, #tpu.memory_space<hbm>>
      tpu.wait_indirect_dma semaphore(%arg19 : memref<!tpu.dma_semaphore, #tpu.memory_space<semaphore_mem>>) src(%dma_wait3A_69 : memref<8192x768xf32, #tpu.memory_space<hbm>>) dst(%arg11 : memref<16x768xf32, #tpu.memory_space<vmem>>)
      %add3A_70 = arith.constant 2 : i32
      %add3A_71 = arith.addi %add3A_56, %add3A_70 : i32
      %lt3A = arith.constant 64 : i32
      %lt3A_72 = arith.cmpi slt, %add3A_71, %lt3A : i32
      %convert_element_type3A = arith.extui %lt3A_72 : i1 to i32
      %cond3A = arith.constant 0 : i32
      %cond3A_73 = arith.cmpi ne, %convert_element_type3A, %cond3A : i32
      scf.if %cond3A_73 {
        %ge3A = arith.constant 2 : i32
        %ge3A_192 = arith.cmpi sge, %add3A_56, %ge3A : i32
        %convert_element_type3A_193 = arith.extui %ge3A_192 : i1 to i32
        %cond3A_194 = arith.constant 0 : i32
        %cond3A_195 = arith.cmpi ne, %convert_element_type3A_193, %cond3A_194 : i32
        scf.if %cond3A_195 {
          %sub3A = arith.constant 2 : i32
          %sub3A_209 = arith.subi %add3A_56, %sub3A : i32
          %mul3A_210 = arith.constant 16 : i32
          %mul3A_211 = arith.muli %sub3A_209, %mul3A_210 : i32
          %add3A_212 = arith.addi %mul3A_2, %mul3A_211 : i32
          %dma_wait3A_213 = arith.constant 0 : i32
          %dma_wait3A_214 = tpu.memref_slice %arg5[%add3A_212, %dma_wait3A_213] : memref<32768x768xf32, #tpu.memory_space<hbm>> -> memref<16x768xf32, #tpu.memory_space<hbm>>
          %dma_wait3A_215 = arith.constant 0 : i32
          %dma_wait3A_216 = tpu.memref_slice %arg5[%add3A_212, %dma_wait3A_215] : memref<32768x768xf32, #tpu.memory_space<hbm>> -> memref<16x768xf32, #tpu.memory_space<hbm>>
          tpu.wait_dma2 semaphore(%arg25 : memref<!tpu.dma_semaphore, #tpu.memory_space<semaphore_mem>>) src(%arg9 : memref<16x768xf32, #tpu.memory_space<vmem>>) dst(%dma_wait3A_216 : memref<16x768xf32, #tpu.memory_space<hbm>>)
        } else {
        }
        %mul3A_196 = arith.constant 16 : i32
        %mul3A_197 = arith.muli %add3A_71, %mul3A_196 : i32
        %add3A_198 = arith.addi %mul3A_2, %mul3A_197 : i32
        %dma_start3A_199 = arith.constant 0 : i32
        %dma_start3A_200 = tpu.memref_slice %arg2[%add3A_198, %dma_start3A_199] : memref<32768x768xf32, #tpu.memory_space<hbm>> -> memref<16x768xf32, #tpu.memory_space<hbm>>
        %dma_start3A_201 = arith.constant 0 : i32
        %dma_start3A_202 = tpu.memref_slice %arg2[%add3A_198, %dma_start3A_201] : memref<32768x768xf32, #tpu.memory_space<hbm>> -> memref<16x768xf32, #tpu.memory_space<hbm>>
        tpu.enqueue_dma source(%dma_start3A_202 : memref<16x768xf32, #tpu.memory_space<hbm>>) target(%arg9 : memref<16x768xf32, #tpu.memory_space<vmem>>) target_semaphore(%arg17 : memref<!tpu.dma_semaphore, #tpu.memory_space<semaphore_mem>>)
        %mul3A_203 = arith.constant 16 : i32
        %mul3A_204 = arith.muli %add3A_71, %mul3A_203 : i32
        %dma_start3A_205 = tpu.memref_slice %arg6[%mul3A_204] : memref<1024xi32, #tpu.memory_space<vmem>> -> memref<16xi32, #tpu.memory_space<vmem>>
        %dma_start3A_206 = arith.constant 0 : i32
        %dma_start3A_207 = arith.constant 0 : i32
        %dma_start3A_208 = tpu.memref_slice %arg4[%dma_start3A_206, %dma_start3A_207] : memref<8192x768xf32, #tpu.memory_space<hbm>> -> memref<8192x768xf32, #tpu.memory_space<hbm>>
        tpu.enqueue_indirect_dma source(%dma_start3A_208 : memref<8192x768xf32, #tpu.memory_space<hbm>>) target(%arg13 : memref<16x768xf32, #tpu.memory_space<vmem>>) offsets(%dma_start3A_205 : memref<16xi32, #tpu.memory_space<vmem>>) semaphore(%arg21 : memref<!tpu.dma_semaphore, #tpu.memory_space<semaphore_mem>>)
      } else {
      }
      %scan3A_74 = arith.constant 0 : i32
      %scan3A_75 = arith.constant 0 : i32
      %scan3A_76 = arith.constant 16 : i32
      %scan3A_77 = arith.addi %scan3A_75, %scan3A_76 : i32
      %scan3A_78 = arith.constant 1 : i32
      scf.for %scan3A_192 = %scan3A_75 to %scan3A_77 step %scan3A_78  : i32 {
        %get3A = arith.index_cast %scan3A_192 : i32 to index
        %get3A_193 = arith.constant 0 : index
        %get3A_194 = tpu.vector_load %arg11[%get3A, %get3A_193] {strides = array<i32>} : memref<16x768xf32, #tpu.memory_space<vmem>>, vector<1x16xf32>,
        %get3A_195 = vector.shape_cast %get3A_194 : vector<1x16xf32> to vector<16xf32>
        %swap3A = arith.index_cast %scan3A_192 : i32 to index
        %swap3A_196 = arith.constant 0 : index
        %swap3A_197 = tpu.vector_load %arg7[%swap3A, %swap3A_196] {strides = array<i32>} : memref<16x768xf32, #tpu.memory_space<vmem>>, vector<1x16xf32>,
        %swap3A_198 = vector.shape_cast %swap3A_197 : vector<1x16xf32> to vector<16xf32>
        %swap3A_199 = vector.shape_cast %get3A_195 : vector<16xf32> to vector<1x16xf32>
        tpu.vector_store %arg7[%swap3A, %swap3A_196], %swap3A_199 {add = true, strides = array<i32>} : memref<16x768xf32, #tpu.memory_space<vmem>>, vector<1x16xf32>,
        %get3A_200 = arith.index_cast %scan3A_192 : i32 to index
        %get3A_201 = arith.constant 16 : index
        %get3A_202 = tpu.vector_load %arg11[%get3A_200, %get3A_201] {strides = array<i32>} : memref<16x768xf32, #tpu.memory_space<vmem>>, vector<1x16xf32>,
        %get3A_203 = vector.shape_cast %get3A_202 : vector<1x16xf32> to vector<16xf32>
        %swap3A_204 = arith.index_cast %scan3A_192 : i32 to index
        %swap3A_205 = arith.constant 16 : index
        %swap3A_206 = tpu.vector_load %arg7[%swap3A_204, %swap3A_205] {strides = array<i32>} : memref<16x768xf32, #tpu.memory_space<vmem>>, vector<1x16xf32>,
        %swap3A_207 = vector.shape_cast %swap3A_206 : vector<1x16xf32> to vector<16xf32>
        %swap3A_208 = vector.shape_cast %get3A_203 : vector<16xf32> to vector<1x16xf32>
        tpu.vector_store %arg7[%swap3A_204, %swap3A_205], %swap3A_208 {add = true, strides = array<i32>} : memref<16x768xf32, #tpu.memory_space<vmem>>, vector<1x16xf32>,
        %get3A_209 = arith.index_cast %scan3A_192 : i32 to index
        %get3A_210 = arith.constant 32 : index
        %get3A_211 = tpu.vector_load %arg11[%get3A_209, %get3A_210] {strides = array<i32>} : memref<16x768xf32, #tpu.memory_space<vmem>>, vector<1x16xf32>,
        %get3A_212 = vector.shape_cast %get3A_211 : vector<1x16xf32> to vector<16xf32>
        %swap3A_213 = arith.index_cast %scan3A_192 : i32 to index
        %swap3A_214 = arith.constant 32 : index
        %swap3A_215 = tpu.vector_load %arg7[%swap3A_213, %swap3A_214] {strides = array<i32>} : memref<16x768xf32, #tpu.memory_space<vmem>>, vector<1x16xf32>,
        %swap3A_216 = vector.shape_cast %swap3A_215 : vector<1x16xf32> to vector<16xf32>
        %swap3A_217 = vector.shape_cast %get3A_212 : vector<16xf32> to vector<1x16xf32>
        tpu.vector_store %arg7[%swap3A_213, %swap3A_214], %swap3A_217 {add = true, strides = array<i32>} : memref<16x768xf32, #tpu.memory_space<vmem>>, vector<1x16xf32>,
        %get3A_218 = arith.index_cast %scan3A_192 : i32 to index
        %get3A_219 = arith.constant 48 : index
        %get3A_220 = tpu.vector_load %arg11[%get3A_218, %get3A_219] {strides = array<i32>} : memref<16x768xf32, #tpu.memory_space<vmem>>, vector<1x16xf32>,
        %get3A_221 = vector.shape_cast %get3A_220 : vector<1x16xf32> to vector<16xf32>
        %swap3A_222 = arith.index_cast %scan3A_192 : i32 to index
        %swap3A_223 = arith.constant 48 : index
        %swap3A_224 = tpu.vector_load %arg7[%swap3A_222, %swap3A_223] {strides = array<i32>} : memref<16x768xf32, #tpu.memory_space<vmem>>, vector<1x16xf32>,
        %swap3A_225 = vector.shape_cast %swap3A_224 : vector<1x16xf32> to vector<16xf32>
        %swap3A_226 = vector.shape_cast %get3A_221 : vector<16xf32> to vector<1x16xf32>
        tpu.vector_store %arg7[%swap3A_222, %swap3A_223], %swap3A_226 {add = true, strides = array<i32>} : memref<16x768xf32, #tpu.memory_space<vmem>>, vector<1x16xf32>,
        %get3A_227 = arith.index_cast %scan3A_192 : i32 to index
        %get3A_228 = arith.constant 64 : index
        %get3A_229 = tpu.vector_load %arg11[%get3A_227, %get3A_228] {strides = array<i32>} : memref<16x768xf32, #tpu.memory_space<vmem>>, vector<1x16xf32>,
        %get3A_230 = vector.shape_cast %get3A_229 : vector<1x16xf32> to vector<16xf32>
        %swap3A_231 = arith.index_cast %scan3A_192 : i32 to index
        %swap3A_232 = arith.constant 64 : index
        %swap3A_233 = tpu.vector_load %arg7[%swap3A_231, %swap3A_232] {strides = array<i32>} : memref<16x768xf32, #tpu.memory_space<vmem>>, vector<1x16xf32>,
        %swap3A_234 = vector.shape_cast %swap3A_233 : vector<1x16xf32> to vector<16xf32>
        %swap3A_235 = vector.shape_cast %get3A_230 : vector<16xf32> to vector<1x16xf32>
        tpu.vector_store %arg7[%swap3A_231, %swap3A_232], %swap3A_235 {add = true, strides = array<i32>} : memref<16x768xf32, #tpu.memory_space<vmem>>, vector<1x16xf32>,
        %get3A_236 = arith.index_cast %scan3A_192 : i32 to index
        %get3A_237 = arith.constant 80 : index
        %get3A_238 = tpu.vector_load %arg11[%get3A_236, %get3A_237] {strides = array<i32>} : memref<16x768xf32, #tpu.memory_space<vmem>>, vector<1x16xf32>,
        %get3A_239 = vector.shape_cast %get3A_238 : vector<1x16xf32> to vector<16xf32>
        %swap3A_240 = arith.index_cast %scan3A_192 : i32 to index
        %swap3A_241 = arith.constant 80 : index
        %swap3A_242 = tpu.vector_load %arg7[%swap3A_240, %swap3A_241] {strides = array<i32>} : memref<16x768xf32, #tpu.memory_space<vmem>>, vector<1x16xf32>,
        %swap3A_243 = vector.shape_cast %swap3A_242 : vector<1x16xf32> to vector<16xf32>
        %swap3A_244 = vector.shape_cast %get3A_239 : vector<16xf32> to vector<1x16xf32>
        tpu.vector_store %arg7[%swap3A_240, %swap3A_241], %swap3A_244 {add = true, strides = array<i32>} : memref<16x768xf32, #tpu.memory_space<vmem>>, vector<1x16xf32>,
        %get3A_245 = arith.index_cast %scan3A_192 : i32 to index
        %get3A_246 = arith.constant 96 : index
        %get3A_247 = tpu.vector_load %arg11[%get3A_245, %get3A_246] {strides = array<i32>} : memref<16x768xf32, #tpu.memory_space<vmem>>, vector<1x16xf32>,
        %get3A_248 = vector.shape_cast %get3A_247 : vector<1x16xf32> to vector<16xf32>
        %swap3A_249 = arith.index_cast %scan3A_192 : i32 to index
        %swap3A_250 = arith.constant 96 : index
        %swap3A_251 = tpu.vector_load %arg7[%swap3A_249, %swap3A_250] {strides = array<i32>} : memref<16x768xf32, #tpu.memory_space<vmem>>, vector<1x16xf32>,
        %swap3A_252 = vector.shape_cast %swap3A_251 : vector<1x16xf32> to vector<16xf32>
        %swap3A_253 = vector.shape_cast %get3A_248 : vector<16xf32> to vector<1x16xf32>
        tpu.vector_store %arg7[%swap3A_249, %swap3A_250], %swap3A_253 {add = true, strides = array<i32>} : memref<16x768xf32, #tpu.memory_space<vmem>>, vector<1x16xf32>,
        %get3A_254 = arith.index_cast %scan3A_192 : i32 to index
        %get3A_255 = arith.constant 112 : index
        %get3A_256 = tpu.vector_load %arg11[%get3A_254, %get3A_255] {strides = array<i32>} : memref<16x768xf32, #tpu.memory_space<vmem>>, vector<1x16xf32>,
        %get3A_257 = vector.shape_cast %get3A_256 : vector<1x16xf32> to vector<16xf32>
        %swap3A_258 = arith.index_cast %scan3A_192 : i32 to index
        %swap3A_259 = arith.constant 112 : index
        %swap3A_260 = tpu.vector_load %arg7[%swap3A_258, %swap3A_259] {strides = array<i32>} : memref<16x768xf32, #tpu.memory_space<vmem>>, vector<1x16xf32>,
        %swap3A_261 = vector.shape_cast %swap3A_260 : vector<1x16xf32> to vector<16xf32>
        %swap3A_262 = vector.shape_cast %get3A_257 : vector<16xf32> to vector<1x16xf32>
        tpu.vector_store %arg7[%swap3A_258, %swap3A_259], %swap3A_262 {add = true, strides = array<i32>} : memref<16x768xf32, #tpu.memory_space<vmem>>, vector<1x16xf32>,
        %get3A_263 = arith.index_cast %scan3A_192 : i32 to index
        %get3A_264 = arith.constant 128 : index
        %get3A_265 = tpu.vector_load %arg11[%get3A_263, %get3A_264] {strides = array<i32>} : memref<16x768xf32, #tpu.memory_space<vmem>>, vector<1x16xf32>,
        %get3A_266 = vector.shape_cast %get3A_265 : vector<1x16xf32> to vector<16xf32>
        %swap3A_267 = arith.index_cast %scan3A_192 : i32 to index
        %swap3A_268 = arith.constant 128 : index
        %swap3A_269 = tpu.vector_load %arg7[%swap3A_267, %swap3A_268] {strides = array<i32>} : memref<16x768xf32, #tpu.memory_space<vmem>>, vector<1x16xf32>,
        %swap3A_270 = vector.shape_cast %swap3A_269 : vector<1x16xf32> to vector<16xf32>
        %swap3A_271 = vector.shape_cast %get3A_266 : vector<16xf32> to vector<1x16xf32>
        tpu.vector_store %arg7[%swap3A_267, %swap3A_268], %swap3A_271 {add = true, strides = array<i32>} : memref<16x768xf32, #tpu.memory_space<vmem>>, vector<1x16xf32>,
        %get3A_272 = arith.index_cast %scan3A_192 : i32 to index
        %get3A_273 = arith.constant 144 : index
        %get3A_274 = tpu.vector_load %arg11[%get3A_272, %get3A_273] {strides = array<i32>} : memref<16x768xf32, #tpu.memory_space<vmem>>, vector<1x16xf32>,
        %get3A_275 = vector.shape_cast %get3A_274 : vector<1x16xf32> to vector<16xf32>
        %swap3A_276 = arith.index_cast %scan3A_192 : i32 to index
        %swap3A_277 = arith.constant 144 : index
        %swap3A_278 = tpu.vector_load %arg7[%swap3A_276, %swap3A_277] {strides = array<i32>} : memref<16x768xf32, #tpu.memory_space<vmem>>, vector<1x16xf32>,
        %swap3A_279 = vector.shape_cast %swap3A_278 : vector<1x16xf32> to vector<16xf32>
        %swap3A_280 = vector.shape_cast %get3A_275 : vector<16xf32> to vector<1x16xf32>
        tpu.vector_store %arg7[%swap3A_276, %swap3A_277], %swap3A_280 {add = true, strides = array<i32>} : memref<16x768xf32, #tpu.memory_space<vmem>>, vector<1x16xf32>,
        %get3A_281 = arith.index_cast %scan3A_192 : i32 to index
        %get3A_282 = arith.constant 160 : index
        %get3A_283 = tpu.vector_load %arg11[%get3A_281, %get3A_282] {strides = array<i32>} : memref<16x768xf32, #tpu.memory_space<vmem>>, vector<1x16xf32>,
        %get3A_284 = vector.shape_cast %get3A_283 : vector<1x16xf32> to vector<16xf32>
        %swap3A_285 = arith.index_cast %scan3A_192 : i32 to index
        %swap3A_286 = arith.constant 160 : index
        %swap3A_287 = tpu.vector_load %arg7[%swap3A_285, %swap3A_286] {strides = array<i32>} : memref<16x768xf32, #tpu.memory_space<vmem>>, vector<1x16xf32>,
        %swap3A_288 = vector.shape_cast %swap3A_287 : vector<1x16xf32> to vector<16xf32>
        %swap3A_289 = vector.shape_cast %get3A_284 : vector<16xf32> to vector<1x16xf32>
        tpu.vector_store %arg7[%swap3A_285, %swap3A_286], %swap3A_289 {add = true, strides = array<i32>} : memref<16x768xf32, #tpu.memory_space<vmem>>, vector<1x16xf32>,
        %get3A_290 = arith.index_cast %scan3A_192 : i32 to index
        %get3A_291 = arith.constant 176 : index
        %get3A_292 = tpu.vector_load %arg11[%get3A_290, %get3A_291] {strides = array<i32>} : memref<16x768xf32, #tpu.memory_space<vmem>>, vector<1x16xf32>,
        %get3A_293 = vector.shape_cast %get3A_292 : vector<1x16xf32> to vector<16xf32>
        %swap3A_294 = arith.index_cast %scan3A_192 : i32 to index
        %swap3A_295 = arith.constant 176 : index
        %swap3A_296 = tpu.vector_load %arg7[%swap3A_294, %swap3A_295] {strides = array<i32>} : memref<16x768xf32, #tpu.memory_space<vmem>>, vector<1x16xf32>,
        %swap3A_297 = vector.shape_cast %swap3A_296 : vector<1x16xf32> to vector<16xf32>
        %swap3A_298 = vector.shape_cast %get3A_293 : vector<16xf32> to vector<1x16xf32>
        tpu.vector_store %arg7[%swap3A_294, %swap3A_295], %swap3A_298 {add = true, strides = array<i32>} : memref<16x768xf32, #tpu.memory_space<vmem>>, vector<1x16xf32>,
        %get3A_299 = arith.index_cast %scan3A_192 : i32 to index
        %get3A_300 = arith.constant 192 : index
        %get3A_301 = tpu.vector_load %arg11[%get3A_299, %get3A_300] {strides = array<i32>} : memref<16x768xf32, #tpu.memory_space<vmem>>, vector<1x16xf32>,
        %get3A_302 = vector.shape_cast %get3A_301 : vector<1x16xf32> to vector<16xf32>
        %swap3A_303 = arith.index_cast %scan3A_192 : i32 to index
        %swap3A_304 = arith.constant 192 : index
        %swap3A_305 = tpu.vector_load %arg7[%swap3A_303, %swap3A_304] {strides = array<i32>} : memref<16x768xf32, #tpu.memory_space<vmem>>, vector<1x16xf32>,
        %swap3A_306 = vector.shape_cast %swap3A_305 : vector<1x16xf32> to vector<16xf32>
        %swap3A_307 = vector.shape_cast %get3A_302 : vector<16xf32> to vector<1x16xf32>
        tpu.vector_store %arg7[%swap3A_303, %swap3A_304], %swap3A_307 {add = true, strides = array<i32>} : memref<16x768xf32, #tpu.memory_space<vmem>>, vector<1x16xf32>,
        %get3A_308 = arith.index_cast %scan3A_192 : i32 to index
        %get3A_309 = arith.constant 208 : index
        %get3A_310 = tpu.vector_load %arg11[%get3A_308, %get3A_309] {strides = array<i32>} : memref<16x768xf32, #tpu.memory_space<vmem>>, vector<1x16xf32>,
        %get3A_311 = vector.shape_cast %get3A_310 : vector<1x16xf32> to vector<16xf32>
        %swap3A_312 = arith.index_cast %scan3A_192 : i32 to index
        %swap3A_313 = arith.constant 208 : index
        %swap3A_314 = tpu.vector_load %arg7[%swap3A_312, %swap3A_313] {strides = array<i32>} : memref<16x768xf32, #tpu.memory_space<vmem>>, vector<1x16xf32>,
        %swap3A_315 = vector.shape_cast %swap3A_314 : vector<1x16xf32> to vector<16xf32>
        %swap3A_316 = vector.shape_cast %get3A_311 : vector<16xf32> to vector<1x16xf32>
        tpu.vector_store %arg7[%swap3A_312, %swap3A_313], %swap3A_316 {add = true, strides = array<i32>} : memref<16x768xf32, #tpu.memory_space<vmem>>, vector<1x16xf32>,
        %get3A_317 = arith.index_cast %scan3A_192 : i32 to index
        %get3A_318 = arith.constant 224 : index
        %get3A_319 = tpu.vector_load %arg11[%get3A_317, %get3A_318] {strides = array<i32>} : memref<16x768xf32, #tpu.memory_space<vmem>>, vector<1x16xf32>,
        %get3A_320 = vector.shape_cast %get3A_319 : vector<1x16xf32> to vector<16xf32>
        %swap3A_321 = arith.index_cast %scan3A_192 : i32 to index
        %swap3A_322 = arith.constant 224 : index
        %swap3A_323 = tpu.vector_load %arg7[%swap3A_321, %swap3A_322] {strides = array<i32>} : memref<16x768xf32, #tpu.memory_space<vmem>>, vector<1x16xf32>,
        %swap3A_324 = vector.shape_cast %swap3A_323 : vector<1x16xf32> to vector<16xf32>
        %swap3A_325 = vector.shape_cast %get3A_320 : vector<16xf32> to vector<1x16xf32>
        tpu.vector_store %arg7[%swap3A_321, %swap3A_322], %swap3A_325 {add = true, strides = array<i32>} : memref<16x768xf32, #tpu.memory_space<vmem>>, vector<1x16xf32>,
        %get3A_326 = arith.index_cast %scan3A_192 : i32 to index
        %get3A_327 = arith.constant 240 : index
        %get3A_328 = tpu.vector_load %arg11[%get3A_326, %get3A_327] {strides = array<i32>} : memref<16x768xf32, #tpu.memory_space<vmem>>, vector<1x16xf32>,
        %get3A_329 = vector.shape_cast %get3A_328 : vector<1x16xf32> to vector<16xf32>
        %swap3A_330 = arith.index_cast %scan3A_192 : i32 to index
        %swap3A_331 = arith.constant 240 : index
        %swap3A_332 = tpu.vector_load %arg7[%swap3A_330, %swap3A_331] {strides = array<i32>} : memref<16x768xf32, #tpu.memory_space<vmem>>, vector<1x16xf32>,
        %swap3A_333 = vector.shape_cast %swap3A_332 : vector<1x16xf32> to vector<16xf32>
        %swap3A_334 = vector.shape_cast %get3A_329 : vector<16xf32> to vector<1x16xf32>
        tpu.vector_store %arg7[%swap3A_330, %swap3A_331], %swap3A_334 {add = true, strides = array<i32>} : memref<16x768xf32, #tpu.memory_space<vmem>>, vector<1x16xf32>,
        %get3A_335 = arith.index_cast %scan3A_192 : i32 to index
        %get3A_336 = arith.constant 256 : index
        %get3A_337 = tpu.vector_load %arg11[%get3A_335, %get3A_336] {strides = array<i32>} : memref<16x768xf32, #tpu.memory_space<vmem>>, vector<1x16xf32>,
        %get3A_338 = vector.shape_cast %get3A_337 : vector<1x16xf32> to vector<16xf32>
        %swap3A_339 = arith.index_cast %scan3A_192 : i32 to index
        %swap3A_340 = arith.constant 256 : index
        %swap3A_341 = tpu.vector_load %arg7[%swap3A_339, %swap3A_340] {strides = array<i32>} : memref<16x768xf32, #tpu.memory_space<vmem>>, vector<1x16xf32>,
        %swap3A_342 = vector.shape_cast %swap3A_341 : vector<1x16xf32> to vector<16xf32>
        %swap3A_343 = vector.shape_cast %get3A_338 : vector<16xf32> to vector<1x16xf32>
        tpu.vector_store %arg7[%swap3A_339, %swap3A_340], %swap3A_343 {add = true, strides = array<i32>} : memref<16x768xf32, #tpu.memory_space<vmem>>, vector<1x16xf32>,
        %get3A_344 = arith.index_cast %scan3A_192 : i32 to index
        %get3A_345 = arith.constant 272 : index
        %get3A_346 = tpu.vector_load %arg11[%get3A_344, %get3A_345] {strides = array<i32>} : memref<16x768xf32, #tpu.memory_space<vmem>>, vector<1x16xf32>,
        %get3A_347 = vector.shape_cast %get3A_346 : vector<1x16xf32> to vector<16xf32>
        %swap3A_348 = arith.index_cast %scan3A_192 : i32 to index
        %swap3A_349 = arith.constant 272 : index
        %swap3A_350 = tpu.vector_load %arg7[%swap3A_348, %swap3A_349] {strides = array<i32>} : memref<16x768xf32, #tpu.memory_space<vmem>>, vector<1x16xf32>,
        %swap3A_351 = vector.shape_cast %swap3A_350 : vector<1x16xf32> to vector<16xf32>
        %swap3A_352 = vector.shape_cast %get3A_347 : vector<16xf32> to vector<1x16xf32>
        tpu.vector_store %arg7[%swap3A_348, %swap3A_349], %swap3A_352 {add = true, strides = array<i32>} : memref<16x768xf32, #tpu.memory_space<vmem>>, vector<1x16xf32>,
        %get3A_353 = arith.index_cast %scan3A_192 : i32 to index
        %get3A_354 = arith.constant 288 : index
        %get3A_355 = tpu.vector_load %arg11[%get3A_353, %get3A_354] {strides = array<i32>} : memref<16x768xf32, #tpu.memory_space<vmem>>, vector<1x16xf32>,
        %get3A_356 = vector.shape_cast %get3A_355 : vector<1x16xf32> to vector<16xf32>
        %swap3A_357 = arith.index_cast %scan3A_192 : i32 to index
        %swap3A_358 = arith.constant 288 : index
        %swap3A_359 = tpu.vector_load %arg7[%swap3A_357, %swap3A_358] {strides = array<i32>} : memref<16x768xf32, #tpu.memory_space<vmem>>, vector<1x16xf32>,
        %swap3A_360 = vector.shape_cast %swap3A_359 : vector<1x16xf32> to vector<16xf32>
        %swap3A_361 = vector.shape_cast %get3A_356 : vector<16xf32> to vector<1x16xf32>
        tpu.vector_store %arg7[%swap3A_357, %swap3A_358], %swap3A_361 {add = true, strides = array<i32>} : memref<16x768xf32, #tpu.memory_space<vmem>>, vector<1x16xf32>,
        %get3A_362 = arith.index_cast %scan3A_192 : i32 to index
        %get3A_363 = arith.constant 304 : index
        %get3A_364 = tpu.vector_load %arg11[%get3A_362, %get3A_363] {strides = array<i32>} : memref<16x768xf32, #tpu.memory_space<vmem>>, vector<1x16xf32>,
        %get3A_365 = vector.shape_cast %get3A_364 : vector<1x16xf32> to vector<16xf32>
        %swap3A_366 = arith.index_cast %scan3A_192 : i32 to index
        %swap3A_367 = arith.constant 304 : index
        %swap3A_368 = tpu.vector_load %arg7[%swap3A_366, %swap3A_367] {strides = array<i32>} : memref<16x768xf32, #tpu.memory_space<vmem>>, vector<1x16xf32>,
        %swap3A_369 = vector.shape_cast %swap3A_368 : vector<1x16xf32> to vector<16xf32>
        %swap3A_370 = vector.shape_cast %get3A_365 : vector<16xf32> to vector<1x16xf32>
        tpu.vector_store %arg7[%swap3A_366, %swap3A_367], %swap3A_370 {add = true, strides = array<i32>} : memref<16x768xf32, #tpu.memory_space<vmem>>, vector<1x16xf32>,
        %get3A_371 = arith.index_cast %scan3A_192 : i32 to index
        %get3A_372 = arith.constant 320 : index
        %get3A_373 = tpu.vector_load %arg11[%get3A_371, %get3A_372] {strides = array<i32>} : memref<16x768xf32, #tpu.memory_space<vmem>>, vector<1x16xf32>,
        %get3A_374 = vector.shape_cast %get3A_373 : vector<1x16xf32> to vector<16xf32>
        %swap3A_375 = arith.index_cast %scan3A_192 : i32 to index
        %swap3A_376 = arith.constant 320 : index
        %swap3A_377 = tpu.vector_load %arg7[%swap3A_375, %swap3A_376] {strides = array<i32>} : memref<16x768xf32, #tpu.memory_space<vmem>>, vector<1x16xf32>,
        %swap3A_378 = vector.shape_cast %swap3A_377 : vector<1x16xf32> to vector<16xf32>
        %swap3A_379 = vector.shape_cast %get3A_374 : vector<16xf32> to vector<1x16xf32>
        tpu.vector_store %arg7[%swap3A_375, %swap3A_376], %swap3A_379 {add = true, strides = array<i32>} : memref<16x768xf32, #tpu.memory_space<vmem>>, vector<1x16xf32>,
        %get3A_380 = arith.index_cast %scan3A_192 : i32 to index
        %get3A_381 = arith.constant 336 : index
        %get3A_382 = tpu.vector_load %arg11[%get3A_380, %get3A_381] {strides = array<i32>} : memref<16x768xf32, #tpu.memory_space<vmem>>, vector<1x16xf32>,
        %get3A_383 = vector.shape_cast %get3A_382 : vector<1x16xf32> to vector<16xf32>
        %swap3A_384 = arith.index_cast %scan3A_192 : i32 to index
        %swap3A_385 = arith.constant 336 : index
        %swap3A_386 = tpu.vector_load %arg7[%swap3A_384, %swap3A_385] {strides = array<i32>} : memref<16x768xf32, #tpu.memory_space<vmem>>, vector<1x16xf32>,
        %swap3A_387 = vector.shape_cast %swap3A_386 : vector<1x16xf32> to vector<16xf32>
        %swap3A_388 = vector.shape_cast %get3A_383 : vector<16xf32> to vector<1x16xf32>
        tpu.vector_store %arg7[%swap3A_384, %swap3A_385], %swap3A_388 {add = true, strides = array<i32>} : memref<16x768xf32, #tpu.memory_space<vmem>>, vector<1x16xf32>,
        %get3A_389 = arith.index_cast %scan3A_192 : i32 to index
        %get3A_390 = arith.constant 352 : index
        %get3A_391 = tpu.vector_load %arg11[%get3A_389, %get3A_390] {strides = array<i32>} : memref<16x768xf32, #tpu.memory_space<vmem>>, vector<1x16xf32>,
        %get3A_392 = vector.shape_cast %get3A_391 : vector<1x16xf32> to vector<16xf32>
        %swap3A_393 = arith.index_cast %scan3A_192 : i32 to index
        %swap3A_394 = arith.constant 352 : index
        %swap3A_395 = tpu.vector_load %arg7[%swap3A_393, %swap3A_394] {strides = array<i32>} : memref<16x768xf32, #tpu.memory_space<vmem>>, vector<1x16xf32>,
        %swap3A_396 = vector.shape_cast %swap3A_395 : vector<1x16xf32> to vector<16xf32>
        %swap3A_397 = vector.shape_cast %get3A_392 : vector<16xf32> to vector<1x16xf32>
        tpu.vector_store %arg7[%swap3A_393, %swap3A_394], %swap3A_397 {add = true, strides = array<i32>} : memref<16x768xf32, #tpu.memory_space<vmem>>, vector<1x16xf32>,
        %get3A_398 = arith.index_cast %scan3A_192 : i32 to index
        %get3A_399 = arith.constant 368 : index
        %get3A_400 = tpu.vector_load %arg11[%get3A_398, %get3A_399] {strides = array<i32>} : memref<16x768xf32, #tpu.memory_space<vmem>>, vector<1x16xf32>,
        %get3A_401 = vector.shape_cast %get3A_400 : vector<1x16xf32> to vector<16xf32>
        %swap3A_402 = arith.index_cast %scan3A_192 : i32 to index
        %swap3A_403 = arith.constant 368 : index
        %swap3A_404 = tpu.vector_load %arg7[%swap3A_402, %swap3A_403] {strides = array<i32>} : memref<16x768xf32, #tpu.memory_space<vmem>>, vector<1x16xf32>,
        %swap3A_405 = vector.shape_cast %swap3A_404 : vector<1x16xf32> to vector<16xf32>
        %swap3A_406 = vector.shape_cast %get3A_401 : vector<16xf32> to vector<1x16xf32>
        tpu.vector_store %arg7[%swap3A_402, %swap3A_403], %swap3A_406 {add = true, strides = array<i32>} : memref<16x768xf32, #tpu.memory_space<vmem>>, vector<1x16xf32>,
        %get3A_407 = arith.index_cast %scan3A_192 : i32 to index
        %get3A_408 = arith.constant 384 : index
        %get3A_409 = tpu.vector_load %arg11[%get3A_407, %get3A_408] {strides = array<i32>} : memref<16x768xf32, #tpu.memory_space<vmem>>, vector<1x16xf32>,
        %get3A_410 = vector.shape_cast %get3A_409 : vector<1x16xf32> to vector<16xf32>
        %swap3A_411 = arith.index_cast %scan3A_192 : i32 to index
        %swap3A_412 = arith.constant 384 : index
        %swap3A_413 = tpu.vector_load %arg7[%swap3A_411, %swap3A_412] {strides = array<i32>} : memref<16x768xf32, #tpu.memory_space<vmem>>, vector<1x16xf32>,
        %swap3A_414 = vector.shape_cast %swap3A_413 : vector<1x16xf32> to vector<16xf32>
        %swap3A_415 = vector.shape_cast %get3A_410 : vector<16xf32> to vector<1x16xf32>
        tpu.vector_store %arg7[%swap3A_411, %swap3A_412], %swap3A_415 {add = true, strides = array<i32>} : memref<16x768xf32, #tpu.memory_space<vmem>>, vector<1x16xf32>,
        %get3A_416 = arith.index_cast %scan3A_192 : i32 to index
        %get3A_417 = arith.constant 400 : index
        %get3A_418 = tpu.vector_load %arg11[%get3A_416, %get3A_417] {strides = array<i32>} : memref<16x768xf32, #tpu.memory_space<vmem>>, vector<1x16xf32>,
        %get3A_419 = vector.shape_cast %get3A_418 : vector<1x16xf32> to vector<16xf32>
        %swap3A_420 = arith.index_cast %scan3A_192 : i32 to index
        %swap3A_421 = arith.constant 400 : index
        %swap3A_422 = tpu.vector_load %arg7[%swap3A_420, %swap3A_421] {strides = array<i32>} : memref<16x768xf32, #tpu.memory_space<vmem>>, vector<1x16xf32>,
        %swap3A_423 = vector.shape_cast %swap3A_422 : vector<1x16xf32> to vector<16xf32>
        %swap3A_424 = vector.shape_cast %get3A_419 : vector<16xf32> to vector<1x16xf32>
        tpu.vector_store %arg7[%swap3A_420, %swap3A_421], %swap3A_424 {add = true, strides = array<i32>} : memref<16x768xf32, #tpu.memory_space<vmem>>, vector<1x16xf32>,
        %get3A_425 = arith.index_cast %scan3A_192 : i32 to index
        %get3A_426 = arith.constant 416 : index
        %get3A_427 = tpu.vector_load %arg11[%get3A_425, %get3A_426] {strides = array<i32>} : memref<16x768xf32, #tpu.memory_space<vmem>>, vector<1x16xf32>,
        %get3A_428 = vector.shape_cast %get3A_427 : vector<1x16xf32> to vector<16xf32>
        %swap3A_429 = arith.index_cast %scan3A_192 : i32 to index
        %swap3A_430 = arith.constant 416 : index
        %swap3A_431 = tpu.vector_load %arg7[%swap3A_429, %swap3A_430] {strides = array<i32>} : memref<16x768xf32, #tpu.memory_space<vmem>>, vector<1x16xf32>,
        %swap3A_432 = vector.shape_cast %swap3A_431 : vector<1x16xf32> to vector<16xf32>
        %swap3A_433 = vector.shape_cast %get3A_428 : vector<16xf32> to vector<1x16xf32>
        tpu.vector_store %arg7[%swap3A_429, %swap3A_430], %swap3A_433 {add = true, strides = array<i32>} : memref<16x768xf32, #tpu.memory_space<vmem>>, vector<1x16xf32>,
        %get3A_434 = arith.index_cast %scan3A_192 : i32 to index
        %get3A_435 = arith.constant 432 : index
        %get3A_436 = tpu.vector_load %arg11[%get3A_434, %get3A_435] {strides = array<i32>} : memref<16x768xf32, #tpu.memory_space<vmem>>, vector<1x16xf32>,
        %get3A_437 = vector.shape_cast %get3A_436 : vector<1x16xf32> to vector<16xf32>
        %swap3A_438 = arith.index_cast %scan3A_192 : i32 to index
        %swap3A_439 = arith.constant 432 : index
        %swap3A_440 = tpu.vector_load %arg7[%swap3A_438, %swap3A_439] {strides = array<i32>} : memref<16x768xf32, #tpu.memory_space<vmem>>, vector<1x16xf32>,
        %swap3A_441 = vector.shape_cast %swap3A_440 : vector<1x16xf32> to vector<16xf32>
        %swap3A_442 = vector.shape_cast %get3A_437 : vector<16xf32> to vector<1x16xf32>
        tpu.vector_store %arg7[%swap3A_438, %swap3A_439], %swap3A_442 {add = true, strides = array<i32>} : memref<16x768xf32, #tpu.memory_space<vmem>>, vector<1x16xf32>,
        %get3A_443 = arith.index_cast %scan3A_192 : i32 to index
        %get3A_444 = arith.constant 448 : index
        %get3A_445 = tpu.vector_load %arg11[%get3A_443, %get3A_444] {strides = array<i32>} : memref<16x768xf32, #tpu.memory_space<vmem>>, vector<1x16xf32>,
        %get3A_446 = vector.shape_cast %get3A_445 : vector<1x16xf32> to vector<16xf32>
        %swap3A_447 = arith.index_cast %scan3A_192 : i32 to index
        %swap3A_448 = arith.constant 448 : index
        %swap3A_449 = tpu.vector_load %arg7[%swap3A_447, %swap3A_448] {strides = array<i32>} : memref<16x768xf32, #tpu.memory_space<vmem>>, vector<1x16xf32>,
        %swap3A_450 = vector.shape_cast %swap3A_449 : vector<1x16xf32> to vector<16xf32>
        %swap3A_451 = vector.shape_cast %get3A_446 : vector<16xf32> to vector<1x16xf32>
        tpu.vector_store %arg7[%swap3A_447, %swap3A_448], %swap3A_451 {add = true, strides = array<i32>} : memref<16x768xf32, #tpu.memory_space<vmem>>, vector<1x16xf32>,
        %get3A_452 = arith.index_cast %scan3A_192 : i32 to index
        %get3A_453 = arith.constant 464 : index
        %get3A_454 = tpu.vector_load %arg11[%get3A_452, %get3A_453] {strides = array<i32>} : memref<16x768xf32, #tpu.memory_space<vmem>>, vector<1x16xf32>,
        %get3A_455 = vector.shape_cast %get3A_454 : vector<1x16xf32> to vector<16xf32>
        %swap3A_456 = arith.index_cast %scan3A_192 : i32 to index
        %swap3A_457 = arith.constant 464 : index
        %swap3A_458 = tpu.vector_load %arg7[%swap3A_456, %swap3A_457] {strides = array<i32>} : memref<16x768xf32, #tpu.memory_space<vmem>>, vector<1x16xf32>,
        %swap3A_459 = vector.shape_cast %swap3A_458 : vector<1x16xf32> to vector<16xf32>
        %swap3A_460 = vector.shape_cast %get3A_455 : vector<16xf32> to vector<1x16xf32>
        tpu.vector_store %arg7[%swap3A_456, %swap3A_457], %swap3A_460 {add = true, strides = array<i32>} : memref<16x768xf32, #tpu.memory_space<vmem>>, vector<1x16xf32>,
        %get3A_461 = arith.index_cast %scan3A_192 : i32 to index
        %get3A_462 = arith.constant 480 : index
        %get3A_463 = tpu.vector_load %arg11[%get3A_461, %get3A_462] {strides = array<i32>} : memref<16x768xf32, #tpu.memory_space<vmem>>, vector<1x16xf32>,
        %get3A_464 = vector.shape_cast %get3A_463 : vector<1x16xf32> to vector<16xf32>
        %swap3A_465 = arith.index_cast %scan3A_192 : i32 to index
        %swap3A_466 = arith.constant 480 : index
        %swap3A_467 = tpu.vector_load %arg7[%swap3A_465, %swap3A_466] {strides = array<i32>} : memref<16x768xf32, #tpu.memory_space<vmem>>, vector<1x16xf32>,
        %swap3A_468 = vector.shape_cast %swap3A_467 : vector<1x16xf32> to vector<16xf32>
        %swap3A_469 = vector.shape_cast %get3A_464 : vector<16xf32> to vector<1x16xf32>
        tpu.vector_store %arg7[%swap3A_465, %swap3A_466], %swap3A_469 {add = true, strides = array<i32>} : memref<16x768xf32, #tpu.memory_space<vmem>>, vector<1x16xf32>,
        %get3A_470 = arith.index_cast %scan3A_192 : i32 to index
        %get3A_471 = arith.constant 496 : index
        %get3A_472 = tpu.vector_load %arg11[%get3A_470, %get3A_471] {strides = array<i32>} : memref<16x768xf32, #tpu.memory_space<vmem>>, vector<1x16xf32>,
        %get3A_473 = vector.shape_cast %get3A_472 : vector<1x16xf32> to vector<16xf32>
        %swap3A_474 = arith.index_cast %scan3A_192 : i32 to index
        %swap3A_475 = arith.constant 496 : index
        %swap3A_476 = tpu.vector_load %arg7[%swap3A_474, %swap3A_475] {strides = array<i32>} : memref<16x768xf32, #tpu.memory_space<vmem>>, vector<1x16xf32>,
        %swap3A_477 = vector.shape_cast %swap3A_476 : vector<1x16xf32> to vector<16xf32>
        %swap3A_478 = vector.shape_cast %get3A_473 : vector<16xf32> to vector<1x16xf32>
        tpu.vector_store %arg7[%swap3A_474, %swap3A_475], %swap3A_478 {add = true, strides = array<i32>} : memref<16x768xf32, #tpu.memory_space<vmem>>, vector<1x16xf32>,
        %get3A_479 = arith.index_cast %scan3A_192 : i32 to index
        %get3A_480 = arith.constant 512 : index
        %get3A_481 = tpu.vector_load %arg11[%get3A_479, %get3A_480] {strides = array<i32>} : memref<16x768xf32, #tpu.memory_space<vmem>>, vector<1x16xf32>,
        %get3A_482 = vector.shape_cast %get3A_481 : vector<1x16xf32> to vector<16xf32>
        %swap3A_483 = arith.index_cast %scan3A_192 : i32 to index
        %swap3A_484 = arith.constant 512 : index
        %swap3A_485 = tpu.vector_load %arg7[%swap3A_483, %swap3A_484] {strides = array<i32>} : memref<16x768xf32, #tpu.memory_space<vmem>>, vector<1x16xf32>,
        %swap3A_486 = vector.shape_cast %swap3A_485 : vector<1x16xf32> to vector<16xf32>
        %swap3A_487 = vector.shape_cast %get3A_482 : vector<16xf32> to vector<1x16xf32>
        tpu.vector_store %arg7[%swap3A_483, %swap3A_484], %swap3A_487 {add = true, strides = array<i32>} : memref<16x768xf32, #tpu.memory_space<vmem>>, vector<1x16xf32>,
        %get3A_488 = arith.index_cast %scan3A_192 : i32 to index
        %get3A_489 = arith.constant 528 : index
        %get3A_490 = tpu.vector_load %arg11[%get3A_488, %get3A_489] {strides = array<i32>} : memref<16x768xf32, #tpu.memory_space<vmem>>, vector<1x16xf32>,
        %get3A_491 = vector.shape_cast %get3A_490 : vector<1x16xf32> to vector<16xf32>
        %swap3A_492 = arith.index_cast %scan3A_192 : i32 to index
        %swap3A_493 = arith.constant 528 : index
        %swap3A_494 = tpu.vector_load %arg7[%swap3A_492, %swap3A_493] {strides = array<i32>} : memref<16x768xf32, #tpu.memory_space<vmem>>, vector<1x16xf32>,
        %swap3A_495 = vector.shape_cast %swap3A_494 : vector<1x16xf32> to vector<16xf32>
        %swap3A_496 = vector.shape_cast %get3A_491 : vector<16xf32> to vector<1x16xf32>
        tpu.vector_store %arg7[%swap3A_492, %swap3A_493], %swap3A_496 {add = true, strides = array<i32>} : memref<16x768xf32, #tpu.memory_space<vmem>>, vector<1x16xf32>,
        %get3A_497 = arith.index_cast %scan3A_192 : i32 to index
        %get3A_498 = arith.constant 544 : index
        %get3A_499 = tpu.vector_load %arg11[%get3A_497, %get3A_498] {strides = array<i32>} : memref<16x768xf32, #tpu.memory_space<vmem>>, vector<1x16xf32>,
        %get3A_500 = vector.shape_cast %get3A_499 : vector<1x16xf32> to vector<16xf32>
        %swap3A_501 = arith.index_cast %scan3A_192 : i32 to index
        %swap3A_502 = arith.constant 544 : index
        %swap3A_503 = tpu.vector_load %arg7[%swap3A_501, %swap3A_502] {strides = array<i32>} : memref<16x768xf32, #tpu.memory_space<vmem>>, vector<1x16xf32>,
        %swap3A_504 = vector.shape_cast %swap3A_503 : vector<1x16xf32> to vector<16xf32>
        %swap3A_505 = vector.shape_cast %get3A_500 : vector<16xf32> to vector<1x16xf32>
        tpu.vector_store %arg7[%swap3A_501, %swap3A_502], %swap3A_505 {add = true, strides = array<i32>} : memref<16x768xf32, #tpu.memory_space<vmem>>, vector<1x16xf32>,
        %get3A_506 = arith.index_cast %scan3A_192 : i32 to index
        %get3A_507 = arith.constant 560 : index
        %get3A_508 = tpu.vector_load %arg11[%get3A_506, %get3A_507] {strides = array<i32>} : memref<16x768xf32, #tpu.memory_space<vmem>>, vector<1x16xf32>,
        %get3A_509 = vector.shape_cast %get3A_508 : vector<1x16xf32> to vector<16xf32>
        %swap3A_510 = arith.index_cast %scan3A_192 : i32 to index
        %swap3A_511 = arith.constant 560 : index
        %swap3A_512 = tpu.vector_load %arg7[%swap3A_510, %swap3A_511] {strides = array<i32>} : memref<16x768xf32, #tpu.memory_space<vmem>>, vector<1x16xf32>,
        %swap3A_513 = vector.shape_cast %swap3A_512 : vector<1x16xf32> to vector<16xf32>
        %swap3A_514 = vector.shape_cast %get3A_509 : vector<16xf32> to vector<1x16xf32>
        tpu.vector_store %arg7[%swap3A_510, %swap3A_511], %swap3A_514 {add = true, strides = array<i32>} : memref<16x768xf32, #tpu.memory_space<vmem>>, vector<1x16xf32>,
        %get3A_515 = arith.index_cast %scan3A_192 : i32 to index
        %get3A_516 = arith.constant 576 : index
        %get3A_517 = tpu.vector_load %arg11[%get3A_515, %get3A_516] {strides = array<i32>} : memref<16x768xf32, #tpu.memory_space<vmem>>, vector<1x16xf32>,
        %get3A_518 = vector.shape_cast %get3A_517 : vector<1x16xf32> to vector<16xf32>
        %swap3A_519 = arith.index_cast %scan3A_192 : i32 to index
        %swap3A_520 = arith.constant 576 : index
        %swap3A_521 = tpu.vector_load %arg7[%swap3A_519, %swap3A_520] {strides = array<i32>} : memref<16x768xf32, #tpu.memory_space<vmem>>, vector<1x16xf32>,
        %swap3A_522 = vector.shape_cast %swap3A_521 : vector<1x16xf32> to vector<16xf32>
        %swap3A_523 = vector.shape_cast %get3A_518 : vector<16xf32> to vector<1x16xf32>
        tpu.vector_store %arg7[%swap3A_519, %swap3A_520], %swap3A_523 {add = true, strides = array<i32>} : memref<16x768xf32, #tpu.memory_space<vmem>>, vector<1x16xf32>,
        %get3A_524 = arith.index_cast %scan3A_192 : i32 to index
        %get3A_525 = arith.constant 592 : index
        %get3A_526 = tpu.vector_load %arg11[%get3A_524, %get3A_525] {strides = array<i32>} : memref<16x768xf32, #tpu.memory_space<vmem>>, vector<1x16xf32>,
        %get3A_527 = vector.shape_cast %get3A_526 : vector<1x16xf32> to vector<16xf32>
        %swap3A_528 = arith.index_cast %scan3A_192 : i32 to index
        %swap3A_529 = arith.constant 592 : index
        %swap3A_530 = tpu.vector_load %arg7[%swap3A_528, %swap3A_529] {strides = array<i32>} : memref<16x768xf32, #tpu.memory_space<vmem>>, vector<1x16xf32>,
        %swap3A_531 = vector.shape_cast %swap3A_530 : vector<1x16xf32> to vector<16xf32>
        %swap3A_532 = vector.shape_cast %get3A_527 : vector<16xf32> to vector<1x16xf32>
        tpu.vector_store %arg7[%swap3A_528, %swap3A_529], %swap3A_532 {add = true, strides = array<i32>} : memref<16x768xf32, #tpu.memory_space<vmem>>, vector<1x16xf32>,
        %get3A_533 = arith.index_cast %scan3A_192 : i32 to index
        %get3A_534 = arith.constant 608 : index
        %get3A_535 = tpu.vector_load %arg11[%get3A_533, %get3A_534] {strides = array<i32>} : memref<16x768xf32, #tpu.memory_space<vmem>>, vector<1x16xf32>,
        %get3A_536 = vector.shape_cast %get3A_535 : vector<1x16xf32> to vector<16xf32>
        %swap3A_537 = arith.index_cast %scan3A_192 : i32 to index
        %swap3A_538 = arith.constant 608 : index
        %swap3A_539 = tpu.vector_load %arg7[%swap3A_537, %swap3A_538] {strides = array<i32>} : memref<16x768xf32, #tpu.memory_space<vmem>>, vector<1x16xf32>,
        %swap3A_540 = vector.shape_cast %swap3A_539 : vector<1x16xf32> to vector<16xf32>
        %swap3A_541 = vector.shape_cast %get3A_536 : vector<16xf32> to vector<1x16xf32>
        tpu.vector_store %arg7[%swap3A_537, %swap3A_538], %swap3A_541 {add = true, strides = array<i32>} : memref<16x768xf32, #tpu.memory_space<vmem>>, vector<1x16xf32>,
        %get3A_542 = arith.index_cast %scan3A_192 : i32 to index
        %get3A_543 = arith.constant 624 : index
        %get3A_544 = tpu.vector_load %arg11[%get3A_542, %get3A_543] {strides = array<i32>} : memref<16x768xf32, #tpu.memory_space<vmem>>, vector<1x16xf32>,
        %get3A_545 = vector.shape_cast %get3A_544 : vector<1x16xf32> to vector<16xf32>
        %swap3A_546 = arith.index_cast %scan3A_192 : i32 to index
        %swap3A_547 = arith.constant 624 : index
        %swap3A_548 = tpu.vector_load %arg7[%swap3A_546, %swap3A_547] {strides = array<i32>} : memref<16x768xf32, #tpu.memory_space<vmem>>, vector<1x16xf32>,
        %swap3A_549 = vector.shape_cast %swap3A_548 : vector<1x16xf32> to vector<16xf32>
        %swap3A_550 = vector.shape_cast %get3A_545 : vector<16xf32> to vector<1x16xf32>
        tpu.vector_store %arg7[%swap3A_546, %swap3A_547], %swap3A_550 {add = true, strides = array<i32>} : memref<16x768xf32, #tpu.memory_space<vmem>>, vector<1x16xf32>,
        %get3A_551 = arith.index_cast %scan3A_192 : i32 to index
        %get3A_552 = arith.constant 640 : index
        %get3A_553 = tpu.vector_load %arg11[%get3A_551, %get3A_552] {strides = array<i32>} : memref<16x768xf32, #tpu.memory_space<vmem>>, vector<1x16xf32>,
        %get3A_554 = vector.shape_cast %get3A_553 : vector<1x16xf32> to vector<16xf32>
        %swap3A_555 = arith.index_cast %scan3A_192 : i32 to index
        %swap3A_556 = arith.constant 640 : index
        %swap3A_557 = tpu.vector_load %arg7[%swap3A_555, %swap3A_556] {strides = array<i32>} : memref<16x768xf32, #tpu.memory_space<vmem>>, vector<1x16xf32>,
        %swap3A_558 = vector.shape_cast %swap3A_557 : vector<1x16xf32> to vector<16xf32>
        %swap3A_559 = vector.shape_cast %get3A_554 : vector<16xf32> to vector<1x16xf32>
        tpu.vector_store %arg7[%swap3A_555, %swap3A_556], %swap3A_559 {add = true, strides = array<i32>} : memref<16x768xf32, #tpu.memory_space<vmem>>, vector<1x16xf32>,
        %get3A_560 = arith.index_cast %scan3A_192 : i32 to index
        %get3A_561 = arith.constant 656 : index
        %get3A_562 = tpu.vector_load %arg11[%get3A_560, %get3A_561] {strides = array<i32>} : memref<16x768xf32, #tpu.memory_space<vmem>>, vector<1x16xf32>,
        %get3A_563 = vector.shape_cast %get3A_562 : vector<1x16xf32> to vector<16xf32>
        %swap3A_564 = arith.index_cast %scan3A_192 : i32 to index
        %swap3A_565 = arith.constant 656 : index
        %swap3A_566 = tpu.vector_load %arg7[%swap3A_564, %swap3A_565] {strides = array<i32>} : memref<16x768xf32, #tpu.memory_space<vmem>>, vector<1x16xf32>,
        %swap3A_567 = vector.shape_cast %swap3A_566 : vector<1x16xf32> to vector<16xf32>
        %swap3A_568 = vector.shape_cast %get3A_563 : vector<16xf32> to vector<1x16xf32>
        tpu.vector_store %arg7[%swap3A_564, %swap3A_565], %swap3A_568 {add = true, strides = array<i32>} : memref<16x768xf32, #tpu.memory_space<vmem>>, vector<1x16xf32>,
        %get3A_569 = arith.index_cast %scan3A_192 : i32 to index
        %get3A_570 = arith.constant 672 : index
        %get3A_571 = tpu.vector_load %arg11[%get3A_569, %get3A_570] {strides = array<i32>} : memref<16x768xf32, #tpu.memory_space<vmem>>, vector<1x16xf32>,
        %get3A_572 = vector.shape_cast %get3A_571 : vector<1x16xf32> to vector<16xf32>
        %swap3A_573 = arith.index_cast %scan3A_192 : i32 to index
        %swap3A_574 = arith.constant 672 : index
        %swap3A_575 = tpu.vector_load %arg7[%swap3A_573, %swap3A_574] {strides = array<i32>} : memref<16x768xf32, #tpu.memory_space<vmem>>, vector<1x16xf32>,
        %swap3A_576 = vector.shape_cast %swap3A_575 : vector<1x16xf32> to vector<16xf32>
        %swap3A_577 = vector.shape_cast %get3A_572 : vector<16xf32> to vector<1x16xf32>
        tpu.vector_store %arg7[%swap3A_573, %swap3A_574], %swap3A_577 {add = true, strides = array<i32>} : memref<16x768xf32, #tpu.memory_space<vmem>>, vector<1x16xf32>,
        %get3A_578 = arith.index_cast %scan3A_192 : i32 to index
        %get3A_579 = arith.constant 688 : index
        %get3A_580 = tpu.vector_load %arg11[%get3A_578, %get3A_579] {strides = array<i32>} : memref<16x768xf32, #tpu.memory_space<vmem>>, vector<1x16xf32>,
        %get3A_581 = vector.shape_cast %get3A_580 : vector<1x16xf32> to vector<16xf32>
        %swap3A_582 = arith.index_cast %scan3A_192 : i32 to index
        %swap3A_583 = arith.constant 688 : index
        %swap3A_584 = tpu.vector_load %arg7[%swap3A_582, %swap3A_583] {strides = array<i32>} : memref<16x768xf32, #tpu.memory_space<vmem>>, vector<1x16xf32>,
        %swap3A_585 = vector.shape_cast %swap3A_584 : vector<1x16xf32> to vector<16xf32>
        %swap3A_586 = vector.shape_cast %get3A_581 : vector<16xf32> to vector<1x16xf32>
        tpu.vector_store %arg7[%swap3A_582, %swap3A_583], %swap3A_586 {add = true, strides = array<i32>} : memref<16x768xf32, #tpu.memory_space<vmem>>, vector<1x16xf32>,
        %get3A_587 = arith.index_cast %scan3A_192 : i32 to index
        %get3A_588 = arith.constant 704 : index
        %get3A_589 = tpu.vector_load %arg11[%get3A_587, %get3A_588] {strides = array<i32>} : memref<16x768xf32, #tpu.memory_space<vmem>>, vector<1x16xf32>,
        %get3A_590 = vector.shape_cast %get3A_589 : vector<1x16xf32> to vector<16xf32>
        %swap3A_591 = arith.index_cast %scan3A_192 : i32 to index
        %swap3A_592 = arith.constant 704 : index
        %swap3A_593 = tpu.vector_load %arg7[%swap3A_591, %swap3A_592] {strides = array<i32>} : memref<16x768xf32, #tpu.memory_space<vmem>>, vector<1x16xf32>,
        %swap3A_594 = vector.shape_cast %swap3A_593 : vector<1x16xf32> to vector<16xf32>
        %swap3A_595 = vector.shape_cast %get3A_590 : vector<16xf32> to vector<1x16xf32>
        tpu.vector_store %arg7[%swap3A_591, %swap3A_592], %swap3A_595 {add = true, strides = array<i32>} : memref<16x768xf32, #tpu.memory_space<vmem>>, vector<1x16xf32>,
        %get3A_596 = arith.index_cast %scan3A_192 : i32 to index
        %get3A_597 = arith.constant 720 : index
        %get3A_598 = tpu.vector_load %arg11[%get3A_596, %get3A_597] {strides = array<i32>} : memref<16x768xf32, #tpu.memory_space<vmem>>, vector<1x16xf32>,
        %get3A_599 = vector.shape_cast %get3A_598 : vector<1x16xf32> to vector<16xf32>
        %swap3A_600 = arith.index_cast %scan3A_192 : i32 to index
        %swap3A_601 = arith.constant 720 : index
        %swap3A_602 = tpu.vector_load %arg7[%swap3A_600, %swap3A_601] {strides = array<i32>} : memref<16x768xf32, #tpu.memory_space<vmem>>, vector<1x16xf32>,
        %swap3A_603 = vector.shape_cast %swap3A_602 : vector<1x16xf32> to vector<16xf32>
        %swap3A_604 = vector.shape_cast %get3A_599 : vector<16xf32> to vector<1x16xf32>
        tpu.vector_store %arg7[%swap3A_600, %swap3A_601], %swap3A_604 {add = true, strides = array<i32>} : memref<16x768xf32, #tpu.memory_space<vmem>>, vector<1x16xf32>,
        %get3A_605 = arith.index_cast %scan3A_192 : i32 to index
        %get3A_606 = arith.constant 736 : index
        %get3A_607 = tpu.vector_load %arg11[%get3A_605, %get3A_606] {strides = array<i32>} : memref<16x768xf32, #tpu.memory_space<vmem>>, vector<1x16xf32>,
        %get3A_608 = vector.shape_cast %get3A_607 : vector<1x16xf32> to vector<16xf32>
        %swap3A_609 = arith.index_cast %scan3A_192 : i32 to index
        %swap3A_610 = arith.constant 736 : index
        %swap3A_611 = tpu.vector_load %arg7[%swap3A_609, %swap3A_610] {strides = array<i32>} : memref<16x768xf32, #tpu.memory_space<vmem>>, vector<1x16xf32>,
        %swap3A_612 = vector.shape_cast %swap3A_611 : vector<1x16xf32> to vector<16xf32>
        %swap3A_613 = vector.shape_cast %get3A_608 : vector<16xf32> to vector<1x16xf32>
        tpu.vector_store %arg7[%swap3A_609, %swap3A_610], %swap3A_613 {add = true, strides = array<i32>} : memref<16x768xf32, #tpu.memory_space<vmem>>, vector<1x16xf32>,
        %get3A_614 = arith.index_cast %scan3A_192 : i32 to index
        %get3A_615 = arith.constant 752 : index
        %get3A_616 = tpu.vector_load %arg11[%get3A_614, %get3A_615] {strides = array<i32>} : memref<16x768xf32, #tpu.memory_space<vmem>>, vector<1x16xf32>,
        %get3A_617 = vector.shape_cast %get3A_616 : vector<1x16xf32> to vector<16xf32>
        %swap3A_618 = arith.index_cast %scan3A_192 : i32 to index
        %swap3A_619 = arith.constant 752 : index
        %swap3A_620 = tpu.vector_load %arg7[%swap3A_618, %swap3A_619] {strides = array<i32>} : memref<16x768xf32, #tpu.memory_space<vmem>>, vector<1x16xf32>,
        %swap3A_621 = vector.shape_cast %swap3A_620 : vector<1x16xf32> to vector<16xf32>
        %swap3A_622 = vector.shape_cast %get3A_617 : vector<16xf32> to vector<1x16xf32>
        tpu.vector_store %arg7[%swap3A_618, %swap3A_619], %swap3A_622 {add = true, strides = array<i32>} : memref<16x768xf32, #tpu.memory_space<vmem>>, vector<1x16xf32>,
      }
      %scan3A_79 = arith.constant 16 : i32
      %mul3A_80 = arith.constant 16 : i32
      %mul3A_81 = arith.muli %add3A_56, %mul3A_80 : i32
      %add3A_82 = arith.addi %mul3A_2, %mul3A_81 : i32
      %dma_start3A_83 = arith.constant 0 : i32
      %dma_start3A_84 = tpu.memref_slice %arg5[%add3A_82, %dma_start3A_83] : memref<32768x768xf32, #tpu.memory_space<hbm>> -> memref<16x768xf32, #tpu.memory_space<hbm>>
      %dma_start3A_85 = arith.constant 0 : i32
      %dma_start3A_86 = tpu.memref_slice %arg5[%add3A_82, %dma_start3A_85] : memref<32768x768xf32, #tpu.memory_space<hbm>> -> memref<16x768xf32, #tpu.memory_space<hbm>>
      tpu.enqueue_dma source(%arg7 : memref<16x768xf32, #tpu.memory_space<vmem>>) target(%dma_start3A_86 : memref<16x768xf32, #tpu.memory_space<hbm>>) target_semaphore(%arg23 : memref<!tpu.dma_semaphore, #tpu.memory_space<semaphore_mem>>)
      %add3A_87 = arith.constant 1 : i32
      %add3A_88 = arith.addi %mul3A_54, %add3A_87 : i32
      %mul3A_89 = arith.constant 16 : i32
      %mul3A_90 = arith.muli %add3A_88, %mul3A_89 : i32
      %add3A_91 = arith.addi %mul3A_2, %mul3A_90 : i32
      %dma_wait3A_92 = arith.constant 0 : i32
      %dma_wait3A_93 = tpu.memref_slice %arg2[%add3A_91, %dma_wait3A_92] : memref<32768x768xf32, #tpu.memory_space<hbm>> -> memref<16x768xf32, #tpu.memory_space<hbm>>
      %dma_wait3A_94 = arith.constant 0 : i32
      %dma_wait3A_95 = tpu.memref_slice %arg2[%add3A_91, %dma_wait3A_94] : memref<32768x768xf32, #tpu.memory_space<hbm>> -> memref<16x768xf32, #tpu.memory_space<hbm>>
      tpu.wait_dma2 semaphore(%arg16 : memref<!tpu.dma_semaphore, #tpu.memory_space<semaphore_mem>>) src(%dma_wait3A_95 : memref<16x768xf32, #tpu.memory_space<hbm>>) dst(%arg8 : memref<16x768xf32, #tpu.memory_space<vmem>>)
      %mul3A_96 = arith.constant 16 : i32
      %mul3A_97 = arith.muli %add3A_88, %mul3A_96 : i32
      %dma_wait3A_98 = tpu.memref_slice %arg6[%mul3A_97] : memref<1024xi32, #tpu.memory_space<vmem>> -> memref<16xi32, #tpu.memory_space<vmem>>
      %dma_wait3A_99 = arith.constant 0 : i32
      %dma_wait3A_100 = arith.constant 0 : i32
      %dma_wait3A_101 = tpu.memref_slice %arg4[%dma_wait3A_99, %dma_wait3A_100] : memref<8192x768xf32, #tpu.memory_space<hbm>> -> memref<8192x768xf32, #tpu.memory_space<hbm>>
      tpu.wait_indirect_dma semaphore(%arg20 : memref<!tpu.dma_semaphore, #tpu.memory_space<semaphore_mem>>) src(%dma_wait3A_101 : memref<8192x768xf32, #tpu.memory_space<hbm>>) dst(%arg12 : memref<16x768xf32, #tpu.memory_space<vmem>>)
      %add3A_102 = arith.constant 2 : i32
      %add3A_103 = arith.addi %add3A_88, %add3A_102 : i32
      %lt3A_104 = arith.constant 64 : i32
      %lt3A_105 = arith.cmpi slt, %add3A_103, %lt3A_104 : i32
      %convert_element_type3A_106 = arith.extui %lt3A_105 : i1 to i32
      %cond3A_107 = arith.constant 0 : i32
      %cond3A_108 = arith.cmpi ne, %convert_element_type3A_106, %cond3A_107 : i32
      scf.if %cond3A_108 {
        %ge3A = arith.constant 2 : i32
        %ge3A_192 = arith.cmpi sge, %add3A_88, %ge3A : i32
        %convert_element_type3A_193 = arith.extui %ge3A_192 : i1 to i32
        %cond3A_194 = arith.constant 0 : i32
        %cond3A_195 = arith.cmpi ne, %convert_element_type3A_193, %cond3A_194 : i32
        scf.if %cond3A_195 {
          %sub3A = arith.constant 2 : i32
          %sub3A_209 = arith.subi %add3A_88, %sub3A : i32
          %mul3A_210 = arith.constant 16 : i32
          %mul3A_211 = arith.muli %sub3A_209, %mul3A_210 : i32
          %add3A_212 = arith.addi %mul3A_2, %mul3A_211 : i32
          %dma_wait3A_213 = arith.constant 0 : i32
          %dma_wait3A_214 = tpu.memref_slice %arg5[%add3A_212, %dma_wait3A_213] : memref<32768x768xf32, #tpu.memory_space<hbm>> -> memref<16x768xf32, #tpu.memory_space<hbm>>
          %dma_wait3A_215 = arith.constant 0 : i32
          %dma_wait3A_216 = tpu.memref_slice %arg5[%add3A_212, %dma_wait3A_215] : memref<32768x768xf32, #tpu.memory_space<hbm>> -> memref<16x768xf32, #tpu.memory_space<hbm>>
          tpu.wait_dma2 semaphore(%arg26 : memref<!tpu.dma_semaphore, #tpu.memory_space<semaphore_mem>>) src(%arg10 : memref<16x768xf32, #tpu.memory_space<vmem>>) dst(%dma_wait3A_216 : memref<16x768xf32, #tpu.memory_space<hbm>>)
        } else {
        }
        %mul3A_196 = arith.constant 16 : i32
        %mul3A_197 = arith.muli %add3A_103, %mul3A_196 : i32
        %add3A_198 = arith.addi %mul3A_2, %mul3A_197 : i32
        %dma_start3A_199 = arith.constant 0 : i32
        %dma_start3A_200 = tpu.memref_slice %arg2[%add3A_198, %dma_start3A_199] : memref<32768x768xf32, #tpu.memory_space<hbm>> -> memref<16x768xf32, #tpu.memory_space<hbm>>
        %dma_start3A_201 = arith.constant 0 : i32
        %dma_start3A_202 = tpu.memref_slice %arg2[%add3A_198, %dma_start3A_201] : memref<32768x768xf32, #tpu.memory_space<hbm>> -> memref<16x768xf32, #tpu.memory_space<hbm>>
        tpu.enqueue_dma source(%dma_start3A_202 : memref<16x768xf32, #tpu.memory_space<hbm>>) target(%arg10 : memref<16x768xf32, #tpu.memory_space<vmem>>) target_semaphore(%arg18 : memref<!tpu.dma_semaphore, #tpu.memory_space<semaphore_mem>>)
        %mul3A_203 = arith.constant 16 : i32
        %mul3A_204 = arith.muli %add3A_103, %mul3A_203 : i32
        %dma_start3A_205 = tpu.memref_slice %arg6[%mul3A_204] : memref<1024xi32, #tpu.memory_space<vmem>> -> memref<16xi32, #tpu.memory_space<vmem>>
        %dma_start3A_206 = arith.constant 0 : i32
        %dma_start3A_207 = arith.constant 0 : i32
        %dma_start3A_208 = tpu.memref_slice %arg4[%dma_start3A_206, %dma_start3A_207] : memref<8192x768xf32, #tpu.memory_space<hbm>> -> memref<8192x768xf32, #tpu.memory_space<hbm>>
        tpu.enqueue_indirect_dma source(%dma_start3A_208 : memref<8192x768xf32, #tpu.memory_space<hbm>>) target(%arg14 : memref<16x768xf32, #tpu.memory_space<vmem>>) offsets(%dma_start3A_205 : memref<16xi32, #tpu.memory_space<vmem>>) semaphore(%arg22 : memref<!tpu.dma_semaphore, #tpu.memory_space<semaphore_mem>>)
      } else {
      }
      %scan3A_109 = arith.constant 0 : i32
      %scan3A_110 = arith.constant 0 : i32
      %scan3A_111 = arith.constant 16 : i32
      %scan3A_112 = arith.addi %scan3A_110, %scan3A_111 : i32
      %scan3A_113 = arith.constant 1 : i32
      scf.for %scan3A_192 = %scan3A_110 to %scan3A_112 step %scan3A_113  : i32 {
        %get3A = arith.index_cast %scan3A_192 : i32 to index
        %get3A_193 = arith.constant 0 : index
        %get3A_194 = tpu.vector_load %arg12[%get3A, %get3A_193] {strides = array<i32>} : memref<16x768xf32, #tpu.memory_space<vmem>>, vector<1x16xf32>,
        %get3A_195 = vector.shape_cast %get3A_194 : vector<1x16xf32> to vector<16xf32>
        %swap3A = arith.index_cast %scan3A_192 : i32 to index
        %swap3A_196 = arith.constant 0 : index
        %swap3A_197 = tpu.vector_load %arg8[%swap3A, %swap3A_196] {strides = array<i32>} : memref<16x768xf32, #tpu.memory_space<vmem>>, vector<1x16xf32>,
        %swap3A_198 = vector.shape_cast %swap3A_197 : vector<1x16xf32> to vector<16xf32>
        %swap3A_199 = vector.shape_cast %get3A_195 : vector<16xf32> to vector<1x16xf32>
        tpu.vector_store %arg8[%swap3A, %swap3A_196], %swap3A_199 {add = true, strides = array<i32>} : memref<16x768xf32, #tpu.memory_space<vmem>>, vector<1x16xf32>,
        %get3A_200 = arith.index_cast %scan3A_192 : i32 to index
        %get3A_201 = arith.constant 16 : index
        %get3A_202 = tpu.vector_load %arg12[%get3A_200, %get3A_201] {strides = array<i32>} : memref<16x768xf32, #tpu.memory_space<vmem>>, vector<1x16xf32>,
        %get3A_203 = vector.shape_cast %get3A_202 : vector<1x16xf32> to vector<16xf32>
        %swap3A_204 = arith.index_cast %scan3A_192 : i32 to index
        %swap3A_205 = arith.constant 16 : index
        %swap3A_206 = tpu.vector_load %arg8[%swap3A_204, %swap3A_205] {strides = array<i32>} : memref<16x768xf32, #tpu.memory_space<vmem>>, vector<1x16xf32>,
        %swap3A_207 = vector.shape_cast %swap3A_206 : vector<1x16xf32> to vector<16xf32>
        %swap3A_208 = vector.shape_cast %get3A_203 : vector<16xf32> to vector<1x16xf32>
        tpu.vector_store %arg8[%swap3A_204, %swap3A_205], %swap3A_208 {add = true, strides = array<i32>} : memref<16x768xf32, #tpu.memory_space<vmem>>, vector<1x16xf32>,
        %get3A_209 = arith.index_cast %scan3A_192 : i32 to index
        %get3A_210 = arith.constant 32 : index
        %get3A_211 = tpu.vector_load %arg12[%get3A_209, %get3A_210] {strides = array<i32>} : memref<16x768xf32, #tpu.memory_space<vmem>>, vector<1x16xf32>,
        %get3A_212 = vector.shape_cast %get3A_211 : vector<1x16xf32> to vector<16xf32>
        %swap3A_213 = arith.index_cast %scan3A_192 : i32 to index
        %swap3A_214 = arith.constant 32 : index
        %swap3A_215 = tpu.vector_load %arg8[%swap3A_213, %swap3A_214] {strides = array<i32>} : memref<16x768xf32, #tpu.memory_space<vmem>>, vector<1x16xf32>,
        %swap3A_216 = vector.shape_cast %swap3A_215 : vector<1x16xf32> to vector<16xf32>
        %swap3A_217 = vector.shape_cast %get3A_212 : vector<16xf32> to vector<1x16xf32>
        tpu.vector_store %arg8[%swap3A_213, %swap3A_214], %swap3A_217 {add = true, strides = array<i32>} : memref<16x768xf32, #tpu.memory_space<vmem>>, vector<1x16xf32>,
        %get3A_218 = arith.index_cast %scan3A_192 : i32 to index
        %get3A_219 = arith.constant 48 : index
        %get3A_220 = tpu.vector_load %arg12[%get3A_218, %get3A_219] {strides = array<i32>} : memref<16x768xf32, #tpu.memory_space<vmem>>, vector<1x16xf32>,
        %get3A_221 = vector.shape_cast %get3A_220 : vector<1x16xf32> to vector<16xf32>
        %swap3A_222 = arith.index_cast %scan3A_192 : i32 to index
        %swap3A_223 = arith.constant 48 : index
        %swap3A_224 = tpu.vector_load %arg8[%swap3A_222, %swap3A_223] {strides = array<i32>} : memref<16x768xf32, #tpu.memory_space<vmem>>, vector<1x16xf32>,
        %swap3A_225 = vector.shape_cast %swap3A_224 : vector<1x16xf32> to vector<16xf32>
        %swap3A_226 = vector.shape_cast %get3A_221 : vector<16xf32> to vector<1x16xf32>
        tpu.vector_store %arg8[%swap3A_222, %swap3A_223], %swap3A_226 {add = true, strides = array<i32>} : memref<16x768xf32, #tpu.memory_space<vmem>>, vector<1x16xf32>,
        %get3A_227 = arith.index_cast %scan3A_192 : i32 to index
        %get3A_228 = arith.constant 64 : index
        %get3A_229 = tpu.vector_load %arg12[%get3A_227, %get3A_228] {strides = array<i32>} : memref<16x768xf32, #tpu.memory_space<vmem>>, vector<1x16xf32>,
        %get3A_230 = vector.shape_cast %get3A_229 : vector<1x16xf32> to vector<16xf32>
        %swap3A_231 = arith.index_cast %scan3A_192 : i32 to index
        %swap3A_232 = arith.constant 64 : index
        %swap3A_233 = tpu.vector_load %arg8[%swap3A_231, %swap3A_232] {strides = array<i32>} : memref<16x768xf32, #tpu.memory_space<vmem>>, vector<1x16xf32>,
        %swap3A_234 = vector.shape_cast %swap3A_233 : vector<1x16xf32> to vector<16xf32>
        %swap3A_235 = vector.shape_cast %get3A_230 : vector<16xf32> to vector<1x16xf32>
        tpu.vector_store %arg8[%swap3A_231, %swap3A_232], %swap3A_235 {add = true, strides = array<i32>} : memref<16x768xf32, #tpu.memory_space<vmem>>, vector<1x16xf32>,
        %get3A_236 = arith.index_cast %scan3A_192 : i32 to index
        %get3A_237 = arith.constant 80 : index
        %get3A_238 = tpu.vector_load %arg12[%get3A_236, %get3A_237] {strides = array<i32>} : memref<16x768xf32, #tpu.memory_space<vmem>>, vector<1x16xf32>,
        %get3A_239 = vector.shape_cast %get3A_238 : vector<1x16xf32> to vector<16xf32>
        %swap3A_240 = arith.index_cast %scan3A_192 : i32 to index
        %swap3A_241 = arith.constant 80 : index
        %swap3A_242 = tpu.vector_load %arg8[%swap3A_240, %swap3A_241] {strides = array<i32>} : memref<16x768xf32, #tpu.memory_space<vmem>>, vector<1x16xf32>,
        %swap3A_243 = vector.shape_cast %swap3A_242 : vector<1x16xf32> to vector<16xf32>
        %swap3A_244 = vector.shape_cast %get3A_239 : vector<16xf32> to vector<1x16xf32>
        tpu.vector_store %arg8[%swap3A_240, %swap3A_241], %swap3A_244 {add = true, strides = array<i32>} : memref<16x768xf32, #tpu.memory_space<vmem>>, vector<1x16xf32>,
        %get3A_245 = arith.index_cast %scan3A_192 : i32 to index
        %get3A_246 = arith.constant 96 : index
        %get3A_247 = tpu.vector_load %arg12[%get3A_245, %get3A_246] {strides = array<i32>} : memref<16x768xf32, #tpu.memory_space<vmem>>, vector<1x16xf32>,
        %get3A_248 = vector.shape_cast %get3A_247 : vector<1x16xf32> to vector<16xf32>
        %swap3A_249 = arith.index_cast %scan3A_192 : i32 to index
        %swap3A_250 = arith.constant 96 : index
        %swap3A_251 = tpu.vector_load %arg8[%swap3A_249, %swap3A_250] {strides = array<i32>} : memref<16x768xf32, #tpu.memory_space<vmem>>, vector<1x16xf32>,
        %swap3A_252 = vector.shape_cast %swap3A_251 : vector<1x16xf32> to vector<16xf32>
        %swap3A_253 = vector.shape_cast %get3A_248 : vector<16xf32> to vector<1x16xf32>
        tpu.vector_store %arg8[%swap3A_249, %swap3A_250], %swap3A_253 {add = true, strides = array<i32>} : memref<16x768xf32, #tpu.memory_space<vmem>>, vector<1x16xf32>,
        %get3A_254 = arith.index_cast %scan3A_192 : i32 to index
        %get3A_255 = arith.constant 112 : index
        %get3A_256 = tpu.vector_load %arg12[%get3A_254, %get3A_255] {strides = array<i32>} : memref<16x768xf32, #tpu.memory_space<vmem>>, vector<1x16xf32>,
        %get3A_257 = vector.shape_cast %get3A_256 : vector<1x16xf32> to vector<16xf32>
        %swap3A_258 = arith.index_cast %scan3A_192 : i32 to index
        %swap3A_259 = arith.constant 112 : index
        %swap3A_260 = tpu.vector_load %arg8[%swap3A_258, %swap3A_259] {strides = array<i32>} : memref<16x768xf32, #tpu.memory_space<vmem>>, vector<1x16xf32>,
        %swap3A_261 = vector.shape_cast %swap3A_260 : vector<1x16xf32> to vector<16xf32>
        %swap3A_262 = vector.shape_cast %get3A_257 : vector<16xf32> to vector<1x16xf32>
        tpu.vector_store %arg8[%swap3A_258, %swap3A_259], %swap3A_262 {add = true, strides = array<i32>} : memref<16x768xf32, #tpu.memory_space<vmem>>, vector<1x16xf32>,
        %get3A_263 = arith.index_cast %scan3A_192 : i32 to index
        %get3A_264 = arith.constant 128 : index
        %get3A_265 = tpu.vector_load %arg12[%get3A_263, %get3A_264] {strides = array<i32>} : memref<16x768xf32, #tpu.memory_space<vmem>>, vector<1x16xf32>,
        %get3A_266 = vector.shape_cast %get3A_265 : vector<1x16xf32> to vector<16xf32>
        %swap3A_267 = arith.index_cast %scan3A_192 : i32 to index
        %swap3A_268 = arith.constant 128 : index
        %swap3A_269 = tpu.vector_load %arg8[%swap3A_267, %swap3A_268] {strides = array<i32>} : memref<16x768xf32, #tpu.memory_space<vmem>>, vector<1x16xf32>,
        %swap3A_270 = vector.shape_cast %swap3A_269 : vector<1x16xf32> to vector<16xf32>
        %swap3A_271 = vector.shape_cast %get3A_266 : vector<16xf32> to vector<1x16xf32>
        tpu.vector_store %arg8[%swap3A_267, %swap3A_268], %swap3A_271 {add = true, strides = array<i32>} : memref<16x768xf32, #tpu.memory_space<vmem>>, vector<1x16xf32>,
        %get3A_272 = arith.index_cast %scan3A_192 : i32 to index
        %get3A_273 = arith.constant 144 : index
        %get3A_274 = tpu.vector_load %arg12[%get3A_272, %get3A_273] {strides = array<i32>} : memref<16x768xf32, #tpu.memory_space<vmem>>, vector<1x16xf32>,
        %get3A_275 = vector.shape_cast %get3A_274 : vector<1x16xf32> to vector<16xf32>
        %swap3A_276 = arith.index_cast %scan3A_192 : i32 to index
        %swap3A_277 = arith.constant 144 : index
        %swap3A_278 = tpu.vector_load %arg8[%swap3A_276, %swap3A_277] {strides = array<i32>} : memref<16x768xf32, #tpu.memory_space<vmem>>, vector<1x16xf32>,
        %swap3A_279 = vector.shape_cast %swap3A_278 : vector<1x16xf32> to vector<16xf32>
        %swap3A_280 = vector.shape_cast %get3A_275 : vector<16xf32> to vector<1x16xf32>
        tpu.vector_store %arg8[%swap3A_276, %swap3A_277], %swap3A_280 {add = true, strides = array<i32>} : memref<16x768xf32, #tpu.memory_space<vmem>>, vector<1x16xf32>,
        %get3A_281 = arith.index_cast %scan3A_192 : i32 to index
        %get3A_282 = arith.constant 160 : index
        %get3A_283 = tpu.vector_load %arg12[%get3A_281, %get3A_282] {strides = array<i32>} : memref<16x768xf32, #tpu.memory_space<vmem>>, vector<1x16xf32>,
        %get3A_284 = vector.shape_cast %get3A_283 : vector<1x16xf32> to vector<16xf32>
        %swap3A_285 = arith.index_cast %scan3A_192 : i32 to index
        %swap3A_286 = arith.constant 160 : index
        %swap3A_287 = tpu.vector_load %arg8[%swap3A_285, %swap3A_286] {strides = array<i32>} : memref<16x768xf32, #tpu.memory_space<vmem>>, vector<1x16xf32>,
        %swap3A_288 = vector.shape_cast %swap3A_287 : vector<1x16xf32> to vector<16xf32>
        %swap3A_289 = vector.shape_cast %get3A_284 : vector<16xf32> to vector<1x16xf32>
        tpu.vector_store %arg8[%swap3A_285, %swap3A_286], %swap3A_289 {add = true, strides = array<i32>} : memref<16x768xf32, #tpu.memory_space<vmem>>, vector<1x16xf32>,
        %get3A_290 = arith.index_cast %scan3A_192 : i32 to index
        %get3A_291 = arith.constant 176 : index
        %get3A_292 = tpu.vector_load %arg12[%get3A_290, %get3A_291] {strides = array<i32>} : memref<16x768xf32, #tpu.memory_space<vmem>>, vector<1x16xf32>,
        %get3A_293 = vector.shape_cast %get3A_292 : vector<1x16xf32> to vector<16xf32>
        %swap3A_294 = arith.index_cast %scan3A_192 : i32 to index
        %swap3A_295 = arith.constant 176 : index
        %swap3A_296 = tpu.vector_load %arg8[%swap3A_294, %swap3A_295] {strides = array<i32>} : memref<16x768xf32, #tpu.memory_space<vmem>>, vector<1x16xf32>,
        %swap3A_297 = vector.shape_cast %swap3A_296 : vector<1x16xf32> to vector<16xf32>
        %swap3A_298 = vector.shape_cast %get3A_293 : vector<16xf32> to vector<1x16xf32>
        tpu.vector_store %arg8[%swap3A_294, %swap3A_295], %swap3A_298 {add = true, strides = array<i32>} : memref<16x768xf32, #tpu.memory_space<vmem>>, vector<1x16xf32>,
        %get3A_299 = arith.index_cast %scan3A_192 : i32 to index
        %get3A_300 = arith.constant 192 : index
        %get3A_301 = tpu.vector_load %arg12[%get3A_299, %get3A_300] {strides = array<i32>} : memref<16x768xf32, #tpu.memory_space<vmem>>, vector<1x16xf32>,
        %get3A_302 = vector.shape_cast %get3A_301 : vector<1x16xf32> to vector<16xf32>
        %swap3A_303 = arith.index_cast %scan3A_192 : i32 to index
        %swap3A_304 = arith.constant 192 : index
        %swap3A_305 = tpu.vector_load %arg8[%swap3A_303, %swap3A_304] {strides = array<i32>} : memref<16x768xf32, #tpu.memory_space<vmem>>, vector<1x16xf32>,
        %swap3A_306 = vector.shape_cast %swap3A_305 : vector<1x16xf32> to vector<16xf32>
        %swap3A_307 = vector.shape_cast %get3A_302 : vector<16xf32> to vector<1x16xf32>
        tpu.vector_store %arg8[%swap3A_303, %swap3A_304], %swap3A_307 {add = true, strides = array<i32>} : memref<16x768xf32, #tpu.memory_space<vmem>>, vector<1x16xf32>,
        %get3A_308 = arith.index_cast %scan3A_192 : i32 to index
        %get3A_309 = arith.constant 208 : index
        %get3A_310 = tpu.vector_load %arg12[%get3A_308, %get3A_309] {strides = array<i32>} : memref<16x768xf32, #tpu.memory_space<vmem>>, vector<1x16xf32>,
        %get3A_311 = vector.shape_cast %get3A_310 : vector<1x16xf32> to vector<16xf32>
        %swap3A_312 = arith.index_cast %scan3A_192 : i32 to index
        %swap3A_313 = arith.constant 208 : index
        %swap3A_314 = tpu.vector_load %arg8[%swap3A_312, %swap3A_313] {strides = array<i32>} : memref<16x768xf32, #tpu.memory_space<vmem>>, vector<1x16xf32>,
        %swap3A_315 = vector.shape_cast %swap3A_314 : vector<1x16xf32> to vector<16xf32>
        %swap3A_316 = vector.shape_cast %get3A_311 : vector<16xf32> to vector<1x16xf32>
        tpu.vector_store %arg8[%swap3A_312, %swap3A_313], %swap3A_316 {add = true, strides = array<i32>} : memref<16x768xf32, #tpu.memory_space<vmem>>, vector<1x16xf32>,
        %get3A_317 = arith.index_cast %scan3A_192 : i32 to index
        %get3A_318 = arith.constant 224 : index
        %get3A_319 = tpu.vector_load %arg12[%get3A_317, %get3A_318] {strides = array<i32>} : memref<16x768xf32, #tpu.memory_space<vmem>>, vector<1x16xf32>,
        %get3A_320 = vector.shape_cast %get3A_319 : vector<1x16xf32> to vector<16xf32>
        %swap3A_321 = arith.index_cast %scan3A_192 : i32 to index
        %swap3A_322 = arith.constant 224 : index
        %swap3A_323 = tpu.vector_load %arg8[%swap3A_321, %swap3A_322] {strides = array<i32>} : memref<16x768xf32, #tpu.memory_space<vmem>>, vector<1x16xf32>,
        %swap3A_324 = vector.shape_cast %swap3A_323 : vector<1x16xf32> to vector<16xf32>
        %swap3A_325 = vector.shape_cast %get3A_320 : vector<16xf32> to vector<1x16xf32>
        tpu.vector_store %arg8[%swap3A_321, %swap3A_322], %swap3A_325 {add = true, strides = array<i32>} : memref<16x768xf32, #tpu.memory_space<vmem>>, vector<1x16xf32>,
        %get3A_326 = arith.index_cast %scan3A_192 : i32 to index
        %get3A_327 = arith.constant 240 : index
        %get3A_328 = tpu.vector_load %arg12[%get3A_326, %get3A_327] {strides = array<i32>} : memref<16x768xf32, #tpu.memory_space<vmem>>, vector<1x16xf32>,
        %get3A_329 = vector.shape_cast %get3A_328 : vector<1x16xf32> to vector<16xf32>
        %swap3A_330 = arith.index_cast %scan3A_192 : i32 to index
        %swap3A_331 = arith.constant 240 : index
        %swap3A_332 = tpu.vector_load %arg8[%swap3A_330, %swap3A_331] {strides = array<i32>} : memref<16x768xf32, #tpu.memory_space<vmem>>, vector<1x16xf32>,
        %swap3A_333 = vector.shape_cast %swap3A_332 : vector<1x16xf32> to vector<16xf32>
        %swap3A_334 = vector.shape_cast %get3A_329 : vector<16xf32> to vector<1x16xf32>
        tpu.vector_store %arg8[%swap3A_330, %swap3A_331], %swap3A_334 {add = true, strides = array<i32>} : memref<16x768xf32, #tpu.memory_space<vmem>>, vector<1x16xf32>,
        %get3A_335 = arith.index_cast %scan3A_192 : i32 to index
        %get3A_336 = arith.constant 256 : index
        %get3A_337 = tpu.vector_load %arg12[%get3A_335, %get3A_336] {strides = array<i32>} : memref<16x768xf32, #tpu.memory_space<vmem>>, vector<1x16xf32>,
        %get3A_338 = vector.shape_cast %get3A_337 : vector<1x16xf32> to vector<16xf32>
        %swap3A_339 = arith.index_cast %scan3A_192 : i32 to index
        %swap3A_340 = arith.constant 256 : index
        %swap3A_341 = tpu.vector_load %arg8[%swap3A_339, %swap3A_340] {strides = array<i32>} : memref<16x768xf32, #tpu.memory_space<vmem>>, vector<1x16xf32>,
        %swap3A_342 = vector.shape_cast %swap3A_341 : vector<1x16xf32> to vector<16xf32>
        %swap3A_343 = vector.shape_cast %get3A_338 : vector<16xf32> to vector<1x16xf32>
        tpu.vector_store %arg8[%swap3A_339, %swap3A_340], %swap3A_343 {add = true, strides = array<i32>} : memref<16x768xf32, #tpu.memory_space<vmem>>, vector<1x16xf32>,
        %get3A_344 = arith.index_cast %scan3A_192 : i32 to index
        %get3A_345 = arith.constant 272 : index
        %get3A_346 = tpu.vector_load %arg12[%get3A_344, %get3A_345] {strides = array<i32>} : memref<16x768xf32, #tpu.memory_space<vmem>>, vector<1x16xf32>,
        %get3A_347 = vector.shape_cast %get3A_346 : vector<1x16xf32> to vector<16xf32>
        %swap3A_348 = arith.index_cast %scan3A_192 : i32 to index
        %swap3A_349 = arith.constant 272 : index
        %swap3A_350 = tpu.vector_load %arg8[%swap3A_348, %swap3A_349] {strides = array<i32>} : memref<16x768xf32, #tpu.memory_space<vmem>>, vector<1x16xf32>,
        %swap3A_351 = vector.shape_cast %swap3A_350 : vector<1x16xf32> to vector<16xf32>
        %swap3A_352 = vector.shape_cast %get3A_347 : vector<16xf32> to vector<1x16xf32>
        tpu.vector_store %arg8[%swap3A_348, %swap3A_349], %swap3A_352 {add = true, strides = array<i32>} : memref<16x768xf32, #tpu.memory_space<vmem>>, vector<1x16xf32>,
        %get3A_353 = arith.index_cast %scan3A_192 : i32 to index
        %get3A_354 = arith.constant 288 : index
        %get3A_355 = tpu.vector_load %arg12[%get3A_353, %get3A_354] {strides = array<i32>} : memref<16x768xf32, #tpu.memory_space<vmem>>, vector<1x16xf32>,
        %get3A_356 = vector.shape_cast %get3A_355 : vector<1x16xf32> to vector<16xf32>
        %swap3A_357 = arith.index_cast %scan3A_192 : i32 to index
        %swap3A_358 = arith.constant 288 : index
        %swap3A_359 = tpu.vector_load %arg8[%swap3A_357, %swap3A_358] {strides = array<i32>} : memref<16x768xf32, #tpu.memory_space<vmem>>, vector<1x16xf32>,
        %swap3A_360 = vector.shape_cast %swap3A_359 : vector<1x16xf32> to vector<16xf32>
        %swap3A_361 = vector.shape_cast %get3A_356 : vector<16xf32> to vector<1x16xf32>
        tpu.vector_store %arg8[%swap3A_357, %swap3A_358], %swap3A_361 {add = true, strides = array<i32>} : memref<16x768xf32, #tpu.memory_space<vmem>>, vector<1x16xf32>,
        %get3A_362 = arith.index_cast %scan3A_192 : i32 to index
        %get3A_363 = arith.constant 304 : index
        %get3A_364 = tpu.vector_load %arg12[%get3A_362, %get3A_363] {strides = array<i32>} : memref<16x768xf32, #tpu.memory_space<vmem>>, vector<1x16xf32>,
        %get3A_365 = vector.shape_cast %get3A_364 : vector<1x16xf32> to vector<16xf32>
        %swap3A_366 = arith.index_cast %scan3A_192 : i32 to index
        %swap3A_367 = arith.constant 304 : index
        %swap3A_368 = tpu.vector_load %arg8[%swap3A_366, %swap3A_367] {strides = array<i32>} : memref<16x768xf32, #tpu.memory_space<vmem>>, vector<1x16xf32>,
        %swap3A_369 = vector.shape_cast %swap3A_368 : vector<1x16xf32> to vector<16xf32>
        %swap3A_370 = vector.shape_cast %get3A_365 : vector<16xf32> to vector<1x16xf32>
        tpu.vector_store %arg8[%swap3A_366, %swap3A_367], %swap3A_370 {add = true, strides = array<i32>} : memref<16x768xf32, #tpu.memory_space<vmem>>, vector<1x16xf32>,
        %get3A_371 = arith.index_cast %scan3A_192 : i32 to index
        %get3A_372 = arith.constant 320 : index
        %get3A_373 = tpu.vector_load %arg12[%get3A_371, %get3A_372] {strides = array<i32>} : memref<16x768xf32, #tpu.memory_space<vmem>>, vector<1x16xf32>,
        %get3A_374 = vector.shape_cast %get3A_373 : vector<1x16xf32> to vector<16xf32>
        %swap3A_375 = arith.index_cast %scan3A_192 : i32 to index
        %swap3A_376 = arith.constant 320 : index
        %swap3A_377 = tpu.vector_load %arg8[%swap3A_375, %swap3A_376] {strides = array<i32>} : memref<16x768xf32, #tpu.memory_space<vmem>>, vector<1x16xf32>,
        %swap3A_378 = vector.shape_cast %swap3A_377 : vector<1x16xf32> to vector<16xf32>
        %swap3A_379 = vector.shape_cast %get3A_374 : vector<16xf32> to vector<1x16xf32>
        tpu.vector_store %arg8[%swap3A_375, %swap3A_376], %swap3A_379 {add = true, strides = array<i32>} : memref<16x768xf32, #tpu.memory_space<vmem>>, vector<1x16xf32>,
        %get3A_380 = arith.index_cast %scan3A_192 : i32 to index
        %get3A_381 = arith.constant 336 : index
        %get3A_382 = tpu.vector_load %arg12[%get3A_380, %get3A_381] {strides = array<i32>} : memref<16x768xf32, #tpu.memory_space<vmem>>, vector<1x16xf32>,
        %get3A_383 = vector.shape_cast %get3A_382 : vector<1x16xf32> to vector<16xf32>
        %swap3A_384 = arith.index_cast %scan3A_192 : i32 to index
        %swap3A_385 = arith.constant 336 : index
        %swap3A_386 = tpu.vector_load %arg8[%swap3A_384, %swap3A_385] {strides = array<i32>} : memref<16x768xf32, #tpu.memory_space<vmem>>, vector<1x16xf32>,
        %swap3A_387 = vector.shape_cast %swap3A_386 : vector<1x16xf32> to vector<16xf32>
        %swap3A_388 = vector.shape_cast %get3A_383 : vector<16xf32> to vector<1x16xf32>
        tpu.vector_store %arg8[%swap3A_384, %swap3A_385], %swap3A_388 {add = true, strides = array<i32>} : memref<16x768xf32, #tpu.memory_space<vmem>>, vector<1x16xf32>,
        %get3A_389 = arith.index_cast %scan3A_192 : i32 to index
        %get3A_390 = arith.constant 352 : index
        %get3A_391 = tpu.vector_load %arg12[%get3A_389, %get3A_390] {strides = array<i32>} : memref<16x768xf32, #tpu.memory_space<vmem>>, vector<1x16xf32>,
        %get3A_392 = vector.shape_cast %get3A_391 : vector<1x16xf32> to vector<16xf32>
        %swap3A_393 = arith.index_cast %scan3A_192 : i32 to index
        %swap3A_394 = arith.constant 352 : index
        %swap3A_395 = tpu.vector_load %arg8[%swap3A_393, %swap3A_394] {strides = array<i32>} : memref<16x768xf32, #tpu.memory_space<vmem>>, vector<1x16xf32>,
        %swap3A_396 = vector.shape_cast %swap3A_395 : vector<1x16xf32> to vector<16xf32>
        %swap3A_397 = vector.shape_cast %get3A_392 : vector<16xf32> to vector<1x16xf32>
        tpu.vector_store %arg8[%swap3A_393, %swap3A_394], %swap3A_397 {add = true, strides = array<i32>} : memref<16x768xf32, #tpu.memory_space<vmem>>, vector<1x16xf32>,
        %get3A_398 = arith.index_cast %scan3A_192 : i32 to index
        %get3A_399 = arith.constant 368 : index
        %get3A_400 = tpu.vector_load %arg12[%get3A_398, %get3A_399] {strides = array<i32>} : memref<16x768xf32, #tpu.memory_space<vmem>>, vector<1x16xf32>,
        %get3A_401 = vector.shape_cast %get3A_400 : vector<1x16xf32> to vector<16xf32>
        %swap3A_402 = arith.index_cast %scan3A_192 : i32 to index
        %swap3A_403 = arith.constant 368 : index
        %swap3A_404 = tpu.vector_load %arg8[%swap3A_402, %swap3A_403] {strides = array<i32>} : memref<16x768xf32, #tpu.memory_space<vmem>>, vector<1x16xf32>,
        %swap3A_405 = vector.shape_cast %swap3A_404 : vector<1x16xf32> to vector<16xf32>
        %swap3A_406 = vector.shape_cast %get3A_401 : vector<16xf32> to vector<1x16xf32>
        tpu.vector_store %arg8[%swap3A_402, %swap3A_403], %swap3A_406 {add = true, strides = array<i32>} : memref<16x768xf32, #tpu.memory_space<vmem>>, vector<1x16xf32>,
        %get3A_407 = arith.index_cast %scan3A_192 : i32 to index
        %get3A_408 = arith.constant 384 : index
        %get3A_409 = tpu.vector_load %arg12[%get3A_407, %get3A_408] {strides = array<i32>} : memref<16x768xf32, #tpu.memory_space<vmem>>, vector<1x16xf32>,
        %get3A_410 = vector.shape_cast %get3A_409 : vector<1x16xf32> to vector<16xf32>
        %swap3A_411 = arith.index_cast %scan3A_192 : i32 to index
        %swap3A_412 = arith.constant 384 : index
        %swap3A_413 = tpu.vector_load %arg8[%swap3A_411, %swap3A_412] {strides = array<i32>} : memref<16x768xf32, #tpu.memory_space<vmem>>, vector<1x16xf32>,
        %swap3A_414 = vector.shape_cast %swap3A_413 : vector<1x16xf32> to vector<16xf32>
        %swap3A_415 = vector.shape_cast %get3A_410 : vector<16xf32> to vector<1x16xf32>
        tpu.vector_store %arg8[%swap3A_411, %swap3A_412], %swap3A_415 {add = true, strides = array<i32>} : memref<16x768xf32, #tpu.memory_space<vmem>>, vector<1x16xf32>,
        %get3A_416 = arith.index_cast %scan3A_192 : i32 to index
        %get3A_417 = arith.constant 400 : index
        %get3A_418 = tpu.vector_load %arg12[%get3A_416, %get3A_417] {strides = array<i32>} : memref<16x768xf32, #tpu.memory_space<vmem>>, vector<1x16xf32>,
        %get3A_419 = vector.shape_cast %get3A_418 : vector<1x16xf32> to vector<16xf32>
        %swap3A_420 = arith.index_cast %scan3A_192 : i32 to index
        %swap3A_421 = arith.constant 400 : index
        %swap3A_422 = tpu.vector_load %arg8[%swap3A_420, %swap3A_421] {strides = array<i32>} : memref<16x768xf32, #tpu.memory_space<vmem>>, vector<1x16xf32>,
        %swap3A_423 = vector.shape_cast %swap3A_422 : vector<1x16xf32> to vector<16xf32>
        %swap3A_424 = vector.shape_cast %get3A_419 : vector<16xf32> to vector<1x16xf32>
        tpu.vector_store %arg8[%swap3A_420, %swap3A_421], %swap3A_424 {add = true, strides = array<i32>} : memref<16x768xf32, #tpu.memory_space<vmem>>, vector<1x16xf32>,
        %get3A_425 = arith.index_cast %scan3A_192 : i32 to index
        %get3A_426 = arith.constant 416 : index
        %get3A_427 = tpu.vector_load %arg12[%get3A_425, %get3A_426] {strides = array<i32>} : memref<16x768xf32, #tpu.memory_space<vmem>>, vector<1x16xf32>,
        %get3A_428 = vector.shape_cast %get3A_427 : vector<1x16xf32> to vector<16xf32>
        %swap3A_429 = arith.index_cast %scan3A_192 : i32 to index
        %swap3A_430 = arith.constant 416 : index
        %swap3A_431 = tpu.vector_load %arg8[%swap3A_429, %swap3A_430] {strides = array<i32>} : memref<16x768xf32, #tpu.memory_space<vmem>>, vector<1x16xf32>,
        %swap3A_432 = vector.shape_cast %swap3A_431 : vector<1x16xf32> to vector<16xf32>
        %swap3A_433 = vector.shape_cast %get3A_428 : vector<16xf32> to vector<1x16xf32>
        tpu.vector_store %arg8[%swap3A_429, %swap3A_430], %swap3A_433 {add = true, strides = array<i32>} : memref<16x768xf32, #tpu.memory_space<vmem>>, vector<1x16xf32>,
        %get3A_434 = arith.index_cast %scan3A_192 : i32 to index
        %get3A_435 = arith.constant 432 : index
        %get3A_436 = tpu.vector_load %arg12[%get3A_434, %get3A_435] {strides = array<i32>} : memref<16x768xf32, #tpu.memory_space<vmem>>, vector<1x16xf32>,
        %get3A_437 = vector.shape_cast %get3A_436 : vector<1x16xf32> to vector<16xf32>
        %swap3A_438 = arith.index_cast %scan3A_192 : i32 to index
        %swap3A_439 = arith.constant 432 : index
        %swap3A_440 = tpu.vector_load %arg8[%swap3A_438, %swap3A_439] {strides = array<i32>} : memref<16x768xf32, #tpu.memory_space<vmem>>, vector<1x16xf32>,
        %swap3A_441 = vector.shape_cast %swap3A_440 : vector<1x16xf32> to vector<16xf32>
        %swap3A_442 = vector.shape_cast %get3A_437 : vector<16xf32> to vector<1x16xf32>
        tpu.vector_store %arg8[%swap3A_438, %swap3A_439], %swap3A_442 {add = true, strides = array<i32>} : memref<16x768xf32, #tpu.memory_space<vmem>>, vector<1x16xf32>,
        %get3A_443 = arith.index_cast %scan3A_192 : i32 to index
        %get3A_444 = arith.constant 448 : index
        %get3A_445 = tpu.vector_load %arg12[%get3A_443, %get3A_444] {strides = array<i32>} : memref<16x768xf32, #tpu.memory_space<vmem>>, vector<1x16xf32>,
        %get3A_446 = vector.shape_cast %get3A_445 : vector<1x16xf32> to vector<16xf32>
        %swap3A_447 = arith.index_cast %scan3A_192 : i32 to index
        %swap3A_448 = arith.constant 448 : index
        %swap3A_449 = tpu.vector_load %arg8[%swap3A_447, %swap3A_448] {strides = array<i32>} : memref<16x768xf32, #tpu.memory_space<vmem>>, vector<1x16xf32>,
        %swap3A_450 = vector.shape_cast %swap3A_449 : vector<1x16xf32> to vector<16xf32>
        %swap3A_451 = vector.shape_cast %get3A_446 : vector<16xf32> to vector<1x16xf32>
        tpu.vector_store %arg8[%swap3A_447, %swap3A_448], %swap3A_451 {add = true, strides = array<i32>} : memref<16x768xf32, #tpu.memory_space<vmem>>, vector<1x16xf32>,
        %get3A_452 = arith.index_cast %scan3A_192 : i32 to index
        %get3A_453 = arith.constant 464 : index
        %get3A_454 = tpu.vector_load %arg12[%get3A_452, %get3A_453] {strides = array<i32>} : memref<16x768xf32, #tpu.memory_space<vmem>>, vector<1x16xf32>,
        %get3A_455 = vector.shape_cast %get3A_454 : vector<1x16xf32> to vector<16xf32>
        %swap3A_456 = arith.index_cast %scan3A_192 : i32 to index
        %swap3A_457 = arith.constant 464 : index
        %swap3A_458 = tpu.vector_load %arg8[%swap3A_456, %swap3A_457] {strides = array<i32>} : memref<16x768xf32, #tpu.memory_space<vmem>>, vector<1x16xf32>,
        %swap3A_459 = vector.shape_cast %swap3A_458 : vector<1x16xf32> to vector<16xf32>
        %swap3A_460 = vector.shape_cast %get3A_455 : vector<16xf32> to vector<1x16xf32>
        tpu.vector_store %arg8[%swap3A_456, %swap3A_457], %swap3A_460 {add = true, strides = array<i32>} : memref<16x768xf32, #tpu.memory_space<vmem>>, vector<1x16xf32>,
        %get3A_461 = arith.index_cast %scan3A_192 : i32 to index
        %get3A_462 = arith.constant 480 : index
        %get3A_463 = tpu.vector_load %arg12[%get3A_461, %get3A_462] {strides = array<i32>} : memref<16x768xf32, #tpu.memory_space<vmem>>, vector<1x16xf32>,
        %get3A_464 = vector.shape_cast %get3A_463 : vector<1x16xf32> to vector<16xf32>
        %swap3A_465 = arith.index_cast %scan3A_192 : i32 to index
        %swap3A_466 = arith.constant 480 : index
        %swap3A_467 = tpu.vector_load %arg8[%swap3A_465, %swap3A_466] {strides = array<i32>} : memref<16x768xf32, #tpu.memory_space<vmem>>, vector<1x16xf32>,
        %swap3A_468 = vector.shape_cast %swap3A_467 : vector<1x16xf32> to vector<16xf32>
        %swap3A_469 = vector.shape_cast %get3A_464 : vector<16xf32> to vector<1x16xf32>
        tpu.vector_store %arg8[%swap3A_465, %swap3A_466], %swap3A_469 {add = true, strides = array<i32>} : memref<16x768xf32, #tpu.memory_space<vmem>>, vector<1x16xf32>,
        %get3A_470 = arith.index_cast %scan3A_192 : i32 to index
        %get3A_471 = arith.constant 496 : index
        %get3A_472 = tpu.vector_load %arg12[%get3A_470, %get3A_471] {strides = array<i32>} : memref<16x768xf32, #tpu.memory_space<vmem>>, vector<1x16xf32>,
        %get3A_473 = vector.shape_cast %get3A_472 : vector<1x16xf32> to vector<16xf32>
        %swap3A_474 = arith.index_cast %scan3A_192 : i32 to index
        %swap3A_475 = arith.constant 496 : index
        %swap3A_476 = tpu.vector_load %arg8[%swap3A_474, %swap3A_475] {strides = array<i32>} : memref<16x768xf32, #tpu.memory_space<vmem>>, vector<1x16xf32>,
        %swap3A_477 = vector.shape_cast %swap3A_476 : vector<1x16xf32> to vector<16xf32>
        %swap3A_478 = vector.shape_cast %get3A_473 : vector<16xf32> to vector<1x16xf32>
        tpu.vector_store %arg8[%swap3A_474, %swap3A_475], %swap3A_478 {add = true, strides = array<i32>} : memref<16x768xf32, #tpu.memory_space<vmem>>, vector<1x16xf32>,
        %get3A_479 = arith.index_cast %scan3A_192 : i32 to index
        %get3A_480 = arith.constant 512 : index
        %get3A_481 = tpu.vector_load %arg12[%get3A_479, %get3A_480] {strides = array<i32>} : memref<16x768xf32, #tpu.memory_space<vmem>>, vector<1x16xf32>,
        %get3A_482 = vector.shape_cast %get3A_481 : vector<1x16xf32> to vector<16xf32>
        %swap3A_483 = arith.index_cast %scan3A_192 : i32 to index
        %swap3A_484 = arith.constant 512 : index
        %swap3A_485 = tpu.vector_load %arg8[%swap3A_483, %swap3A_484] {strides = array<i32>} : memref<16x768xf32, #tpu.memory_space<vmem>>, vector<1x16xf32>,
        %swap3A_486 = vector.shape_cast %swap3A_485 : vector<1x16xf32> to vector<16xf32>
        %swap3A_487 = vector.shape_cast %get3A_482 : vector<16xf32> to vector<1x16xf32>
        tpu.vector_store %arg8[%swap3A_483, %swap3A_484], %swap3A_487 {add = true, strides = array<i32>} : memref<16x768xf32, #tpu.memory_space<vmem>>, vector<1x16xf32>,
        %get3A_488 = arith.index_cast %scan3A_192 : i32 to index
        %get3A_489 = arith.constant 528 : index
        %get3A_490 = tpu.vector_load %arg12[%get3A_488, %get3A_489] {strides = array<i32>} : memref<16x768xf32, #tpu.memory_space<vmem>>, vector<1x16xf32>,
        %get3A_491 = vector.shape_cast %get3A_490 : vector<1x16xf32> to vector<16xf32>
        %swap3A_492 = arith.index_cast %scan3A_192 : i32 to index
        %swap3A_493 = arith.constant 528 : index
        %swap3A_494 = tpu.vector_load %arg8[%swap3A_492, %swap3A_493] {strides = array<i32>} : memref<16x768xf32, #tpu.memory_space<vmem>>, vector<1x16xf32>,
        %swap3A_495 = vector.shape_cast %swap3A_494 : vector<1x16xf32> to vector<16xf32>
        %swap3A_496 = vector.shape_cast %get3A_491 : vector<16xf32> to vector<1x16xf32>
        tpu.vector_store %arg8[%swap3A_492, %swap3A_493], %swap3A_496 {add = true, strides = array<i32>} : memref<16x768xf32, #tpu.memory_space<vmem>>, vector<1x16xf32>,
        %get3A_497 = arith.index_cast %scan3A_192 : i32 to index
        %get3A_498 = arith.constant 544 : index
        %get3A_499 = tpu.vector_load %arg12[%get3A_497, %get3A_498] {strides = array<i32>} : memref<16x768xf32, #tpu.memory_space<vmem>>, vector<1x16xf32>,
        %get3A_500 = vector.shape_cast %get3A_499 : vector<1x16xf32> to vector<16xf32>
        %swap3A_501 = arith.index_cast %scan3A_192 : i32 to index
        %swap3A_502 = arith.constant 544 : index
        %swap3A_503 = tpu.vector_load %arg8[%swap3A_501, %swap3A_502] {strides = array<i32>} : memref<16x768xf32, #tpu.memory_space<vmem>>, vector<1x16xf32>,
        %swap3A_504 = vector.shape_cast %swap3A_503 : vector<1x16xf32> to vector<16xf32>
        %swap3A_505 = vector.shape_cast %get3A_500 : vector<16xf32> to vector<1x16xf32>
        tpu.vector_store %arg8[%swap3A_501, %swap3A_502], %swap3A_505 {add = true, strides = array<i32>} : memref<16x768xf32, #tpu.memory_space<vmem>>, vector<1x16xf32>,
        %get3A_506 = arith.index_cast %scan3A_192 : i32 to index
        %get3A_507 = arith.constant 560 : index
        %get3A_508 = tpu.vector_load %arg12[%get3A_506, %get3A_507] {strides = array<i32>} : memref<16x768xf32, #tpu.memory_space<vmem>>, vector<1x16xf32>,
        %get3A_509 = vector.shape_cast %get3A_508 : vector<1x16xf32> to vector<16xf32>
        %swap3A_510 = arith.index_cast %scan3A_192 : i32 to index
        %swap3A_511 = arith.constant 560 : index
        %swap3A_512 = tpu.vector_load %arg8[%swap3A_510, %swap3A_511] {strides = array<i32>} : memref<16x768xf32, #tpu.memory_space<vmem>>, vector<1x16xf32>,
        %swap3A_513 = vector.shape_cast %swap3A_512 : vector<1x16xf32> to vector<16xf32>
        %swap3A_514 = vector.shape_cast %get3A_509 : vector<16xf32> to vector<1x16xf32>
        tpu.vector_store %arg8[%swap3A_510, %swap3A_511], %swap3A_514 {add = true, strides = array<i32>} : memref<16x768xf32, #tpu.memory_space<vmem>>, vector<1x16xf32>,
        %get3A_515 = arith.index_cast %scan3A_192 : i32 to index
        %get3A_516 = arith.constant 576 : index
        %get3A_517 = tpu.vector_load %arg12[%get3A_515, %get3A_516] {strides = array<i32>} : memref<16x768xf32, #tpu.memory_space<vmem>>, vector<1x16xf32>,
        %get3A_518 = vector.shape_cast %get3A_517 : vector<1x16xf32> to vector<16xf32>
        %swap3A_519 = arith.index_cast %scan3A_192 : i32 to index
        %swap3A_520 = arith.constant 576 : index
        %swap3A_521 = tpu.vector_load %arg8[%swap3A_519, %swap3A_520] {strides = array<i32>} : memref<16x768xf32, #tpu.memory_space<vmem>>, vector<1x16xf32>,
        %swap3A_522 = vector.shape_cast %swap3A_521 : vector<1x16xf32> to vector<16xf32>
        %swap3A_523 = vector.shape_cast %get3A_518 : vector<16xf32> to vector<1x16xf32>
        tpu.vector_store %arg8[%swap3A_519, %swap3A_520], %swap3A_523 {add = true, strides = array<i32>} : memref<16x768xf32, #tpu.memory_space<vmem>>, vector<1x16xf32>,
        %get3A_524 = arith.index_cast %scan3A_192 : i32 to index
        %get3A_525 = arith.constant 592 : index
        %get3A_526 = tpu.vector_load %arg12[%get3A_524, %get3A_525] {strides = array<i32>} : memref<16x768xf32, #tpu.memory_space<vmem>>, vector<1x16xf32>,
        %get3A_527 = vector.shape_cast %get3A_526 : vector<1x16xf32> to vector<16xf32>
        %swap3A_528 = arith.index_cast %scan3A_192 : i32 to index
        %swap3A_529 = arith.constant 592 : index
        %swap3A_530 = tpu.vector_load %arg8[%swap3A_528, %swap3A_529] {strides = array<i32>} : memref<16x768xf32, #tpu.memory_space<vmem>>, vector<1x16xf32>,
        %swap3A_531 = vector.shape_cast %swap3A_530 : vector<1x16xf32> to vector<16xf32>
        %swap3A_532 = vector.shape_cast %get3A_527 : vector<16xf32> to vector<1x16xf32>
        tpu.vector_store %arg8[%swap3A_528, %swap3A_529], %swap3A_532 {add = true, strides = array<i32>} : memref<16x768xf32, #tpu.memory_space<vmem>>, vector<1x16xf32>,
        %get3A_533 = arith.index_cast %scan3A_192 : i32 to index
        %get3A_534 = arith.constant 608 : index
        %get3A_535 = tpu.vector_load %arg12[%get3A_533, %get3A_534] {strides = array<i32>} : memref<16x768xf32, #tpu.memory_space<vmem>>, vector<1x16xf32>,
        %get3A_536 = vector.shape_cast %get3A_535 : vector<1x16xf32> to vector<16xf32>
        %swap3A_537 = arith.index_cast %scan3A_192 : i32 to index
        %swap3A_538 = arith.constant 608 : index
        %swap3A_539 = tpu.vector_load %arg8[%swap3A_537, %swap3A_538] {strides = array<i32>} : memref<16x768xf32, #tpu.memory_space<vmem>>, vector<1x16xf32>,
        %swap3A_540 = vector.shape_cast %swap3A_539 : vector<1x16xf32> to vector<16xf32>
        %swap3A_541 = vector.shape_cast %get3A_536 : vector<16xf32> to vector<1x16xf32>
        tpu.vector_store %arg8[%swap3A_537, %swap3A_538], %swap3A_541 {add = true, strides = array<i32>} : memref<16x768xf32, #tpu.memory_space<vmem>>, vector<1x16xf32>,
        %get3A_542 = arith.index_cast %scan3A_192 : i32 to index
        %get3A_543 = arith.constant 624 : index
        %get3A_544 = tpu.vector_load %arg12[%get3A_542, %get3A_543] {strides = array<i32>} : memref<16x768xf32, #tpu.memory_space<vmem>>, vector<1x16xf32>,
        %get3A_545 = vector.shape_cast %get3A_544 : vector<1x16xf32> to vector<16xf32>
        %swap3A_546 = arith.index_cast %scan3A_192 : i32 to index
        %swap3A_547 = arith.constant 624 : index
        %swap3A_548 = tpu.vector_load %arg8[%swap3A_546, %swap3A_547] {strides = array<i32>} : memref<16x768xf32, #tpu.memory_space<vmem>>, vector<1x16xf32>,
        %swap3A_549 = vector.shape_cast %swap3A_548 : vector<1x16xf32> to vector<16xf32>
        %swap3A_550 = vector.shape_cast %get3A_545 : vector<16xf32> to vector<1x16xf32>
        tpu.vector_store %arg8[%swap3A_546, %swap3A_547], %swap3A_550 {add = true, strides = array<i32>} : memref<16x768xf32, #tpu.memory_space<vmem>>, vector<1x16xf32>,
        %get3A_551 = arith.index_cast %scan3A_192 : i32 to index
        %get3A_552 = arith.constant 640 : index
        %get3A_553 = tpu.vector_load %arg12[%get3A_551, %get3A_552] {strides = array<i32>} : memref<16x768xf32, #tpu.memory_space<vmem>>, vector<1x16xf32>,
        %get3A_554 = vector.shape_cast %get3A_553 : vector<1x16xf32> to vector<16xf32>
        %swap3A_555 = arith.index_cast %scan3A_192 : i32 to index
        %swap3A_556 = arith.constant 640 : index
        %swap3A_557 = tpu.vector_load %arg8[%swap3A_555, %swap3A_556] {strides = array<i32>} : memref<16x768xf32, #tpu.memory_space<vmem>>, vector<1x16xf32>,
        %swap3A_558 = vector.shape_cast %swap3A_557 : vector<1x16xf32> to vector<16xf32>
        %swap3A_559 = vector.shape_cast %get3A_554 : vector<16xf32> to vector<1x16xf32>
        tpu.vector_store %arg8[%swap3A_555, %swap3A_556], %swap3A_559 {add = true, strides = array<i32>} : memref<16x768xf32, #tpu.memory_space<vmem>>, vector<1x16xf32>,
        %get3A_560 = arith.index_cast %scan3A_192 : i32 to index
        %get3A_561 = arith.constant 656 : index
        %get3A_562 = tpu.vector_load %arg12[%get3A_560, %get3A_561] {strides = array<i32>} : memref<16x768xf32, #tpu.memory_space<vmem>>, vector<1x16xf32>,
        %get3A_563 = vector.shape_cast %get3A_562 : vector<1x16xf32> to vector<16xf32>
        %swap3A_564 = arith.index_cast %scan3A_192 : i32 to index
        %swap3A_565 = arith.constant 656 : index
        %swap3A_566 = tpu.vector_load %arg8[%swap3A_564, %swap3A_565] {strides = array<i32>} : memref<16x768xf32, #tpu.memory_space<vmem>>, vector<1x16xf32>,
        %swap3A_567 = vector.shape_cast %swap3A_566 : vector<1x16xf32> to vector<16xf32>
        %swap3A_568 = vector.shape_cast %get3A_563 : vector<16xf32> to vector<1x16xf32>
        tpu.vector_store %arg8[%swap3A_564, %swap3A_565], %swap3A_568 {add = true, strides = array<i32>} : memref<16x768xf32, #tpu.memory_space<vmem>>, vector<1x16xf32>,
        %get3A_569 = arith.index_cast %scan3A_192 : i32 to index
        %get3A_570 = arith.constant 672 : index
        %get3A_571 = tpu.vector_load %arg12[%get3A_569, %get3A_570] {strides = array<i32>} : memref<16x768xf32, #tpu.memory_space<vmem>>, vector<1x16xf32>,
        %get3A_572 = vector.shape_cast %get3A_571 : vector<1x16xf32> to vector<16xf32>
        %swap3A_573 = arith.index_cast %scan3A_192 : i32 to index
        %swap3A_574 = arith.constant 672 : index
        %swap3A_575 = tpu.vector_load %arg8[%swap3A_573, %swap3A_574] {strides = array<i32>} : memref<16x768xf32, #tpu.memory_space<vmem>>, vector<1x16xf32>,
        %swap3A_576 = vector.shape_cast %swap3A_575 : vector<1x16xf32> to vector<16xf32>
        %swap3A_577 = vector.shape_cast %get3A_572 : vector<16xf32> to vector<1x16xf32>
        tpu.vector_store %arg8[%swap3A_573, %swap3A_574], %swap3A_577 {add = true, strides = array<i32>} : memref<16x768xf32, #tpu.memory_space<vmem>>, vector<1x16xf32>,
        %get3A_578 = arith.index_cast %scan3A_192 : i32 to index
        %get3A_579 = arith.constant 688 : index
        %get3A_580 = tpu.vector_load %arg12[%get3A_578, %get3A_579] {strides = array<i32>} : memref<16x768xf32, #tpu.memory_space<vmem>>, vector<1x16xf32>,
        %get3A_581 = vector.shape_cast %get3A_580 : vector<1x16xf32> to vector<16xf32>
        %swap3A_582 = arith.index_cast %scan3A_192 : i32 to index
        %swap3A_583 = arith.constant 688 : index
        %swap3A_584 = tpu.vector_load %arg8[%swap3A_582, %swap3A_583] {strides = array<i32>} : memref<16x768xf32, #tpu.memory_space<vmem>>, vector<1x16xf32>,
        %swap3A_585 = vector.shape_cast %swap3A_584 : vector<1x16xf32> to vector<16xf32>
        %swap3A_586 = vector.shape_cast %get3A_581 : vector<16xf32> to vector<1x16xf32>
        tpu.vector_store %arg8[%swap3A_582, %swap3A_583], %swap3A_586 {add = true, strides = array<i32>} : memref<16x768xf32, #tpu.memory_space<vmem>>, vector<1x16xf32>,
        %get3A_587 = arith.index_cast %scan3A_192 : i32 to index
        %get3A_588 = arith.constant 704 : index
        %get3A_589 = tpu.vector_load %arg12[%get3A_587, %get3A_588] {strides = array<i32>} : memref<16x768xf32, #tpu.memory_space<vmem>>, vector<1x16xf32>,
        %get3A_590 = vector.shape_cast %get3A_589 : vector<1x16xf32> to vector<16xf32>
        %swap3A_591 = arith.index_cast %scan3A_192 : i32 to index
        %swap3A_592 = arith.constant 704 : index
        %swap3A_593 = tpu.vector_load %arg8[%swap3A_591, %swap3A_592] {strides = array<i32>} : memref<16x768xf32, #tpu.memory_space<vmem>>, vector<1x16xf32>,
        %swap3A_594 = vector.shape_cast %swap3A_593 : vector<1x16xf32> to vector<16xf32>
        %swap3A_595 = vector.shape_cast %get3A_590 : vector<16xf32> to vector<1x16xf32>
        tpu.vector_store %arg8[%swap3A_591, %swap3A_592], %swap3A_595 {add = true, strides = array<i32>} : memref<16x768xf32, #tpu.memory_space<vmem>>, vector<1x16xf32>,
        %get3A_596 = arith.index_cast %scan3A_192 : i32 to index
        %get3A_597 = arith.constant 720 : index
        %get3A_598 = tpu.vector_load %arg12[%get3A_596, %get3A_597] {strides = array<i32>} : memref<16x768xf32, #tpu.memory_space<vmem>>, vector<1x16xf32>,
        %get3A_599 = vector.shape_cast %get3A_598 : vector<1x16xf32> to vector<16xf32>
        %swap3A_600 = arith.index_cast %scan3A_192 : i32 to index
        %swap3A_601 = arith.constant 720 : index
        %swap3A_602 = tpu.vector_load %arg8[%swap3A_600, %swap3A_601] {strides = array<i32>} : memref<16x768xf32, #tpu.memory_space<vmem>>, vector<1x16xf32>,
        %swap3A_603 = vector.shape_cast %swap3A_602 : vector<1x16xf32> to vector<16xf32>
        %swap3A_604 = vector.shape_cast %get3A_599 : vector<16xf32> to vector<1x16xf32>
        tpu.vector_store %arg8[%swap3A_600, %swap3A_601], %swap3A_604 {add = true, strides = array<i32>} : memref<16x768xf32, #tpu.memory_space<vmem>>, vector<1x16xf32>,
        %get3A_605 = arith.index_cast %scan3A_192 : i32 to index
        %get3A_606 = arith.constant 736 : index
        %get3A_607 = tpu.vector_load %arg12[%get3A_605, %get3A_606] {strides = array<i32>} : memref<16x768xf32, #tpu.memory_space<vmem>>, vector<1x16xf32>,
        %get3A_608 = vector.shape_cast %get3A_607 : vector<1x16xf32> to vector<16xf32>
        %swap3A_609 = arith.index_cast %scan3A_192 : i32 to index
        %swap3A_610 = arith.constant 736 : index
        %swap3A_611 = tpu.vector_load %arg8[%swap3A_609, %swap3A_610] {strides = array<i32>} : memref<16x768xf32, #tpu.memory_space<vmem>>, vector<1x16xf32>,
        %swap3A_612 = vector.shape_cast %swap3A_611 : vector<1x16xf32> to vector<16xf32>
        %swap3A_613 = vector.shape_cast %get3A_608 : vector<16xf32> to vector<1x16xf32>
        tpu.vector_store %arg8[%swap3A_609, %swap3A_610], %swap3A_613 {add = true, strides = array<i32>} : memref<16x768xf32, #tpu.memory_space<vmem>>, vector<1x16xf32>,
        %get3A_614 = arith.index_cast %scan3A_192 : i32 to index
        %get3A_615 = arith.constant 752 : index
        %get3A_616 = tpu.vector_load %arg12[%get3A_614, %get3A_615] {strides = array<i32>} : memref<16x768xf32, #tpu.memory_space<vmem>>, vector<1x16xf32>,
        %get3A_617 = vector.shape_cast %get3A_616 : vector<1x16xf32> to vector<16xf32>
        %swap3A_618 = arith.index_cast %scan3A_192 : i32 to index
        %swap3A_619 = arith.constant 752 : index
        %swap3A_620 = tpu.vector_load %arg8[%swap3A_618, %swap3A_619] {strides = array<i32>} : memref<16x768xf32, #tpu.memory_space<vmem>>, vector<1x16xf32>,
        %swap3A_621 = vector.shape_cast %swap3A_620 : vector<1x16xf32> to vector<16xf32>
        %swap3A_622 = vector.shape_cast %get3A_617 : vector<16xf32> to vector<1x16xf32>
        tpu.vector_store %arg8[%swap3A_618, %swap3A_619], %swap3A_622 {add = true, strides = array<i32>} : memref<16x768xf32, #tpu.memory_space<vmem>>, vector<1x16xf32>,
      }
      %scan3A_114 = arith.constant 16 : i32
      %mul3A_115 = arith.constant 16 : i32
      %mul3A_116 = arith.muli %add3A_88, %mul3A_115 : i32
      %add3A_117 = arith.addi %mul3A_2, %mul3A_116 : i32
      %dma_start3A_118 = arith.constant 0 : i32
      %dma_start3A_119 = tpu.memref_slice %arg5[%add3A_117, %dma_start3A_118] : memref<32768x768xf32, #tpu.memory_space<hbm>> -> memref<16x768xf32, #tpu.memory_space<hbm>>
      %dma_start3A_120 = arith.constant 0 : i32
      %dma_start3A_121 = tpu.memref_slice %arg5[%add3A_117, %dma_start3A_120] : memref<32768x768xf32, #tpu.memory_space<hbm>> -> memref<16x768xf32, #tpu.memory_space<hbm>>
      tpu.enqueue_dma source(%arg8 : memref<16x768xf32, #tpu.memory_space<vmem>>) target(%dma_start3A_121 : memref<16x768xf32, #tpu.memory_space<hbm>>) target_semaphore(%arg24 : memref<!tpu.dma_semaphore, #tpu.memory_space<semaphore_mem>>)
      %add3A_122 = arith.constant 2 : i32
      %add3A_123 = arith.addi %mul3A_54, %add3A_122 : i32
      %mul3A_124 = arith.constant 16 : i32
      %mul3A_125 = arith.muli %add3A_123, %mul3A_124 : i32
      %add3A_126 = arith.addi %mul3A_2, %mul3A_125 : i32
      %dma_wait3A_127 = arith.constant 0 : i32
      %dma_wait3A_128 = tpu.memref_slice %arg2[%add3A_126, %dma_wait3A_127] : memref<32768x768xf32, #tpu.memory_space<hbm>> -> memref<16x768xf32, #tpu.memory_space<hbm>>
      %dma_wait3A_129 = arith.constant 0 : i32
      %dma_wait3A_130 = tpu.memref_slice %arg2[%add3A_126, %dma_wait3A_129] : memref<32768x768xf32, #tpu.memory_space<hbm>> -> memref<16x768xf32, #tpu.memory_space<hbm>>
      tpu.wait_dma2 semaphore(%arg17 : memref<!tpu.dma_semaphore, #tpu.memory_space<semaphore_mem>>) src(%dma_wait3A_130 : memref<16x768xf32, #tpu.memory_space<hbm>>) dst(%arg9 : memref<16x768xf32, #tpu.memory_space<vmem>>)
      %mul3A_131 = arith.constant 16 : i32
      %mul3A_132 = arith.muli %add3A_123, %mul3A_131 : i32
      %dma_wait3A_133 = tpu.memref_slice %arg6[%mul3A_132] : memref<1024xi32, #tpu.memory_space<vmem>> -> memref<16xi32, #tpu.memory_space<vmem>>
      %dma_wait3A_134 = arith.constant 0 : i32
      %dma_wait3A_135 = arith.constant 0 : i32
      %dma_wait3A_136 = tpu.memref_slice %arg4[%dma_wait3A_134, %dma_wait3A_135] : memref<8192x768xf32, #tpu.memory_space<hbm>> -> memref<8192x768xf32, #tpu.memory_space<hbm>>
      tpu.wait_indirect_dma semaphore(%arg21 : memref<!tpu.dma_semaphore, #tpu.memory_space<semaphore_mem>>) src(%dma_wait3A_136 : memref<8192x768xf32, #tpu.memory_space<hbm>>) dst(%arg13 : memref<16x768xf32, #tpu.memory_space<vmem>>)
      %add3A_137 = arith.constant 2 : i32
      %add3A_138 = arith.addi %add3A_123, %add3A_137 : i32
      %lt3A_139 = arith.constant 64 : i32
      %lt3A_140 = arith.cmpi slt, %add3A_138, %lt3A_139 : i32
      %convert_element_type3A_141 = arith.extui %lt3A_140 : i1 to i32
      %cond3A_142 = arith.constant 0 : i32
      %cond3A_143 = arith.cmpi ne, %convert_element_type3A_141, %cond3A_142 : i32
      scf.if %cond3A_143 {
        %ge3A = arith.constant 2 : i32
        %ge3A_192 = arith.cmpi sge, %add3A_123, %ge3A : i32
        %convert_element_type3A_193 = arith.extui %ge3A_192 : i1 to i32
        %cond3A_194 = arith.constant 0 : i32
        %cond3A_195 = arith.cmpi ne, %convert_element_type3A_193, %cond3A_194 : i32
        scf.if %cond3A_195 {
          %sub3A = arith.constant 2 : i32
          %sub3A_209 = arith.subi %add3A_123, %sub3A : i32
          %mul3A_210 = arith.constant 16 : i32
          %mul3A_211 = arith.muli %sub3A_209, %mul3A_210 : i32
          %add3A_212 = arith.addi %mul3A_2, %mul3A_211 : i32
          %dma_wait3A_213 = arith.constant 0 : i32
          %dma_wait3A_214 = tpu.memref_slice %arg5[%add3A_212, %dma_wait3A_213] : memref<32768x768xf32, #tpu.memory_space<hbm>> -> memref<16x768xf32, #tpu.memory_space<hbm>>
          %dma_wait3A_215 = arith.constant 0 : i32
          %dma_wait3A_216 = tpu.memref_slice %arg5[%add3A_212, %dma_wait3A_215] : memref<32768x768xf32, #tpu.memory_space<hbm>> -> memref<16x768xf32, #tpu.memory_space<hbm>>
          tpu.wait_dma2 semaphore(%arg23 : memref<!tpu.dma_semaphore, #tpu.memory_space<semaphore_mem>>) src(%arg7 : memref<16x768xf32, #tpu.memory_space<vmem>>) dst(%dma_wait3A_216 : memref<16x768xf32, #tpu.memory_space<hbm>>)
        } else {
        }
        %mul3A_196 = arith.constant 16 : i32
        %mul3A_197 = arith.muli %add3A_138, %mul3A_196 : i32
        %add3A_198 = arith.addi %mul3A_2, %mul3A_197 : i32
        %dma_start3A_199 = arith.constant 0 : i32
        %dma_start3A_200 = tpu.memref_slice %arg2[%add3A_198, %dma_start3A_199] : memref<32768x768xf32, #tpu.memory_space<hbm>> -> memref<16x768xf32, #tpu.memory_space<hbm>>
        %dma_start3A_201 = arith.constant 0 : i32
        %dma_start3A_202 = tpu.memref_slice %arg2[%add3A_198, %dma_start3A_201] : memref<32768x768xf32, #tpu.memory_space<hbm>> -> memref<16x768xf32, #tpu.memory_space<hbm>>
        tpu.enqueue_dma source(%dma_start3A_202 : memref<16x768xf32, #tpu.memory_space<hbm>>) target(%arg7 : memref<16x768xf32, #tpu.memory_space<vmem>>) target_semaphore(%arg15 : memref<!tpu.dma_semaphore, #tpu.memory_space<semaphore_mem>>)
        %mul3A_203 = arith.constant 16 : i32
        %mul3A_204 = arith.muli %add3A_138, %mul3A_203 : i32
        %dma_start3A_205 = tpu.memref_slice %arg6[%mul3A_204] : memref<1024xi32, #tpu.memory_space<vmem>> -> memref<16xi32, #tpu.memory_space<vmem>>
        %dma_start3A_206 = arith.constant 0 : i32
        %dma_start3A_207 = arith.constant 0 : i32
        %dma_start3A_208 = tpu.memref_slice %arg4[%dma_start3A_206, %dma_start3A_207] : memref<8192x768xf32, #tpu.memory_space<hbm>> -> memref<8192x768xf32, #tpu.memory_space<hbm>>
        tpu.enqueue_indirect_dma source(%dma_start3A_208 : memref<8192x768xf32, #tpu.memory_space<hbm>>) target(%arg11 : memref<16x768xf32, #tpu.memory_space<vmem>>) offsets(%dma_start3A_205 : memref<16xi32, #tpu.memory_space<vmem>>) semaphore(%arg19 : memref<!tpu.dma_semaphore, #tpu.memory_space<semaphore_mem>>)
      } else {
      }
      %scan3A_144 = arith.constant 0 : i32
      %scan3A_145 = arith.constant 0 : i32
      %scan3A_146 = arith.constant 16 : i32
      %scan3A_147 = arith.addi %scan3A_145, %scan3A_146 : i32
      %scan3A_148 = arith.constant 1 : i32
      scf.for %scan3A_192 = %scan3A_145 to %scan3A_147 step %scan3A_148  : i32 {
        %get3A = arith.index_cast %scan3A_192 : i32 to index
        %get3A_193 = arith.constant 0 : index
        %get3A_194 = tpu.vector_load %arg13[%get3A, %get3A_193] {strides = array<i32>} : memref<16x768xf32, #tpu.memory_space<vmem>>, vector<1x16xf32>,
        %get3A_195 = vector.shape_cast %get3A_194 : vector<1x16xf32> to vector<16xf32>
        %swap3A = arith.index_cast %scan3A_192 : i32 to index
        %swap3A_196 = arith.constant 0 : index
        %swap3A_197 = tpu.vector_load %arg9[%swap3A, %swap3A_196] {strides = array<i32>} : memref<16x768xf32, #tpu.memory_space<vmem>>, vector<1x16xf32>,
        %swap3A_198 = vector.shape_cast %swap3A_197 : vector<1x16xf32> to vector<16xf32>
        %swap3A_199 = vector.shape_cast %get3A_195 : vector<16xf32> to vector<1x16xf32>
        tpu.vector_store %arg9[%swap3A, %swap3A_196], %swap3A_199 {add = true, strides = array<i32>} : memref<16x768xf32, #tpu.memory_space<vmem>>, vector<1x16xf32>,
        %get3A_200 = arith.index_cast %scan3A_192 : i32 to index
        %get3A_201 = arith.constant 16 : index
        %get3A_202 = tpu.vector_load %arg13[%get3A_200, %get3A_201] {strides = array<i32>} : memref<16x768xf32, #tpu.memory_space<vmem>>, vector<1x16xf32>,
        %get3A_203 = vector.shape_cast %get3A_202 : vector<1x16xf32> to vector<16xf32>
        %swap3A_204 = arith.index_cast %scan3A_192 : i32 to index
        %swap3A_205 = arith.constant 16 : index
        %swap3A_206 = tpu.vector_load %arg9[%swap3A_204, %swap3A_205] {strides = array<i32>} : memref<16x768xf32, #tpu.memory_space<vmem>>, vector<1x16xf32>,
        %swap3A_207 = vector.shape_cast %swap3A_206 : vector<1x16xf32> to vector<16xf32>
        %swap3A_208 = vector.shape_cast %get3A_203 : vector<16xf32> to vector<1x16xf32>
        tpu.vector_store %arg9[%swap3A_204, %swap3A_205], %swap3A_208 {add = true, strides = array<i32>} : memref<16x768xf32, #tpu.memory_space<vmem>>, vector<1x16xf32>,
        %get3A_209 = arith.index_cast %scan3A_192 : i32 to index
        %get3A_210 = arith.constant 32 : index
        %get3A_211 = tpu.vector_load %arg13[%get3A_209, %get3A_210] {strides = array<i32>} : memref<16x768xf32, #tpu.memory_space<vmem>>, vector<1x16xf32>,
        %get3A_212 = vector.shape_cast %get3A_211 : vector<1x16xf32> to vector<16xf32>
        %swap3A_213 = arith.index_cast %scan3A_192 : i32 to index
        %swap3A_214 = arith.constant 32 : index
        %swap3A_215 = tpu.vector_load %arg9[%swap3A_213, %swap3A_214] {strides = array<i32>} : memref<16x768xf32, #tpu.memory_space<vmem>>, vector<1x16xf32>,
        %swap3A_216 = vector.shape_cast %swap3A_215 : vector<1x16xf32> to vector<16xf32>
        %swap3A_217 = vector.shape_cast %get3A_212 : vector<16xf32> to vector<1x16xf32>
        tpu.vector_store %arg9[%swap3A_213, %swap3A_214], %swap3A_217 {add = true, strides = array<i32>} : memref<16x768xf32, #tpu.memory_space<vmem>>, vector<1x16xf32>,
        %get3A_218 = arith.index_cast %scan3A_192 : i32 to index
        %get3A_219 = arith.constant 48 : index
        %get3A_220 = tpu.vector_load %arg13[%get3A_218, %get3A_219] {strides = array<i32>} : memref<16x768xf32, #tpu.memory_space<vmem>>, vector<1x16xf32>,
        %get3A_221 = vector.shape_cast %get3A_220 : vector<1x16xf32> to vector<16xf32>
        %swap3A_222 = arith.index_cast %scan3A_192 : i32 to index
        %swap3A_223 = arith.constant 48 : index
        %swap3A_224 = tpu.vector_load %arg9[%swap3A_222, %swap3A_223] {strides = array<i32>} : memref<16x768xf32, #tpu.memory_space<vmem>>, vector<1x16xf32>,
        %swap3A_225 = vector.shape_cast %swap3A_224 : vector<1x16xf32> to vector<16xf32>
        %swap3A_226 = vector.shape_cast %get3A_221 : vector<16xf32> to vector<1x16xf32>
        tpu.vector_store %arg9[%swap3A_222, %swap3A_223], %swap3A_226 {add = true, strides = array<i32>} : memref<16x768xf32, #tpu.memory_space<vmem>>, vector<1x16xf32>,
        %get3A_227 = arith.index_cast %scan3A_192 : i32 to index
        %get3A_228 = arith.constant 64 : index
        %get3A_229 = tpu.vector_load %arg13[%get3A_227, %get3A_228] {strides = array<i32>} : memref<16x768xf32, #tpu.memory_space<vmem>>, vector<1x16xf32>,
        %get3A_230 = vector.shape_cast %get3A_229 : vector<1x16xf32> to vector<16xf32>
        %swap3A_231 = arith.index_cast %scan3A_192 : i32 to index
        %swap3A_232 = arith.constant 64 : index
        %swap3A_233 = tpu.vector_load %arg9[%swap3A_231, %swap3A_232] {strides = array<i32>} : memref<16x768xf32, #tpu.memory_space<vmem>>, vector<1x16xf32>,
        %swap3A_234 = vector.shape_cast %swap3A_233 : vector<1x16xf32> to vector<16xf32>
        %swap3A_235 = vector.shape_cast %get3A_230 : vector<16xf32> to vector<1x16xf32>
        tpu.vector_store %arg9[%swap3A_231, %swap3A_232], %swap3A_235 {add = true, strides = array<i32>} : memref<16x768xf32, #tpu.memory_space<vmem>>, vector<1x16xf32>,
        %get3A_236 = arith.index_cast %scan3A_192 : i32 to index
        %get3A_237 = arith.constant 80 : index
        %get3A_238 = tpu.vector_load %arg13[%get3A_236, %get3A_237] {strides = array<i32>} : memref<16x768xf32, #tpu.memory_space<vmem>>, vector<1x16xf32>,
        %get3A_239 = vector.shape_cast %get3A_238 : vector<1x16xf32> to vector<16xf32>
        %swap3A_240 = arith.index_cast %scan3A_192 : i32 to index
        %swap3A_241 = arith.constant 80 : index
        %swap3A_242 = tpu.vector_load %arg9[%swap3A_240, %swap3A_241] {strides = array<i32>} : memref<16x768xf32, #tpu.memory_space<vmem>>, vector<1x16xf32>,
        %swap3A_243 = vector.shape_cast %swap3A_242 : vector<1x16xf32> to vector<16xf32>
        %swap3A_244 = vector.shape_cast %get3A_239 : vector<16xf32> to vector<1x16xf32>
        tpu.vector_store %arg9[%swap3A_240, %swap3A_241], %swap3A_244 {add = true, strides = array<i32>} : memref<16x768xf32, #tpu.memory_space<vmem>>, vector<1x16xf32>,
        %get3A_245 = arith.index_cast %scan3A_192 : i32 to index
        %get3A_246 = arith.constant 96 : index
        %get3A_247 = tpu.vector_load %arg13[%get3A_245, %get3A_246] {strides = array<i32>} : memref<16x768xf32, #tpu.memory_space<vmem>>, vector<1x16xf32>,
        %get3A_248 = vector.shape_cast %get3A_247 : vector<1x16xf32> to vector<16xf32>
        %swap3A_249 = arith.index_cast %scan3A_192 : i32 to index
        %swap3A_250 = arith.constant 96 : index
        %swap3A_251 = tpu.vector_load %arg9[%swap3A_249, %swap3A_250] {strides = array<i32>} : memref<16x768xf32, #tpu.memory_space<vmem>>, vector<1x16xf32>,
        %swap3A_252 = vector.shape_cast %swap3A_251 : vector<1x16xf32> to vector<16xf32>
        %swap3A_253 = vector.shape_cast %get3A_248 : vector<16xf32> to vector<1x16xf32>
        tpu.vector_store %arg9[%swap3A_249, %swap3A_250], %swap3A_253 {add = true, strides = array<i32>} : memref<16x768xf32, #tpu.memory_space<vmem>>, vector<1x16xf32>,
        %get3A_254 = arith.index_cast %scan3A_192 : i32 to index
        %get3A_255 = arith.constant 112 : index
        %get3A_256 = tpu.vector_load %arg13[%get3A_254, %get3A_255] {strides = array<i32>} : memref<16x768xf32, #tpu.memory_space<vmem>>, vector<1x16xf32>,
        %get3A_257 = vector.shape_cast %get3A_256 : vector<1x16xf32> to vector<16xf32>
        %swap3A_258 = arith.index_cast %scan3A_192 : i32 to index
        %swap3A_259 = arith.constant 112 : index
        %swap3A_260 = tpu.vector_load %arg9[%swap3A_258, %swap3A_259] {strides = array<i32>} : memref<16x768xf32, #tpu.memory_space<vmem>>, vector<1x16xf32>,
        %swap3A_261 = vector.shape_cast %swap3A_260 : vector<1x16xf32> to vector<16xf32>
        %swap3A_262 = vector.shape_cast %get3A_257 : vector<16xf32> to vector<1x16xf32>
        tpu.vector_store %arg9[%swap3A_258, %swap3A_259], %swap3A_262 {add = true, strides = array<i32>} : memref<16x768xf32, #tpu.memory_space<vmem>>, vector<1x16xf32>,
        %get3A_263 = arith.index_cast %scan3A_192 : i32 to index
        %get3A_264 = arith.constant 128 : index
        %get3A_265 = tpu.vector_load %arg13[%get3A_263, %get3A_264] {strides = array<i32>} : memref<16x768xf32, #tpu.memory_space<vmem>>, vector<1x16xf32>,
        %get3A_266 = vector.shape_cast %get3A_265 : vector<1x16xf32> to vector<16xf32>
        %swap3A_267 = arith.index_cast %scan3A_192 : i32 to index
        %swap3A_268 = arith.constant 128 : index
        %swap3A_269 = tpu.vector_load %arg9[%swap3A_267, %swap3A_268] {strides = array<i32>} : memref<16x768xf32, #tpu.memory_space<vmem>>, vector<1x16xf32>,
        %swap3A_270 = vector.shape_cast %swap3A_269 : vector<1x16xf32> to vector<16xf32>
        %swap3A_271 = vector.shape_cast %get3A_266 : vector<16xf32> to vector<1x16xf32>
        tpu.vector_store %arg9[%swap3A_267, %swap3A_268], %swap3A_271 {add = true, strides = array<i32>} : memref<16x768xf32, #tpu.memory_space<vmem>>, vector<1x16xf32>,
        %get3A_272 = arith.index_cast %scan3A_192 : i32 to index
        %get3A_273 = arith.constant 144 : index
        %get3A_274 = tpu.vector_load %arg13[%get3A_272, %get3A_273] {strides = array<i32>} : memref<16x768xf32, #tpu.memory_space<vmem>>, vector<1x16xf32>,
        %get3A_275 = vector.shape_cast %get3A_274 : vector<1x16xf32> to vector<16xf32>
        %swap3A_276 = arith.index_cast %scan3A_192 : i32 to index
        %swap3A_277 = arith.constant 144 : index
        %swap3A_278 = tpu.vector_load %arg9[%swap3A_276, %swap3A_277] {strides = array<i32>} : memref<16x768xf32, #tpu.memory_space<vmem>>, vector<1x16xf32>,
        %swap3A_279 = vector.shape_cast %swap3A_278 : vector<1x16xf32> to vector<16xf32>
        %swap3A_280 = vector.shape_cast %get3A_275 : vector<16xf32> to vector<1x16xf32>
        tpu.vector_store %arg9[%swap3A_276, %swap3A_277], %swap3A_280 {add = true, strides = array<i32>} : memref<16x768xf32, #tpu.memory_space<vmem>>, vector<1x16xf32>,
        %get3A_281 = arith.index_cast %scan3A_192 : i32 to index
        %get3A_282 = arith.constant 160 : index
        %get3A_283 = tpu.vector_load %arg13[%get3A_281, %get3A_282] {strides = array<i32>} : memref<16x768xf32, #tpu.memory_space<vmem>>, vector<1x16xf32>,
        %get3A_284 = vector.shape_cast %get3A_283 : vector<1x16xf32> to vector<16xf32>
        %swap3A_285 = arith.index_cast %scan3A_192 : i32 to index
        %swap3A_286 = arith.constant 160 : index
        %swap3A_287 = tpu.vector_load %arg9[%swap3A_285, %swap3A_286] {strides = array<i32>} : memref<16x768xf32, #tpu.memory_space<vmem>>, vector<1x16xf32>,
        %swap3A_288 = vector.shape_cast %swap3A_287 : vector<1x16xf32> to vector<16xf32>
        %swap3A_289 = vector.shape_cast %get3A_284 : vector<16xf32> to vector<1x16xf32>
        tpu.vector_store %arg9[%swap3A_285, %swap3A_286], %swap3A_289 {add = true, strides = array<i32>} : memref<16x768xf32, #tpu.memory_space<vmem>>, vector<1x16xf32>,
        %get3A_290 = arith.index_cast %scan3A_192 : i32 to index
        %get3A_291 = arith.constant 176 : index
        %get3A_292 = tpu.vector_load %arg13[%get3A_290, %get3A_291] {strides = array<i32>} : memref<16x768xf32, #tpu.memory_space<vmem>>, vector<1x16xf32>,
        %get3A_293 = vector.shape_cast %get3A_292 : vector<1x16xf32> to vector<16xf32>
        %swap3A_294 = arith.index_cast %scan3A_192 : i32 to index
        %swap3A_295 = arith.constant 176 : index
        %swap3A_296 = tpu.vector_load %arg9[%swap3A_294, %swap3A_295] {strides = array<i32>} : memref<16x768xf32, #tpu.memory_space<vmem>>, vector<1x16xf32>,
        %swap3A_297 = vector.shape_cast %swap3A_296 : vector<1x16xf32> to vector<16xf32>
        %swap3A_298 = vector.shape_cast %get3A_293 : vector<16xf32> to vector<1x16xf32>
        tpu.vector_store %arg9[%swap3A_294, %swap3A_295], %swap3A_298 {add = true, strides = array<i32>} : memref<16x768xf32, #tpu.memory_space<vmem>>, vector<1x16xf32>,
        %get3A_299 = arith.index_cast %scan3A_192 : i32 to index
        %get3A_300 = arith.constant 192 : index
        %get3A_301 = tpu.vector_load %arg13[%get3A_299, %get3A_300] {strides = array<i32>} : memref<16x768xf32, #tpu.memory_space<vmem>>, vector<1x16xf32>,
        %get3A_302 = vector.shape_cast %get3A_301 : vector<1x16xf32> to vector<16xf32>
        %swap3A_303 = arith.index_cast %scan3A_192 : i32 to index
        %swap3A_304 = arith.constant 192 : index
        %swap3A_305 = tpu.vector_load %arg9[%swap3A_303, %swap3A_304] {strides = array<i32>} : memref<16x768xf32, #tpu.memory_space<vmem>>, vector<1x16xf32>,
        %swap3A_306 = vector.shape_cast %swap3A_305 : vector<1x16xf32> to vector<16xf32>
        %swap3A_307 = vector.shape_cast %get3A_302 : vector<16xf32> to vector<1x16xf32>
        tpu.vector_store %arg9[%swap3A_303, %swap3A_304], %swap3A_307 {add = true, strides = array<i32>} : memref<16x768xf32, #tpu.memory_space<vmem>>, vector<1x16xf32>,
        %get3A_308 = arith.index_cast %scan3A_192 : i32 to index
        %get3A_309 = arith.constant 208 : index
        %get3A_310 = tpu.vector_load %arg13[%get3A_308, %get3A_309] {strides = array<i32>} : memref<16x768xf32, #tpu.memory_space<vmem>>, vector<1x16xf32>,
        %get3A_311 = vector.shape_cast %get3A_310 : vector<1x16xf32> to vector<16xf32>
        %swap3A_312 = arith.index_cast %scan3A_192 : i32 to index
        %swap3A_313 = arith.constant 208 : index
        %swap3A_314 = tpu.vector_load %arg9[%swap3A_312, %swap3A_313] {strides = array<i32>} : memref<16x768xf32, #tpu.memory_space<vmem>>, vector<1x16xf32>,
        %swap3A_315 = vector.shape_cast %swap3A_314 : vector<1x16xf32> to vector<16xf32>
        %swap3A_316 = vector.shape_cast %get3A_311 : vector<16xf32> to vector<1x16xf32>
        tpu.vector_store %arg9[%swap3A_312, %swap3A_313], %swap3A_316 {add = true, strides = array<i32>} : memref<16x768xf32, #tpu.memory_space<vmem>>, vector<1x16xf32>,
        %get3A_317 = arith.index_cast %scan3A_192 : i32 to index
        %get3A_318 = arith.constant 224 : index
        %get3A_319 = tpu.vector_load %arg13[%get3A_317, %get3A_318] {strides = array<i32>} : memref<16x768xf32, #tpu.memory_space<vmem>>, vector<1x16xf32>,
        %get3A_320 = vector.shape_cast %get3A_319 : vector<1x16xf32> to vector<16xf32>
        %swap3A_321 = arith.index_cast %scan3A_192 : i32 to index
        %swap3A_322 = arith.constant 224 : index
        %swap3A_323 = tpu.vector_load %arg9[%swap3A_321, %swap3A_322] {strides = array<i32>} : memref<16x768xf32, #tpu.memory_space<vmem>>, vector<1x16xf32>,
        %swap3A_324 = vector.shape_cast %swap3A_323 : vector<1x16xf32> to vector<16xf32>
        %swap3A_325 = vector.shape_cast %get3A_320 : vector<16xf32> to vector<1x16xf32>
        tpu.vector_store %arg9[%swap3A_321, %swap3A_322], %swap3A_325 {add = true, strides = array<i32>} : memref<16x768xf32, #tpu.memory_space<vmem>>, vector<1x16xf32>,
        %get3A_326 = arith.index_cast %scan3A_192 : i32 to index
        %get3A_327 = arith.constant 240 : index
        %get3A_328 = tpu.vector_load %arg13[%get3A_326, %get3A_327] {strides = array<i32>} : memref<16x768xf32, #tpu.memory_space<vmem>>, vector<1x16xf32>,
        %get3A_329 = vector.shape_cast %get3A_328 : vector<1x16xf32> to vector<16xf32>
        %swap3A_330 = arith.index_cast %scan3A_192 : i32 to index
        %swap3A_331 = arith.constant 240 : index
        %swap3A_332 = tpu.vector_load %arg9[%swap3A_330, %swap3A_331] {strides = array<i32>} : memref<16x768xf32, #tpu.memory_space<vmem>>, vector<1x16xf32>,
        %swap3A_333 = vector.shape_cast %swap3A_332 : vector<1x16xf32> to vector<16xf32>
        %swap3A_334 = vector.shape_cast %get3A_329 : vector<16xf32> to vector<1x16xf32>
        tpu.vector_store %arg9[%swap3A_330, %swap3A_331], %swap3A_334 {add = true, strides = array<i32>} : memref<16x768xf32, #tpu.memory_space<vmem>>, vector<1x16xf32>,
        %get3A_335 = arith.index_cast %scan3A_192 : i32 to index
        %get3A_336 = arith.constant 256 : index
        %get3A_337 = tpu.vector_load %arg13[%get3A_335, %get3A_336] {strides = array<i32>} : memref<16x768xf32, #tpu.memory_space<vmem>>, vector<1x16xf32>,
        %get3A_338 = vector.shape_cast %get3A_337 : vector<1x16xf32> to vector<16xf32>
        %swap3A_339 = arith.index_cast %scan3A_192 : i32 to index
        %swap3A_340 = arith.constant 256 : index
        %swap3A_341 = tpu.vector_load %arg9[%swap3A_339, %swap3A_340] {strides = array<i32>} : memref<16x768xf32, #tpu.memory_space<vmem>>, vector<1x16xf32>,
        %swap3A_342 = vector.shape_cast %swap3A_341 : vector<1x16xf32> to vector<16xf32>
        %swap3A_343 = vector.shape_cast %get3A_338 : vector<16xf32> to vector<1x16xf32>
        tpu.vector_store %arg9[%swap3A_339, %swap3A_340], %swap3A_343 {add = true, strides = array<i32>} : memref<16x768xf32, #tpu.memory_space<vmem>>, vector<1x16xf32>,
        %get3A_344 = arith.index_cast %scan3A_192 : i32 to index
        %get3A_345 = arith.constant 272 : index
        %get3A_346 = tpu.vector_load %arg13[%get3A_344, %get3A_345] {strides = array<i32>} : memref<16x768xf32, #tpu.memory_space<vmem>>, vector<1x16xf32>,
        %get3A_347 = vector.shape_cast %get3A_346 : vector<1x16xf32> to vector<16xf32>
        %swap3A_348 = arith.index_cast %scan3A_192 : i32 to index
        %swap3A_349 = arith.constant 272 : index
        %swap3A_350 = tpu.vector_load %arg9[%swap3A_348, %swap3A_349] {strides = array<i32>} : memref<16x768xf32, #tpu.memory_space<vmem>>, vector<1x16xf32>,
        %swap3A_351 = vector.shape_cast %swap3A_350 : vector<1x16xf32> to vector<16xf32>
        %swap3A_352 = vector.shape_cast %get3A_347 : vector<16xf32> to vector<1x16xf32>
        tpu.vector_store %arg9[%swap3A_348, %swap3A_349], %swap3A_352 {add = true, strides = array<i32>} : memref<16x768xf32, #tpu.memory_space<vmem>>, vector<1x16xf32>,
        %get3A_353 = arith.index_cast %scan3A_192 : i32 to index
        %get3A_354 = arith.constant 288 : index
        %get3A_355 = tpu.vector_load %arg13[%get3A_353, %get3A_354] {strides = array<i32>} : memref<16x768xf32, #tpu.memory_space<vmem>>, vector<1x16xf32>,
        %get3A_356 = vector.shape_cast %get3A_355 : vector<1x16xf32> to vector<16xf32>
        %swap3A_357 = arith.index_cast %scan3A_192 : i32 to index
        %swap3A_358 = arith.constant 288 : index
        %swap3A_359 = tpu.vector_load %arg9[%swap3A_357, %swap3A_358] {strides = array<i32>} : memref<16x768xf32, #tpu.memory_space<vmem>>, vector<1x16xf32>,
        %swap3A_360 = vector.shape_cast %swap3A_359 : vector<1x16xf32> to vector<16xf32>
        %swap3A_361 = vector.shape_cast %get3A_356 : vector<16xf32> to vector<1x16xf32>
        tpu.vector_store %arg9[%swap3A_357, %swap3A_358], %swap3A_361 {add = true, strides = array<i32>} : memref<16x768xf32, #tpu.memory_space<vmem>>, vector<1x16xf32>,
        %get3A_362 = arith.index_cast %scan3A_192 : i32 to index
        %get3A_363 = arith.constant 304 : index
        %get3A_364 = tpu.vector_load %arg13[%get3A_362, %get3A_363] {strides = array<i32>} : memref<16x768xf32, #tpu.memory_space<vmem>>, vector<1x16xf32>,
        %get3A_365 = vector.shape_cast %get3A_364 : vector<1x16xf32> to vector<16xf32>
        %swap3A_366 = arith.index_cast %scan3A_192 : i32 to index
        %swap3A_367 = arith.constant 304 : index
        %swap3A_368 = tpu.vector_load %arg9[%swap3A_366, %swap3A_367] {strides = array<i32>} : memref<16x768xf32, #tpu.memory_space<vmem>>, vector<1x16xf32>,
        %swap3A_369 = vector.shape_cast %swap3A_368 : vector<1x16xf32> to vector<16xf32>
        %swap3A_370 = vector.shape_cast %get3A_365 : vector<16xf32> to vector<1x16xf32>
        tpu.vector_store %arg9[%swap3A_366, %swap3A_367], %swap3A_370 {add = true, strides = array<i32>} : memref<16x768xf32, #tpu.memory_space<vmem>>, vector<1x16xf32>,
        %get3A_371 = arith.index_cast %scan3A_192 : i32 to index
        %get3A_372 = arith.constant 320 : index
        %get3A_373 = tpu.vector_load %arg13[%get3A_371, %get3A_372] {strides = array<i32>} : memref<16x768xf32, #tpu.memory_space<vmem>>, vector<1x16xf32>,
        %get3A_374 = vector.shape_cast %get3A_373 : vector<1x16xf32> to vector<16xf32>
        %swap3A_375 = arith.index_cast %scan3A_192 : i32 to index
        %swap3A_376 = arith.constant 320 : index
        %swap3A_377 = tpu.vector_load %arg9[%swap3A_375, %swap3A_376] {strides = array<i32>} : memref<16x768xf32, #tpu.memory_space<vmem>>, vector<1x16xf32>,
        %swap3A_378 = vector.shape_cast %swap3A_377 : vector<1x16xf32> to vector<16xf32>
        %swap3A_379 = vector.shape_cast %get3A_374 : vector<16xf32> to vector<1x16xf32>
        tpu.vector_store %arg9[%swap3A_375, %swap3A_376], %swap3A_379 {add = true, strides = array<i32>} : memref<16x768xf32, #tpu.memory_space<vmem>>, vector<1x16xf32>,
        %get3A_380 = arith.index_cast %scan3A_192 : i32 to index
        %get3A_381 = arith.constant 336 : index
        %get3A_382 = tpu.vector_load %arg13[%get3A_380, %get3A_381] {strides = array<i32>} : memref<16x768xf32, #tpu.memory_space<vmem>>, vector<1x16xf32>,
        %get3A_383 = vector.shape_cast %get3A_382 : vector<1x16xf32> to vector<16xf32>
        %swap3A_384 = arith.index_cast %scan3A_192 : i32 to index
        %swap3A_385 = arith.constant 336 : index
        %swap3A_386 = tpu.vector_load %arg9[%swap3A_384, %swap3A_385] {strides = array<i32>} : memref<16x768xf32, #tpu.memory_space<vmem>>, vector<1x16xf32>,
        %swap3A_387 = vector.shape_cast %swap3A_386 : vector<1x16xf32> to vector<16xf32>
        %swap3A_388 = vector.shape_cast %get3A_383 : vector<16xf32> to vector<1x16xf32>
        tpu.vector_store %arg9[%swap3A_384, %swap3A_385], %swap3A_388 {add = true, strides = array<i32>} : memref<16x768xf32, #tpu.memory_space<vmem>>, vector<1x16xf32>,
        %get3A_389 = arith.index_cast %scan3A_192 : i32 to index
        %get3A_390 = arith.constant 352 : index
        %get3A_391 = tpu.vector_load %arg13[%get3A_389, %get3A_390] {strides = array<i32>} : memref<16x768xf32, #tpu.memory_space<vmem>>, vector<1x16xf32>,
        %get3A_392 = vector.shape_cast %get3A_391 : vector<1x16xf32> to vector<16xf32>
        %swap3A_393 = arith.index_cast %scan3A_192 : i32 to index
        %swap3A_394 = arith.constant 352 : index
        %swap3A_395 = tpu.vector_load %arg9[%swap3A_393, %swap3A_394] {strides = array<i32>} : memref<16x768xf32, #tpu.memory_space<vmem>>, vector<1x16xf32>,
        %swap3A_396 = vector.shape_cast %swap3A_395 : vector<1x16xf32> to vector<16xf32>
        %swap3A_397 = vector.shape_cast %get3A_392 : vector<16xf32> to vector<1x16xf32>
        tpu.vector_store %arg9[%swap3A_393, %swap3A_394], %swap3A_397 {add = true, strides = array<i32>} : memref<16x768xf32, #tpu.memory_space<vmem>>, vector<1x16xf32>,
        %get3A_398 = arith.index_cast %scan3A_192 : i32 to index
        %get3A_399 = arith.constant 368 : index
        %get3A_400 = tpu.vector_load %arg13[%get3A_398, %get3A_399] {strides = array<i32>} : memref<16x768xf32, #tpu.memory_space<vmem>>, vector<1x16xf32>,
        %get3A_401 = vector.shape_cast %get3A_400 : vector<1x16xf32> to vector<16xf32>
        %swap3A_402 = arith.index_cast %scan3A_192 : i32 to index
        %swap3A_403 = arith.constant 368 : index
        %swap3A_404 = tpu.vector_load %arg9[%swap3A_402, %swap3A_403] {strides = array<i32>} : memref<16x768xf32, #tpu.memory_space<vmem>>, vector<1x16xf32>,
        %swap3A_405 = vector.shape_cast %swap3A_404 : vector<1x16xf32> to vector<16xf32>
        %swap3A_406 = vector.shape_cast %get3A_401 : vector<16xf32> to vector<1x16xf32>
        tpu.vector_store %arg9[%swap3A_402, %swap3A_403], %swap3A_406 {add = true, strides = array<i32>} : memref<16x768xf32, #tpu.memory_space<vmem>>, vector<1x16xf32>,
        %get3A_407 = arith.index_cast %scan3A_192 : i32 to index
        %get3A_408 = arith.constant 384 : index
        %get3A_409 = tpu.vector_load %arg13[%get3A_407, %get3A_408] {strides = array<i32>} : memref<16x768xf32, #tpu.memory_space<vmem>>, vector<1x16xf32>,
        %get3A_410 = vector.shape_cast %get3A_409 : vector<1x16xf32> to vector<16xf32>
        %swap3A_411 = arith.index_cast %scan3A_192 : i32 to index
        %swap3A_412 = arith.constant 384 : index
        %swap3A_413 = tpu.vector_load %arg9[%swap3A_411, %swap3A_412] {strides = array<i32>} : memref<16x768xf32, #tpu.memory_space<vmem>>, vector<1x16xf32>,
        %swap3A_414 = vector.shape_cast %swap3A_413 : vector<1x16xf32> to vector<16xf32>
        %swap3A_415 = vector.shape_cast %get3A_410 : vector<16xf32> to vector<1x16xf32>
        tpu.vector_store %arg9[%swap3A_411, %swap3A_412], %swap3A_415 {add = true, strides = array<i32>} : memref<16x768xf32, #tpu.memory_space<vmem>>, vector<1x16xf32>,
        %get3A_416 = arith.index_cast %scan3A_192 : i32 to index
        %get3A_417 = arith.constant 400 : index
        %get3A_418 = tpu.vector_load %arg13[%get3A_416, %get3A_417] {strides = array<i32>} : memref<16x768xf32, #tpu.memory_space<vmem>>, vector<1x16xf32>,
        %get3A_419 = vector.shape_cast %get3A_418 : vector<1x16xf32> to vector<16xf32>
        %swap3A_420 = arith.index_cast %scan3A_192 : i32 to index
        %swap3A_421 = arith.constant 400 : index
        %swap3A_422 = tpu.vector_load %arg9[%swap3A_420, %swap3A_421] {strides = array<i32>} : memref<16x768xf32, #tpu.memory_space<vmem>>, vector<1x16xf32>,
        %swap3A_423 = vector.shape_cast %swap3A_422 : vector<1x16xf32> to vector<16xf32>
        %swap3A_424 = vector.shape_cast %get3A_419 : vector<16xf32> to vector<1x16xf32>
        tpu.vector_store %arg9[%swap3A_420, %swap3A_421], %swap3A_424 {add = true, strides = array<i32>} : memref<16x768xf32, #tpu.memory_space<vmem>>, vector<1x16xf32>,
        %get3A_425 = arith.index_cast %scan3A_192 : i32 to index
        %get3A_426 = arith.constant 416 : index
        %get3A_427 = tpu.vector_load %arg13[%get3A_425, %get3A_426] {strides = array<i32>} : memref<16x768xf32, #tpu.memory_space<vmem>>, vector<1x16xf32>,
        %get3A_428 = vector.shape_cast %get3A_427 : vector<1x16xf32> to vector<16xf32>
        %swap3A_429 = arith.index_cast %scan3A_192 : i32 to index
        %swap3A_430 = arith.constant 416 : index
        %swap3A_431 = tpu.vector_load %arg9[%swap3A_429, %swap3A_430] {strides = array<i32>} : memref<16x768xf32, #tpu.memory_space<vmem>>, vector<1x16xf32>,
        %swap3A_432 = vector.shape_cast %swap3A_431 : vector<1x16xf32> to vector<16xf32>
        %swap3A_433 = vector.shape_cast %get3A_428 : vector<16xf32> to vector<1x16xf32>
        tpu.vector_store %arg9[%swap3A_429, %swap3A_430], %swap3A_433 {add = true, strides = array<i32>} : memref<16x768xf32, #tpu.memory_space<vmem>>, vector<1x16xf32>,
        %get3A_434 = arith.index_cast %scan3A_192 : i32 to index
        %get3A_435 = arith.constant 432 : index
        %get3A_436 = tpu.vector_load %arg13[%get3A_434, %get3A_435] {strides = array<i32>} : memref<16x768xf32, #tpu.memory_space<vmem>>, vector<1x16xf32>,
        %get3A_437 = vector.shape_cast %get3A_436 : vector<1x16xf32> to vector<16xf32>
        %swap3A_438 = arith.index_cast %scan3A_192 : i32 to index
        %swap3A_439 = arith.constant 432 : index
        %swap3A_440 = tpu.vector_load %arg9[%swap3A_438, %swap3A_439] {strides = array<i32>} : memref<16x768xf32, #tpu.memory_space<vmem>>, vector<1x16xf32>,
        %swap3A_441 = vector.shape_cast %swap3A_440 : vector<1x16xf32> to vector<16xf32>
        %swap3A_442 = vector.shape_cast %get3A_437 : vector<16xf32> to vector<1x16xf32>
        tpu.vector_store %arg9[%swap3A_438, %swap3A_439], %swap3A_442 {add = true, strides = array<i32>} : memref<16x768xf32, #tpu.memory_space<vmem>>, vector<1x16xf32>,
        %get3A_443 = arith.index_cast %scan3A_192 : i32 to index
        %get3A_444 = arith.constant 448 : index
        %get3A_445 = tpu.vector_load %arg13[%get3A_443, %get3A_444] {strides = array<i32>} : memref<16x768xf32, #tpu.memory_space<vmem>>, vector<1x16xf32>,
        %get3A_446 = vector.shape_cast %get3A_445 : vector<1x16xf32> to vector<16xf32>
        %swap3A_447 = arith.index_cast %scan3A_192 : i32 to index
        %swap3A_448 = arith.constant 448 : index
        %swap3A_449 = tpu.vector_load %arg9[%swap3A_447, %swap3A_448] {strides = array<i32>} : memref<16x768xf32, #tpu.memory_space<vmem>>, vector<1x16xf32>,
        %swap3A_450 = vector.shape_cast %swap3A_449 : vector<1x16xf32> to vector<16xf32>
        %swap3A_451 = vector.shape_cast %get3A_446 : vector<16xf32> to vector<1x16xf32>
        tpu.vector_store %arg9[%swap3A_447, %swap3A_448], %swap3A_451 {add = true, strides = array<i32>} : memref<16x768xf32, #tpu.memory_space<vmem>>, vector<1x16xf32>,
        %get3A_452 = arith.index_cast %scan3A_192 : i32 to index
        %get3A_453 = arith.constant 464 : index
        %get3A_454 = tpu.vector_load %arg13[%get3A_452, %get3A_453] {strides = array<i32>} : memref<16x768xf32, #tpu.memory_space<vmem>>, vector<1x16xf32>,
        %get3A_455 = vector.shape_cast %get3A_454 : vector<1x16xf32> to vector<16xf32>
        %swap3A_456 = arith.index_cast %scan3A_192 : i32 to index
        %swap3A_457 = arith.constant 464 : index
        %swap3A_458 = tpu.vector_load %arg9[%swap3A_456, %swap3A_457] {strides = array<i32>} : memref<16x768xf32, #tpu.memory_space<vmem>>, vector<1x16xf32>,
        %swap3A_459 = vector.shape_cast %swap3A_458 : vector<1x16xf32> to vector<16xf32>
        %swap3A_460 = vector.shape_cast %get3A_455 : vector<16xf32> to vector<1x16xf32>
        tpu.vector_store %arg9[%swap3A_456, %swap3A_457], %swap3A_460 {add = true, strides = array<i32>} : memref<16x768xf32, #tpu.memory_space<vmem>>, vector<1x16xf32>,
        %get3A_461 = arith.index_cast %scan3A_192 : i32 to index
        %get3A_462 = arith.constant 480 : index
        %get3A_463 = tpu.vector_load %arg13[%get3A_461, %get3A_462] {strides = array<i32>} : memref<16x768xf32, #tpu.memory_space<vmem>>, vector<1x16xf32>,
        %get3A_464 = vector.shape_cast %get3A_463 : vector<1x16xf32> to vector<16xf32>
        %swap3A_465 = arith.index_cast %scan3A_192 : i32 to index
        %swap3A_466 = arith.constant 480 : index
        %swap3A_467 = tpu.vector_load %arg9[%swap3A_465, %swap3A_466] {strides = array<i32>} : memref<16x768xf32, #tpu.memory_space<vmem>>, vector<1x16xf32>,
        %swap3A_468 = vector.shape_cast %swap3A_467 : vector<1x16xf32> to vector<16xf32>
        %swap3A_469 = vector.shape_cast %get3A_464 : vector<16xf32> to vector<1x16xf32>
        tpu.vector_store %arg9[%swap3A_465, %swap3A_466], %swap3A_469 {add = true, strides = array<i32>} : memref<16x768xf32, #tpu.memory_space<vmem>>, vector<1x16xf32>,
        %get3A_470 = arith.index_cast %scan3A_192 : i32 to index
        %get3A_471 = arith.constant 496 : index
        %get3A_472 = tpu.vector_load %arg13[%get3A_470, %get3A_471] {strides = array<i32>} : memref<16x768xf32, #tpu.memory_space<vmem>>, vector<1x16xf32>,
        %get3A_473 = vector.shape_cast %get3A_472 : vector<1x16xf32> to vector<16xf32>
        %swap3A_474 = arith.index_cast %scan3A_192 : i32 to index
        %swap3A_475 = arith.constant 496 : index
        %swap3A_476 = tpu.vector_load %arg9[%swap3A_474, %swap3A_475] {strides = array<i32>} : memref<16x768xf32, #tpu.memory_space<vmem>>, vector<1x16xf32>,
        %swap3A_477 = vector.shape_cast %swap3A_476 : vector<1x16xf32> to vector<16xf32>
        %swap3A_478 = vector.shape_cast %get3A_473 : vector<16xf32> to vector<1x16xf32>
        tpu.vector_store %arg9[%swap3A_474, %swap3A_475], %swap3A_478 {add = true, strides = array<i32>} : memref<16x768xf32, #tpu.memory_space<vmem>>, vector<1x16xf32>,
        %get3A_479 = arith.index_cast %scan3A_192 : i32 to index
        %get3A_480 = arith.constant 512 : index
        %get3A_481 = tpu.vector_load %arg13[%get3A_479, %get3A_480] {strides = array<i32>} : memref<16x768xf32, #tpu.memory_space<vmem>>, vector<1x16xf32>,
        %get3A_482 = vector.shape_cast %get3A_481 : vector<1x16xf32> to vector<16xf32>
        %swap3A_483 = arith.index_cast %scan3A_192 : i32 to index
        %swap3A_484 = arith.constant 512 : index
        %swap3A_485 = tpu.vector_load %arg9[%swap3A_483, %swap3A_484] {strides = array<i32>} : memref<16x768xf32, #tpu.memory_space<vmem>>, vector<1x16xf32>,
        %swap3A_486 = vector.shape_cast %swap3A_485 : vector<1x16xf32> to vector<16xf32>
        %swap3A_487 = vector.shape_cast %get3A_482 : vector<16xf32> to vector<1x16xf32>
        tpu.vector_store %arg9[%swap3A_483, %swap3A_484], %swap3A_487 {add = true, strides = array<i32>} : memref<16x768xf32, #tpu.memory_space<vmem>>, vector<1x16xf32>,
        %get3A_488 = arith.index_cast %scan3A_192 : i32 to index
        %get3A_489 = arith.constant 528 : index
        %get3A_490 = tpu.vector_load %arg13[%get3A_488, %get3A_489] {strides = array<i32>} : memref<16x768xf32, #tpu.memory_space<vmem>>, vector<1x16xf32>,
        %get3A_491 = vector.shape_cast %get3A_490 : vector<1x16xf32> to vector<16xf32>
        %swap3A_492 = arith.index_cast %scan3A_192 : i32 to index
        %swap3A_493 = arith.constant 528 : index
        %swap3A_494 = tpu.vector_load %arg9[%swap3A_492, %swap3A_493] {strides = array<i32>} : memref<16x768xf32, #tpu.memory_space<vmem>>, vector<1x16xf32>,
        %swap3A_495 = vector.shape_cast %swap3A_494 : vector<1x16xf32> to vector<16xf32>
        %swap3A_496 = vector.shape_cast %get3A_491 : vector<16xf32> to vector<1x16xf32>
        tpu.vector_store %arg9[%swap3A_492, %swap3A_493], %swap3A_496 {add = true, strides = array<i32>} : memref<16x768xf32, #tpu.memory_space<vmem>>, vector<1x16xf32>,
        %get3A_497 = arith.index_cast %scan3A_192 : i32 to index
        %get3A_498 = arith.constant 544 : index
        %get3A_499 = tpu.vector_load %arg13[%get3A_497, %get3A_498] {strides = array<i32>} : memref<16x768xf32, #tpu.memory_space<vmem>>, vector<1x16xf32>,
        %get3A_500 = vector.shape_cast %get3A_499 : vector<1x16xf32> to vector<16xf32>
        %swap3A_501 = arith.index_cast %scan3A_192 : i32 to index
        %swap3A_502 = arith.constant 544 : index
        %swap3A_503 = tpu.vector_load %arg9[%swap3A_501, %swap3A_502] {strides = array<i32>} : memref<16x768xf32, #tpu.memory_space<vmem>>, vector<1x16xf32>,
        %swap3A_504 = vector.shape_cast %swap3A_503 : vector<1x16xf32> to vector<16xf32>
        %swap3A_505 = vector.shape_cast %get3A_500 : vector<16xf32> to vector<1x16xf32>
        tpu.vector_store %arg9[%swap3A_501, %swap3A_502], %swap3A_505 {add = true, strides = array<i32>} : memref<16x768xf32, #tpu.memory_space<vmem>>, vector<1x16xf32>,
        %get3A_506 = arith.index_cast %scan3A_192 : i32 to index
        %get3A_507 = arith.constant 560 : index
        %get3A_508 = tpu.vector_load %arg13[%get3A_506, %get3A_507] {strides = array<i32>} : memref<16x768xf32, #tpu.memory_space<vmem>>, vector<1x16xf32>,
        %get3A_509 = vector.shape_cast %get3A_508 : vector<1x16xf32> to vector<16xf32>
        %swap3A_510 = arith.index_cast %scan3A_192 : i32 to index
        %swap3A_511 = arith.constant 560 : index
        %swap3A_512 = tpu.vector_load %arg9[%swap3A_510, %swap3A_511] {strides = array<i32>} : memref<16x768xf32, #tpu.memory_space<vmem>>, vector<1x16xf32>,
        %swap3A_513 = vector.shape_cast %swap3A_512 : vector<1x16xf32> to vector<16xf32>
        %swap3A_514 = vector.shape_cast %get3A_509 : vector<16xf32> to vector<1x16xf32>
        tpu.vector_store %arg9[%swap3A_510, %swap3A_511], %swap3A_514 {add = true, strides = array<i32>} : memref<16x768xf32, #tpu.memory_space<vmem>>, vector<1x16xf32>,
        %get3A_515 = arith.index_cast %scan3A_192 : i32 to index
        %get3A_516 = arith.constant 576 : index
        %get3A_517 = tpu.vector_load %arg13[%get3A_515, %get3A_516] {strides = array<i32>} : memref<16x768xf32, #tpu.memory_space<vmem>>, vector<1x16xf32>,
        %get3A_518 = vector.shape_cast %get3A_517 : vector<1x16xf32> to vector<16xf32>
        %swap3A_519 = arith.index_cast %scan3A_192 : i32 to index
        %swap3A_520 = arith.constant 576 : index
        %swap3A_521 = tpu.vector_load %arg9[%swap3A_519, %swap3A_520] {strides = array<i32>} : memref<16x768xf32, #tpu.memory_space<vmem>>, vector<1x16xf32>,
        %swap3A_522 = vector.shape_cast %swap3A_521 : vector<1x16xf32> to vector<16xf32>
        %swap3A_523 = vector.shape_cast %get3A_518 : vector<16xf32> to vector<1x16xf32>
        tpu.vector_store %arg9[%swap3A_519, %swap3A_520], %swap3A_523 {add = true, strides = array<i32>} : memref<16x768xf32, #tpu.memory_space<vmem>>, vector<1x16xf32>,
        %get3A_524 = arith.index_cast %scan3A_192 : i32 to index
        %get3A_525 = arith.constant 592 : index
        %get3A_526 = tpu.vector_load %arg13[%get3A_524, %get3A_525] {strides = array<i32>} : memref<16x768xf32, #tpu.memory_space<vmem>>, vector<1x16xf32>,
        %get3A_527 = vector.shape_cast %get3A_526 : vector<1x16xf32> to vector<16xf32>
        %swap3A_528 = arith.index_cast %scan3A_192 : i32 to index
        %swap3A_529 = arith.constant 592 : index
        %swap3A_530 = tpu.vector_load %arg9[%swap3A_528, %swap3A_529] {strides = array<i32>} : memref<16x768xf32, #tpu.memory_space<vmem>>, vector<1x16xf32>,
        %swap3A_531 = vector.shape_cast %swap3A_530 : vector<1x16xf32> to vector<16xf32>
        %swap3A_532 = vector.shape_cast %get3A_527 : vector<16xf32> to vector<1x16xf32>
        tpu.vector_store %arg9[%swap3A_528, %swap3A_529], %swap3A_532 {add = true, strides = array<i32>} : memref<16x768xf32, #tpu.memory_space<vmem>>, vector<1x16xf32>,
        %get3A_533 = arith.index_cast %scan3A_192 : i32 to index
        %get3A_534 = arith.constant 608 : index
        %get3A_535 = tpu.vector_load %arg13[%get3A_533, %get3A_534] {strides = array<i32>} : memref<16x768xf32, #tpu.memory_space<vmem>>, vector<1x16xf32>,
        %get3A_536 = vector.shape_cast %get3A_535 : vector<1x16xf32> to vector<16xf32>
        %swap3A_537 = arith.index_cast %scan3A_192 : i32 to index
        %swap3A_538 = arith.constant 608 : index
        %swap3A_539 = tpu.vector_load %arg9[%swap3A_537, %swap3A_538] {strides = array<i32>} : memref<16x768xf32, #tpu.memory_space<vmem>>, vector<1x16xf32>,
        %swap3A_540 = vector.shape_cast %swap3A_539 : vector<1x16xf32> to vector<16xf32>
        %swap3A_541 = vector.shape_cast %get3A_536 : vector<16xf32> to vector<1x16xf32>
        tpu.vector_store %arg9[%swap3A_537, %swap3A_538], %swap3A_541 {add = true, strides = array<i32>} : memref<16x768xf32, #tpu.memory_space<vmem>>, vector<1x16xf32>,
        %get3A_542 = arith.index_cast %scan3A_192 : i32 to index
        %get3A_543 = arith.constant 624 : index
        %get3A_544 = tpu.vector_load %arg13[%get3A_542, %get3A_543] {strides = array<i32>} : memref<16x768xf32, #tpu.memory_space<vmem>>, vector<1x16xf32>,
        %get3A_545 = vector.shape_cast %get3A_544 : vector<1x16xf32> to vector<16xf32>
        %swap3A_546 = arith.index_cast %scan3A_192 : i32 to index
        %swap3A_547 = arith.constant 624 : index
        %swap3A_548 = tpu.vector_load %arg9[%swap3A_546, %swap3A_547] {strides = array<i32>} : memref<16x768xf32, #tpu.memory_space<vmem>>, vector<1x16xf32>,
        %swap3A_549 = vector.shape_cast %swap3A_548 : vector<1x16xf32> to vector<16xf32>
        %swap3A_550 = vector.shape_cast %get3A_545 : vector<16xf32> to vector<1x16xf32>
        tpu.vector_store %arg9[%swap3A_546, %swap3A_547], %swap3A_550 {add = true, strides = array<i32>} : memref<16x768xf32, #tpu.memory_space<vmem>>, vector<1x16xf32>,
        %get3A_551 = arith.index_cast %scan3A_192 : i32 to index
        %get3A_552 = arith.constant 640 : index
        %get3A_553 = tpu.vector_load %arg13[%get3A_551, %get3A_552] {strides = array<i32>} : memref<16x768xf32, #tpu.memory_space<vmem>>, vector<1x16xf32>,
        %get3A_554 = vector.shape_cast %get3A_553 : vector<1x16xf32> to vector<16xf32>
        %swap3A_555 = arith.index_cast %scan3A_192 : i32 to index
        %swap3A_556 = arith.constant 640 : index
        %swap3A_557 = tpu.vector_load %arg9[%swap3A_555, %swap3A_556] {strides = array<i32>} : memref<16x768xf32, #tpu.memory_space<vmem>>, vector<1x16xf32>,
        %swap3A_558 = vector.shape_cast %swap3A_557 : vector<1x16xf32> to vector<16xf32>
        %swap3A_559 = vector.shape_cast %get3A_554 : vector<16xf32> to vector<1x16xf32>
        tpu.vector_store %arg9[%swap3A_555, %swap3A_556], %swap3A_559 {add = true, strides = array<i32>} : memref<16x768xf32, #tpu.memory_space<vmem>>, vector<1x16xf32>,
        %get3A_560 = arith.index_cast %scan3A_192 : i32 to index
        %get3A_561 = arith.constant 656 : index
        %get3A_562 = tpu.vector_load %arg13[%get3A_560, %get3A_561] {strides = array<i32>} : memref<16x768xf32, #tpu.memory_space<vmem>>, vector<1x16xf32>,
        %get3A_563 = vector.shape_cast %get3A_562 : vector<1x16xf32> to vector<16xf32>
        %swap3A_564 = arith.index_cast %scan3A_192 : i32 to index
        %swap3A_565 = arith.constant 656 : index
        %swap3A_566 = tpu.vector_load %arg9[%swap3A_564, %swap3A_565] {strides = array<i32>} : memref<16x768xf32, #tpu.memory_space<vmem>>, vector<1x16xf32>,
        %swap3A_567 = vector.shape_cast %swap3A_566 : vector<1x16xf32> to vector<16xf32>
        %swap3A_568 = vector.shape_cast %get3A_563 : vector<16xf32> to vector<1x16xf32>
        tpu.vector_store %arg9[%swap3A_564, %swap3A_565], %swap3A_568 {add = true, strides = array<i32>} : memref<16x768xf32, #tpu.memory_space<vmem>>, vector<1x16xf32>,
        %get3A_569 = arith.index_cast %scan3A_192 : i32 to index
        %get3A_570 = arith.constant 672 : index
        %get3A_571 = tpu.vector_load %arg13[%get3A_569, %get3A_570] {strides = array<i32>} : memref<16x768xf32, #tpu.memory_space<vmem>>, vector<1x16xf32>,
        %get3A_572 = vector.shape_cast %get3A_571 : vector<1x16xf32> to vector<16xf32>
        %swap3A_573 = arith.index_cast %scan3A_192 : i32 to index
        %swap3A_574 = arith.constant 672 : index
        %swap3A_575 = tpu.vector_load %arg9[%swap3A_573, %swap3A_574] {strides = array<i32>} : memref<16x768xf32, #tpu.memory_space<vmem>>, vector<1x16xf32>,
        %swap3A_576 = vector.shape_cast %swap3A_575 : vector<1x16xf32> to vector<16xf32>
        %swap3A_577 = vector.shape_cast %get3A_572 : vector<16xf32> to vector<1x16xf32>
        tpu.vector_store %arg9[%swap3A_573, %swap3A_574], %swap3A_577 {add = true, strides = array<i32>} : memref<16x768xf32, #tpu.memory_space<vmem>>, vector<1x16xf32>,
        %get3A_578 = arith.index_cast %scan3A_192 : i32 to index
        %get3A_579 = arith.constant 688 : index
        %get3A_580 = tpu.vector_load %arg13[%get3A_578, %get3A_579] {strides = array<i32>} : memref<16x768xf32, #tpu.memory_space<vmem>>, vector<1x16xf32>,
        %get3A_581 = vector.shape_cast %get3A_580 : vector<1x16xf32> to vector<16xf32>
        %swap3A_582 = arith.index_cast %scan3A_192 : i32 to index
        %swap3A_583 = arith.constant 688 : index
        %swap3A_584 = tpu.vector_load %arg9[%swap3A_582, %swap3A_583] {strides = array<i32>} : memref<16x768xf32, #tpu.memory_space<vmem>>, vector<1x16xf32>,
        %swap3A_585 = vector.shape_cast %swap3A_584 : vector<1x16xf32> to vector<16xf32>
        %swap3A_586 = vector.shape_cast %get3A_581 : vector<16xf32> to vector<1x16xf32>
        tpu.vector_store %arg9[%swap3A_582, %swap3A_583], %swap3A_586 {add = true, strides = array<i32>} : memref<16x768xf32, #tpu.memory_space<vmem>>, vector<1x16xf32>,
        %get3A_587 = arith.index_cast %scan3A_192 : i32 to index
        %get3A_588 = arith.constant 704 : index
        %get3A_589 = tpu.vector_load %arg13[%get3A_587, %get3A_588] {strides = array<i32>} : memref<16x768xf32, #tpu.memory_space<vmem>>, vector<1x16xf32>,
        %get3A_590 = vector.shape_cast %get3A_589 : vector<1x16xf32> to vector<16xf32>
        %swap3A_591 = arith.index_cast %scan3A_192 : i32 to index
        %swap3A_592 = arith.constant 704 : index
        %swap3A_593 = tpu.vector_load %arg9[%swap3A_591, %swap3A_592] {strides = array<i32>} : memref<16x768xf32, #tpu.memory_space<vmem>>, vector<1x16xf32>,
        %swap3A_594 = vector.shape_cast %swap3A_593 : vector<1x16xf32> to vector<16xf32>
        %swap3A_595 = vector.shape_cast %get3A_590 : vector<16xf32> to vector<1x16xf32>
        tpu.vector_store %arg9[%swap3A_591, %swap3A_592], %swap3A_595 {add = true, strides = array<i32>} : memref<16x768xf32, #tpu.memory_space<vmem>>, vector<1x16xf32>,
        %get3A_596 = arith.index_cast %scan3A_192 : i32 to index
        %get3A_597 = arith.constant 720 : index
        %get3A_598 = tpu.vector_load %arg13[%get3A_596, %get3A_597] {strides = array<i32>} : memref<16x768xf32, #tpu.memory_space<vmem>>, vector<1x16xf32>,
        %get3A_599 = vector.shape_cast %get3A_598 : vector<1x16xf32> to vector<16xf32>
        %swap3A_600 = arith.index_cast %scan3A_192 : i32 to index
        %swap3A_601 = arith.constant 720 : index
        %swap3A_602 = tpu.vector_load %arg9[%swap3A_600, %swap3A_601] {strides = array<i32>} : memref<16x768xf32, #tpu.memory_space<vmem>>, vector<1x16xf32>,
        %swap3A_603 = vector.shape_cast %swap3A_602 : vector<1x16xf32> to vector<16xf32>
        %swap3A_604 = vector.shape_cast %get3A_599 : vector<16xf32> to vector<1x16xf32>
        tpu.vector_store %arg9[%swap3A_600, %swap3A_601], %swap3A_604 {add = true, strides = array<i32>} : memref<16x768xf32, #tpu.memory_space<vmem>>, vector<1x16xf32>,
        %get3A_605 = arith.index_cast %scan3A_192 : i32 to index
        %get3A_606 = arith.constant 736 : index
        %get3A_607 = tpu.vector_load %arg13[%get3A_605, %get3A_606] {strides = array<i32>} : memref<16x768xf32, #tpu.memory_space<vmem>>, vector<1x16xf32>,
        %get3A_608 = vector.shape_cast %get3A_607 : vector<1x16xf32> to vector<16xf32>
        %swap3A_609 = arith.index_cast %scan3A_192 : i32 to index
        %swap3A_610 = arith.constant 736 : index
        %swap3A_611 = tpu.vector_load %arg9[%swap3A_609, %swap3A_610] {strides = array<i32>} : memref<16x768xf32, #tpu.memory_space<vmem>>, vector<1x16xf32>,
        %swap3A_612 = vector.shape_cast %swap3A_611 : vector<1x16xf32> to vector<16xf32>
        %swap3A_613 = vector.shape_cast %get3A_608 : vector<16xf32> to vector<1x16xf32>
        tpu.vector_store %arg9[%swap3A_609, %swap3A_610], %swap3A_613 {add = true, strides = array<i32>} : memref<16x768xf32, #tpu.memory_space<vmem>>, vector<1x16xf32>,
        %get3A_614 = arith.index_cast %scan3A_192 : i32 to index
        %get3A_615 = arith.constant 752 : index
        %get3A_616 = tpu.vector_load %arg13[%get3A_614, %get3A_615] {strides = array<i32>} : memref<16x768xf32, #tpu.memory_space<vmem>>, vector<1x16xf32>,
        %get3A_617 = vector.shape_cast %get3A_616 : vector<1x16xf32> to vector<16xf32>
        %swap3A_618 = arith.index_cast %scan3A_192 : i32 to index
        %swap3A_619 = arith.constant 752 : index
        %swap3A_620 = tpu.vector_load %arg9[%swap3A_618, %swap3A_619] {strides = array<i32>} : memref<16x768xf32, #tpu.memory_space<vmem>>, vector<1x16xf32>,
        %swap3A_621 = vector.shape_cast %swap3A_620 : vector<1x16xf32> to vector<16xf32>
        %swap3A_622 = vector.shape_cast %get3A_617 : vector<16xf32> to vector<1x16xf32>
        tpu.vector_store %arg9[%swap3A_618, %swap3A_619], %swap3A_622 {add = true, strides = array<i32>} : memref<16x768xf32, #tpu.memory_space<vmem>>, vector<1x16xf32>,
      }
      %scan3A_149 = arith.constant 16 : i32
      %mul3A_150 = arith.constant 16 : i32
      %mul3A_151 = arith.muli %add3A_123, %mul3A_150 : i32
      %add3A_152 = arith.addi %mul3A_2, %mul3A_151 : i32
      %dma_start3A_153 = arith.constant 0 : i32
      %dma_start3A_154 = tpu.memref_slice %arg5[%add3A_152, %dma_start3A_153] : memref<32768x768xf32, #tpu.memory_space<hbm>> -> memref<16x768xf32, #tpu.memory_space<hbm>>
      %dma_start3A_155 = arith.constant 0 : i32
      %dma_start3A_156 = tpu.memref_slice %arg5[%add3A_152, %dma_start3A_155] : memref<32768x768xf32, #tpu.memory_space<hbm>> -> memref<16x768xf32, #tpu.memory_space<hbm>>
      tpu.enqueue_dma source(%arg9 : memref<16x768xf32, #tpu.memory_space<vmem>>) target(%dma_start3A_156 : memref<16x768xf32, #tpu.memory_space<hbm>>) target_semaphore(%arg25 : memref<!tpu.dma_semaphore, #tpu.memory_space<semaphore_mem>>)
      %add3A_157 = arith.constant 3 : i32
      %add3A_158 = arith.addi %mul3A_54, %add3A_157 : i32
      %mul3A_159 = arith.constant 16 : i32
      %mul3A_160 = arith.muli %add3A_158, %mul3A_159 : i32
      %add3A_161 = arith.addi %mul3A_2, %mul3A_160 : i32
      %dma_wait3A_162 = arith.constant 0 : i32
      %dma_wait3A_163 = tpu.memref_slice %arg2[%add3A_161, %dma_wait3A_162] : memref<32768x768xf32, #tpu.memory_space<hbm>> -> memref<16x768xf32, #tpu.memory_space<hbm>>
      %dma_wait3A_164 = arith.constant 0 : i32
      %dma_wait3A_165 = tpu.memref_slice %arg2[%add3A_161, %dma_wait3A_164] : memref<32768x768xf32, #tpu.memory_space<hbm>> -> memref<16x768xf32, #tpu.memory_space<hbm>>
      tpu.wait_dma2 semaphore(%arg18 : memref<!tpu.dma_semaphore, #tpu.memory_space<semaphore_mem>>) src(%dma_wait3A_165 : memref<16x768xf32, #tpu.memory_space<hbm>>) dst(%arg10 : memref<16x768xf32, #tpu.memory_space<vmem>>)
      %mul3A_166 = arith.constant 16 : i32
      %mul3A_167 = arith.muli %add3A_158, %mul3A_166 : i32
      %dma_wait3A_168 = tpu.memref_slice %arg6[%mul3A_167] : memref<1024xi32, #tpu.memory_space<vmem>> -> memref<16xi32, #tpu.memory_space<vmem>>
      %dma_wait3A_169 = arith.constant 0 : i32
      %dma_wait3A_170 = arith.constant 0 : i32
      %dma_wait3A_171 = tpu.memref_slice %arg4[%dma_wait3A_169, %dma_wait3A_170] : memref<8192x768xf32, #tpu.memory_space<hbm>> -> memref<8192x768xf32, #tpu.memory_space<hbm>>
      tpu.wait_indirect_dma semaphore(%arg22 : memref<!tpu.dma_semaphore, #tpu.memory_space<semaphore_mem>>) src(%dma_wait3A_171 : memref<8192x768xf32, #tpu.memory_space<hbm>>) dst(%arg14 : memref<16x768xf32, #tpu.memory_space<vmem>>)
      %add3A_172 = arith.constant 2 : i32
      %add3A_173 = arith.addi %add3A_158, %add3A_172 : i32
      %lt3A_174 = arith.constant 64 : i32
      %lt3A_175 = arith.cmpi slt, %add3A_173, %lt3A_174 : i32
      %convert_element_type3A_176 = arith.extui %lt3A_175 : i1 to i32
      %cond3A_177 = arith.constant 0 : i32
      %cond3A_178 = arith.cmpi ne, %convert_element_type3A_176, %cond3A_177 : i32
      scf.if %cond3A_178 {
        %ge3A = arith.constant 2 : i32
        %ge3A_192 = arith.cmpi sge, %add3A_158, %ge3A : i32
        %convert_element_type3A_193 = arith.extui %ge3A_192 : i1 to i32
        %cond3A_194 = arith.constant 0 : i32
        %cond3A_195 = arith.cmpi ne, %convert_element_type3A_193, %cond3A_194 : i32
        scf.if %cond3A_195 {
          %sub3A = arith.constant 2 : i32
          %sub3A_209 = arith.subi %add3A_158, %sub3A : i32
          %mul3A_210 = arith.constant 16 : i32
          %mul3A_211 = arith.muli %sub3A_209, %mul3A_210 : i32
          %add3A_212 = arith.addi %mul3A_2, %mul3A_211 : i32
          %dma_wait3A_213 = arith.constant 0 : i32
          %dma_wait3A_214 = tpu.memref_slice %arg5[%add3A_212, %dma_wait3A_213] : memref<32768x768xf32, #tpu.memory_space<hbm>> -> memref<16x768xf32, #tpu.memory_space<hbm>>
          %dma_wait3A_215 = arith.constant 0 : i32
          %dma_wait3A_216 = tpu.memref_slice %arg5[%add3A_212, %dma_wait3A_215] : memref<32768x768xf32, #tpu.memory_space<hbm>> -> memref<16x768xf32, #tpu.memory_space<hbm>>
          tpu.wait_dma2 semaphore(%arg24 : memref<!tpu.dma_semaphore, #tpu.memory_space<semaphore_mem>>) src(%arg8 : memref<16x768xf32, #tpu.memory_space<vmem>>) dst(%dma_wait3A_216 : memref<16x768xf32, #tpu.memory_space<hbm>>)
        } else {
        }
        %mul3A_196 = arith.constant 16 : i32
        %mul3A_197 = arith.muli %add3A_173, %mul3A_196 : i32
        %add3A_198 = arith.addi %mul3A_2, %mul3A_197 : i32
        %dma_start3A_199 = arith.constant 0 : i32
        %dma_start3A_200 = tpu.memref_slice %arg2[%add3A_198, %dma_start3A_199] : memref<32768x768xf32, #tpu.memory_space<hbm>> -> memref<16x768xf32, #tpu.memory_space<hbm>>
        %dma_start3A_201 = arith.constant 0 : i32
        %dma_start3A_202 = tpu.memref_slice %arg2[%add3A_198, %dma_start3A_201] : memref<32768x768xf32, #tpu.memory_space<hbm>> -> memref<16x768xf32, #tpu.memory_space<hbm>>
        tpu.enqueue_dma source(%dma_start3A_202 : memref<16x768xf32, #tpu.memory_space<hbm>>) target(%arg8 : memref<16x768xf32, #tpu.memory_space<vmem>>) target_semaphore(%arg16 : memref<!tpu.dma_semaphore, #tpu.memory_space<semaphore_mem>>)
        %mul3A_203 = arith.constant 16 : i32
        %mul3A_204 = arith.muli %add3A_173, %mul3A_203 : i32
        %dma_start3A_205 = tpu.memref_slice %arg6[%mul3A_204] : memref<1024xi32, #tpu.memory_space<vmem>> -> memref<16xi32, #tpu.memory_space<vmem>>
        %dma_start3A_206 = arith.constant 0 : i32
        %dma_start3A_207 = arith.constant 0 : i32
        %dma_start3A_208 = tpu.memref_slice %arg4[%dma_start3A_206, %dma_start3A_207] : memref<8192x768xf32, #tpu.memory_space<hbm>> -> memref<8192x768xf32, #tpu.memory_space<hbm>>
        tpu.enqueue_indirect_dma source(%dma_start3A_208 : memref<8192x768xf32, #tpu.memory_space<hbm>>) target(%arg12 : memref<16x768xf32, #tpu.memory_space<vmem>>) offsets(%dma_start3A_205 : memref<16xi32, #tpu.memory_space<vmem>>) semaphore(%arg20 : memref<!tpu.dma_semaphore, #tpu.memory_space<semaphore_mem>>)
      } else {
      }
      %scan3A_179 = arith.constant 0 : i32
      %scan3A_180 = arith.constant 0 : i32
      %scan3A_181 = arith.constant 16 : i32
      %scan3A_182 = arith.addi %scan3A_180, %scan3A_181 : i32
      %scan3A_183 = arith.constant 1 : i32
      scf.for %scan3A_192 = %scan3A_180 to %scan3A_182 step %scan3A_183  : i32 {
        %get3A = arith.index_cast %scan3A_192 : i32 to index
        %get3A_193 = arith.constant 0 : index
        %get3A_194 = tpu.vector_load %arg14[%get3A, %get3A_193] {strides = array<i32>} : memref<16x768xf32, #tpu.memory_space<vmem>>, vector<1x16xf32>,
        %get3A_195 = vector.shape_cast %get3A_194 : vector<1x16xf32> to vector<16xf32>
        %swap3A = arith.index_cast %scan3A_192 : i32 to index
        %swap3A_196 = arith.constant 0 : index
        %swap3A_197 = tpu.vector_load %arg10[%swap3A, %swap3A_196] {strides = array<i32>} : memref<16x768xf32, #tpu.memory_space<vmem>>, vector<1x16xf32>,
        %swap3A_198 = vector.shape_cast %swap3A_197 : vector<1x16xf32> to vector<16xf32>
        %swap3A_199 = vector.shape_cast %get3A_195 : vector<16xf32> to vector<1x16xf32>
        tpu.vector_store %arg10[%swap3A, %swap3A_196], %swap3A_199 {add = true, strides = array<i32>} : memref<16x768xf32, #tpu.memory_space<vmem>>, vector<1x16xf32>,
        %get3A_200 = arith.index_cast %scan3A_192 : i32 to index
        %get3A_201 = arith.constant 16 : index
        %get3A_202 = tpu.vector_load %arg14[%get3A_200, %get3A_201] {strides = array<i32>} : memref<16x768xf32, #tpu.memory_space<vmem>>, vector<1x16xf32>,
        %get3A_203 = vector.shape_cast %get3A_202 : vector<1x16xf32> to vector<16xf32>
        %swap3A_204 = arith.index_cast %scan3A_192 : i32 to index
        %swap3A_205 = arith.constant 16 : index
        %swap3A_206 = tpu.vector_load %arg10[%swap3A_204, %swap3A_205] {strides = array<i32>} : memref<16x768xf32, #tpu.memory_space<vmem>>, vector<1x16xf32>,
        %swap3A_207 = vector.shape_cast %swap3A_206 : vector<1x16xf32> to vector<16xf32>
        %swap3A_208 = vector.shape_cast %get3A_203 : vector<16xf32> to vector<1x16xf32>
        tpu.vector_store %arg10[%swap3A_204, %swap3A_205], %swap3A_208 {add = true, strides = array<i32>} : memref<16x768xf32, #tpu.memory_space<vmem>>, vector<1x16xf32>,
        %get3A_209 = arith.index_cast %scan3A_192 : i32 to index
        %get3A_210 = arith.constant 32 : index
        %get3A_211 = tpu.vector_load %arg14[%get3A_209, %get3A_210] {strides = array<i32>} : memref<16x768xf32, #tpu.memory_space<vmem>>, vector<1x16xf32>,
        %get3A_212 = vector.shape_cast %get3A_211 : vector<1x16xf32> to vector<16xf32>
        %swap3A_213 = arith.index_cast %scan3A_192 : i32 to index
        %swap3A_214 = arith.constant 32 : index
        %swap3A_215 = tpu.vector_load %arg10[%swap3A_213, %swap3A_214] {strides = array<i32>} : memref<16x768xf32, #tpu.memory_space<vmem>>, vector<1x16xf32>,
        %swap3A_216 = vector.shape_cast %swap3A_215 : vector<1x16xf32> to vector<16xf32>
        %swap3A_217 = vector.shape_cast %get3A_212 : vector<16xf32> to vector<1x16xf32>
        tpu.vector_store %arg10[%swap3A_213, %swap3A_214], %swap3A_217 {add = true, strides = array<i32>} : memref<16x768xf32, #tpu.memory_space<vmem>>, vector<1x16xf32>,
        %get3A_218 = arith.index_cast %scan3A_192 : i32 to index
        %get3A_219 = arith.constant 48 : index
        %get3A_220 = tpu.vector_load %arg14[%get3A_218, %get3A_219] {strides = array<i32>} : memref<16x768xf32, #tpu.memory_space<vmem>>, vector<1x16xf32>,
        %get3A_221 = vector.shape_cast %get3A_220 : vector<1x16xf32> to vector<16xf32>
        %swap3A_222 = arith.index_cast %scan3A_192 : i32 to index
        %swap3A_223 = arith.constant 48 : index
        %swap3A_224 = tpu.vector_load %arg10[%swap3A_222, %swap3A_223] {strides = array<i32>} : memref<16x768xf32, #tpu.memory_space<vmem>>, vector<1x16xf32>,
        %swap3A_225 = vector.shape_cast %swap3A_224 : vector<1x16xf32> to vector<16xf32>
        %swap3A_226 = vector.shape_cast %get3A_221 : vector<16xf32> to vector<1x16xf32>
        tpu.vector_store %arg10[%swap3A_222, %swap3A_223], %swap3A_226 {add = true, strides = array<i32>} : memref<16x768xf32, #tpu.memory_space<vmem>>, vector<1x16xf32>,
        %get3A_227 = arith.index_cast %scan3A_192 : i32 to index
        %get3A_228 = arith.constant 64 : index
        %get3A_229 = tpu.vector_load %arg14[%get3A_227, %get3A_228] {strides = array<i32>} : memref<16x768xf32, #tpu.memory_space<vmem>>, vector<1x16xf32>,
        %get3A_230 = vector.shape_cast %get3A_229 : vector<1x16xf32> to vector<16xf32>
        %swap3A_231 = arith.index_cast %scan3A_192 : i32 to index
        %swap3A_232 = arith.constant 64 : index
        %swap3A_233 = tpu.vector_load %arg10[%swap3A_231, %swap3A_232] {strides = array<i32>} : memref<16x768xf32, #tpu.memory_space<vmem>>, vector<1x16xf32>,
        %swap3A_234 = vector.shape_cast %swap3A_233 : vector<1x16xf32> to vector<16xf32>
        %swap3A_235 = vector.shape_cast %get3A_230 : vector<16xf32> to vector<1x16xf32>
        tpu.vector_store %arg10[%swap3A_231, %swap3A_232], %swap3A_235 {add = true, strides = array<i32>} : memref<16x768xf32, #tpu.memory_space<vmem>>, vector<1x16xf32>,
        %get3A_236 = arith.index_cast %scan3A_192 : i32 to index
        %get3A_237 = arith.constant 80 : index
        %get3A_238 = tpu.vector_load %arg14[%get3A_236, %get3A_237] {strides = array<i32>} : memref<16x768xf32, #tpu.memory_space<vmem>>, vector<1x16xf32>,
        %get3A_239 = vector.shape_cast %get3A_238 : vector<1x16xf32> to vector<16xf32>
        %swap3A_240 = arith.index_cast %scan3A_192 : i32 to index
        %swap3A_241 = arith.constant 80 : index
        %swap3A_242 = tpu.vector_load %arg10[%swap3A_240, %swap3A_241] {strides = array<i32>} : memref<16x768xf32, #tpu.memory_space<vmem>>, vector<1x16xf32>,
        %swap3A_243 = vector.shape_cast %swap3A_242 : vector<1x16xf32> to vector<16xf32>
        %swap3A_244 = vector.shape_cast %get3A_239 : vector<16xf32> to vector<1x16xf32>
        tpu.vector_store %arg10[%swap3A_240, %swap3A_241], %swap3A_244 {add = true, strides = array<i32>} : memref<16x768xf32, #tpu.memory_space<vmem>>, vector<1x16xf32>,
        %get3A_245 = arith.index_cast %scan3A_192 : i32 to index
        %get3A_246 = arith.constant 96 : index
        %get3A_247 = tpu.vector_load %arg14[%get3A_245, %get3A_246] {strides = array<i32>} : memref<16x768xf32, #tpu.memory_space<vmem>>, vector<1x16xf32>,
        %get3A_248 = vector.shape_cast %get3A_247 : vector<1x16xf32> to vector<16xf32>
        %swap3A_249 = arith.index_cast %scan3A_192 : i32 to index
        %swap3A_250 = arith.constant 96 : index
        %swap3A_251 = tpu.vector_load %arg10[%swap3A_249, %swap3A_250] {strides = array<i32>} : memref<16x768xf32, #tpu.memory_space<vmem>>, vector<1x16xf32>,
        %swap3A_252 = vector.shape_cast %swap3A_251 : vector<1x16xf32> to vector<16xf32>
        %swap3A_253 = vector.shape_cast %get3A_248 : vector<16xf32> to vector<1x16xf32>
        tpu.vector_store %arg10[%swap3A_249, %swap3A_250], %swap3A_253 {add = true, strides = array<i32>} : memref<16x768xf32, #tpu.memory_space<vmem>>, vector<1x16xf32>,
        %get3A_254 = arith.index_cast %scan3A_192 : i32 to index
        %get3A_255 = arith.constant 112 : index
        %get3A_256 = tpu.vector_load %arg14[%get3A_254, %get3A_255] {strides = array<i32>} : memref<16x768xf32, #tpu.memory_space<vmem>>, vector<1x16xf32>,
        %get3A_257 = vector.shape_cast %get3A_256 : vector<1x16xf32> to vector<16xf32>
        %swap3A_258 = arith.index_cast %scan3A_192 : i32 to index
        %swap3A_259 = arith.constant 112 : index
        %swap3A_260 = tpu.vector_load %arg10[%swap3A_258, %swap3A_259] {strides = array<i32>} : memref<16x768xf32, #tpu.memory_space<vmem>>, vector<1x16xf32>,
        %swap3A_261 = vector.shape_cast %swap3A_260 : vector<1x16xf32> to vector<16xf32>
        %swap3A_262 = vector.shape_cast %get3A_257 : vector<16xf32> to vector<1x16xf32>
        tpu.vector_store %arg10[%swap3A_258, %swap3A_259], %swap3A_262 {add = true, strides = array<i32>} : memref<16x768xf32, #tpu.memory_space<vmem>>, vector<1x16xf32>,
        %get3A_263 = arith.index_cast %scan3A_192 : i32 to index
        %get3A_264 = arith.constant 128 : index
        %get3A_265 = tpu.vector_load %arg14[%get3A_263, %get3A_264] {strides = array<i32>} : memref<16x768xf32, #tpu.memory_space<vmem>>, vector<1x16xf32>,
        %get3A_266 = vector.shape_cast %get3A_265 : vector<1x16xf32> to vector<16xf32>
        %swap3A_267 = arith.index_cast %scan3A_192 : i32 to index
        %swap3A_268 = arith.constant 128 : index
        %swap3A_269 = tpu.vector_load %arg10[%swap3A_267, %swap3A_268] {strides = array<i32>} : memref<16x768xf32, #tpu.memory_space<vmem>>, vector<1x16xf32>,
        %swap3A_270 = vector.shape_cast %swap3A_269 : vector<1x16xf32> to vector<16xf32>
        %swap3A_271 = vector.shape_cast %get3A_266 : vector<16xf32> to vector<1x16xf32>
        tpu.vector_store %arg10[%swap3A_267, %swap3A_268], %swap3A_271 {add = true, strides = array<i32>} : memref<16x768xf32, #tpu.memory_space<vmem>>, vector<1x16xf32>,
        %get3A_272 = arith.index_cast %scan3A_192 : i32 to index
        %get3A_273 = arith.constant 144 : index
        %get3A_274 = tpu.vector_load %arg14[%get3A_272, %get3A_273] {strides = array<i32>} : memref<16x768xf32, #tpu.memory_space<vmem>>, vector<1x16xf32>,
        %get3A_275 = vector.shape_cast %get3A_274 : vector<1x16xf32> to vector<16xf32>
        %swap3A_276 = arith.index_cast %scan3A_192 : i32 to index
        %swap3A_277 = arith.constant 144 : index
        %swap3A_278 = tpu.vector_load %arg10[%swap3A_276, %swap3A_277] {strides = array<i32>} : memref<16x768xf32, #tpu.memory_space<vmem>>, vector<1x16xf32>,
        %swap3A_279 = vector.shape_cast %swap3A_278 : vector<1x16xf32> to vector<16xf32>
        %swap3A_280 = vector.shape_cast %get3A_275 : vector<16xf32> to vector<1x16xf32>
        tpu.vector_store %arg10[%swap3A_276, %swap3A_277], %swap3A_280 {add = true, strides = array<i32>} : memref<16x768xf32, #tpu.memory_space<vmem>>, vector<1x16xf32>,
        %get3A_281 = arith.index_cast %scan3A_192 : i32 to index
        %get3A_282 = arith.constant 160 : index
        %get3A_283 = tpu.vector_load %arg14[%get3A_281, %get3A_282] {strides = array<i32>} : memref<16x768xf32, #tpu.memory_space<vmem>>, vector<1x16xf32>,
        %get3A_284 = vector.shape_cast %get3A_283 : vector<1x16xf32> to vector<16xf32>
        %swap3A_285 = arith.index_cast %scan3A_192 : i32 to index
        %swap3A_286 = arith.constant 160 : index
        %swap3A_287 = tpu.vector_load %arg10[%swap3A_285, %swap3A_286] {strides = array<i32>} : memref<16x768xf32, #tpu.memory_space<vmem>>, vector<1x16xf32>,
        %swap3A_288 = vector.shape_cast %swap3A_287 : vector<1x16xf32> to vector<16xf32>
        %swap3A_289 = vector.shape_cast %get3A_284 : vector<16xf32> to vector<1x16xf32>
        tpu.vector_store %arg10[%swap3A_285, %swap3A_286], %swap3A_289 {add = true, strides = array<i32>} : memref<16x768xf32, #tpu.memory_space<vmem>>, vector<1x16xf32>,
        %get3A_290 = arith.index_cast %scan3A_192 : i32 to index
        %get3A_291 = arith.constant 176 : index
        %get3A_292 = tpu.vector_load %arg14[%get3A_290, %get3A_291] {strides = array<i32>} : memref<16x768xf32, #tpu.memory_space<vmem>>, vector<1x16xf32>,
        %get3A_293 = vector.shape_cast %get3A_292 : vector<1x16xf32> to vector<16xf32>
        %swap3A_294 = arith.index_cast %scan3A_192 : i32 to index
        %swap3A_295 = arith.constant 176 : index
        %swap3A_296 = tpu.vector_load %arg10[%swap3A_294, %swap3A_295] {strides = array<i32>} : memref<16x768xf32, #tpu.memory_space<vmem>>, vector<1x16xf32>,
        %swap3A_297 = vector.shape_cast %swap3A_296 : vector<1x16xf32> to vector<16xf32>
        %swap3A_298 = vector.shape_cast %get3A_293 : vector<16xf32> to vector<1x16xf32>
        tpu.vector_store %arg10[%swap3A_294, %swap3A_295], %swap3A_298 {add = true, strides = array<i32>} : memref<16x768xf32, #tpu.memory_space<vmem>>, vector<1x16xf32>,
        %get3A_299 = arith.index_cast %scan3A_192 : i32 to index
        %get3A_300 = arith.constant 192 : index
        %get3A_301 = tpu.vector_load %arg14[%get3A_299, %get3A_300] {strides = array<i32>} : memref<16x768xf32, #tpu.memory_space<vmem>>, vector<1x16xf32>,
        %get3A_302 = vector.shape_cast %get3A_301 : vector<1x16xf32> to vector<16xf32>
        %swap3A_303 = arith.index_cast %scan3A_192 : i32 to index
        %swap3A_304 = arith.constant 192 : index
        %swap3A_305 = tpu.vector_load %arg10[%swap3A_303, %swap3A_304] {strides = array<i32>} : memref<16x768xf32, #tpu.memory_space<vmem>>, vector<1x16xf32>,
        %swap3A_306 = vector.shape_cast %swap3A_305 : vector<1x16xf32> to vector<16xf32>
        %swap3A_307 = vector.shape_cast %get3A_302 : vector<16xf32> to vector<1x16xf32>
        tpu.vector_store %arg10[%swap3A_303, %swap3A_304], %swap3A_307 {add = true, strides = array<i32>} : memref<16x768xf32, #tpu.memory_space<vmem>>, vector<1x16xf32>,
        %get3A_308 = arith.index_cast %scan3A_192 : i32 to index
        %get3A_309 = arith.constant 208 : index
        %get3A_310 = tpu.vector_load %arg14[%get3A_308, %get3A_309] {strides = array<i32>} : memref<16x768xf32, #tpu.memory_space<vmem>>, vector<1x16xf32>,
        %get3A_311 = vector.shape_cast %get3A_310 : vector<1x16xf32> to vector<16xf32>
        %swap3A_312 = arith.index_cast %scan3A_192 : i32 to index
        %swap3A_313 = arith.constant 208 : index
        %swap3A_314 = tpu.vector_load %arg10[%swap3A_312, %swap3A_313] {strides = array<i32>} : memref<16x768xf32, #tpu.memory_space<vmem>>, vector<1x16xf32>,
        %swap3A_315 = vector.shape_cast %swap3A_314 : vector<1x16xf32> to vector<16xf32>
        %swap3A_316 = vector.shape_cast %get3A_311 : vector<16xf32> to vector<1x16xf32>
        tpu.vector_store %arg10[%swap3A_312, %swap3A_313], %swap3A_316 {add = true, strides = array<i32>} : memref<16x768xf32, #tpu.memory_space<vmem>>, vector<1x16xf32>,
        %get3A_317 = arith.index_cast %scan3A_192 : i32 to index
        %get3A_318 = arith.constant 224 : index
        %get3A_319 = tpu.vector_load %arg14[%get3A_317, %get3A_318] {strides = array<i32>} : memref<16x768xf32, #tpu.memory_space<vmem>>, vector<1x16xf32>,
        %get3A_320 = vector.shape_cast %get3A_319 : vector<1x16xf32> to vector<16xf32>
        %swap3A_321 = arith.index_cast %scan3A_192 : i32 to index
        %swap3A_322 = arith.constant 224 : index
        %swap3A_323 = tpu.vector_load %arg10[%swap3A_321, %swap3A_322] {strides = array<i32>} : memref<16x768xf32, #tpu.memory_space<vmem>>, vector<1x16xf32>,
        %swap3A_324 = vector.shape_cast %swap3A_323 : vector<1x16xf32> to vector<16xf32>
        %swap3A_325 = vector.shape_cast %get3A_320 : vector<16xf32> to vector<1x16xf32>
        tpu.vector_store %arg10[%swap3A_321, %swap3A_322], %swap3A_325 {add = true, strides = array<i32>} : memref<16x768xf32, #tpu.memory_space<vmem>>, vector<1x16xf32>,
        %get3A_326 = arith.index_cast %scan3A_192 : i32 to index
        %get3A_327 = arith.constant 240 : index
        %get3A_328 = tpu.vector_load %arg14[%get3A_326, %get3A_327] {strides = array<i32>} : memref<16x768xf32, #tpu.memory_space<vmem>>, vector<1x16xf32>,
        %get3A_329 = vector.shape_cast %get3A_328 : vector<1x16xf32> to vector<16xf32>
        %swap3A_330 = arith.index_cast %scan3A_192 : i32 to index
        %swap3A_331 = arith.constant 240 : index
        %swap3A_332 = tpu.vector_load %arg10[%swap3A_330, %swap3A_331] {strides = array<i32>} : memref<16x768xf32, #tpu.memory_space<vmem>>, vector<1x16xf32>,
        %swap3A_333 = vector.shape_cast %swap3A_332 : vector<1x16xf32> to vector<16xf32>
        %swap3A_334 = vector.shape_cast %get3A_329 : vector<16xf32> to vector<1x16xf32>
        tpu.vector_store %arg10[%swap3A_330, %swap3A_331], %swap3A_334 {add = true, strides = array<i32>} : memref<16x768xf32, #tpu.memory_space<vmem>>, vector<1x16xf32>,
        %get3A_335 = arith.index_cast %scan3A_192 : i32 to index
        %get3A_336 = arith.constant 256 : index
        %get3A_337 = tpu.vector_load %arg14[%get3A_335, %get3A_336] {strides = array<i32>} : memref<16x768xf32, #tpu.memory_space<vmem>>, vector<1x16xf32>,
        %get3A_338 = vector.shape_cast %get3A_337 : vector<1x16xf32> to vector<16xf32>
        %swap3A_339 = arith.index_cast %scan3A_192 : i32 to index
        %swap3A_340 = arith.constant 256 : index
        %swap3A_341 = tpu.vector_load %arg10[%swap3A_339, %swap3A_340] {strides = array<i32>} : memref<16x768xf32, #tpu.memory_space<vmem>>, vector<1x16xf32>,
        %swap3A_342 = vector.shape_cast %swap3A_341 : vector<1x16xf32> to vector<16xf32>
        %swap3A_343 = vector.shape_cast %get3A_338 : vector<16xf32> to vector<1x16xf32>
        tpu.vector_store %arg10[%swap3A_339, %swap3A_340], %swap3A_343 {add = true, strides = array<i32>} : memref<16x768xf32, #tpu.memory_space<vmem>>, vector<1x16xf32>,
        %get3A_344 = arith.index_cast %scan3A_192 : i32 to index
        %get3A_345 = arith.constant 272 : index
        %get3A_346 = tpu.vector_load %arg14[%get3A_344, %get3A_345] {strides = array<i32>} : memref<16x768xf32, #tpu.memory_space<vmem>>, vector<1x16xf32>,
        %get3A_347 = vector.shape_cast %get3A_346 : vector<1x16xf32> to vector<16xf32>
        %swap3A_348 = arith.index_cast %scan3A_192 : i32 to index
        %swap3A_349 = arith.constant 272 : index
        %swap3A_350 = tpu.vector_load %arg10[%swap3A_348, %swap3A_349] {strides = array<i32>} : memref<16x768xf32, #tpu.memory_space<vmem>>, vector<1x16xf32>,
        %swap3A_351 = vector.shape_cast %swap3A_350 : vector<1x16xf32> to vector<16xf32>
        %swap3A_352 = vector.shape_cast %get3A_347 : vector<16xf32> to vector<1x16xf32>
        tpu.vector_store %arg10[%swap3A_348, %swap3A_349], %swap3A_352 {add = true, strides = array<i32>} : memref<16x768xf32, #tpu.memory_space<vmem>>, vector<1x16xf32>,
        %get3A_353 = arith.index_cast %scan3A_192 : i32 to index
        %get3A_354 = arith.constant 288 : index
        %get3A_355 = tpu.vector_load %arg14[%get3A_353, %get3A_354] {strides = array<i32>} : memref<16x768xf32, #tpu.memory_space<vmem>>, vector<1x16xf32>,
        %get3A_356 = vector.shape_cast %get3A_355 : vector<1x16xf32> to vector<16xf32>
        %swap3A_357 = arith.index_cast %scan3A_192 : i32 to index
        %swap3A_358 = arith.constant 288 : index
        %swap3A_359 = tpu.vector_load %arg10[%swap3A_357, %swap3A_358] {strides = array<i32>} : memref<16x768xf32, #tpu.memory_space<vmem>>, vector<1x16xf32>,
        %swap3A_360 = vector.shape_cast %swap3A_359 : vector<1x16xf32> to vector<16xf32>
        %swap3A_361 = vector.shape_cast %get3A_356 : vector<16xf32> to vector<1x16xf32>
        tpu.vector_store %arg10[%swap3A_357, %swap3A_358], %swap3A_361 {add = true, strides = array<i32>} : memref<16x768xf32, #tpu.memory_space<vmem>>, vector<1x16xf32>,
        %get3A_362 = arith.index_cast %scan3A_192 : i32 to index
        %get3A_363 = arith.constant 304 : index
        %get3A_364 = tpu.vector_load %arg14[%get3A_362, %get3A_363] {strides = array<i32>} : memref<16x768xf32, #tpu.memory_space<vmem>>, vector<1x16xf32>,
        %get3A_365 = vector.shape_cast %get3A_364 : vector<1x16xf32> to vector<16xf32>
        %swap3A_366 = arith.index_cast %scan3A_192 : i32 to index
        %swap3A_367 = arith.constant 304 : index
        %swap3A_368 = tpu.vector_load %arg10[%swap3A_366, %swap3A_367] {strides = array<i32>} : memref<16x768xf32, #tpu.memory_space<vmem>>, vector<1x16xf32>,
        %swap3A_369 = vector.shape_cast %swap3A_368 : vector<1x16xf32> to vector<16xf32>
        %swap3A_370 = vector.shape_cast %get3A_365 : vector<16xf32> to vector<1x16xf32>
        tpu.vector_store %arg10[%swap3A_366, %swap3A_367], %swap3A_370 {add = true, strides = array<i32>} : memref<16x768xf32, #tpu.memory_space<vmem>>, vector<1x16xf32>,
        %get3A_371 = arith.index_cast %scan3A_192 : i32 to index
        %get3A_372 = arith.constant 320 : index
        %get3A_373 = tpu.vector_load %arg14[%get3A_371, %get3A_372] {strides = array<i32>} : memref<16x768xf32, #tpu.memory_space<vmem>>, vector<1x16xf32>,
        %get3A_374 = vector.shape_cast %get3A_373 : vector<1x16xf32> to vector<16xf32>
        %swap3A_375 = arith.index_cast %scan3A_192 : i32 to index
        %swap3A_376 = arith.constant 320 : index
        %swap3A_377 = tpu.vector_load %arg10[%swap3A_375, %swap3A_376] {strides = array<i32>} : memref<16x768xf32, #tpu.memory_space<vmem>>, vector<1x16xf32>,
        %swap3A_378 = vector.shape_cast %swap3A_377 : vector<1x16xf32> to vector<16xf32>
        %swap3A_379 = vector.shape_cast %get3A_374 : vector<16xf32> to vector<1x16xf32>
        tpu.vector_store %arg10[%swap3A_375, %swap3A_376], %swap3A_379 {add = true, strides = array<i32>} : memref<16x768xf32, #tpu.memory_space<vmem>>, vector<1x16xf32>,
        %get3A_380 = arith.index_cast %scan3A_192 : i32 to index
        %get3A_381 = arith.constant 336 : index
        %get3A_382 = tpu.vector_load %arg14[%get3A_380, %get3A_381] {strides = array<i32>} : memref<16x768xf32, #tpu.memory_space<vmem>>, vector<1x16xf32>,
        %get3A_383 = vector.shape_cast %get3A_382 : vector<1x16xf32> to vector<16xf32>
        %swap3A_384 = arith.index_cast %scan3A_192 : i32 to index
        %swap3A_385 = arith.constant 336 : index
        %swap3A_386 = tpu.vector_load %arg10[%swap3A_384, %swap3A_385] {strides = array<i32>} : memref<16x768xf32, #tpu.memory_space<vmem>>, vector<1x16xf32>,
        %swap3A_387 = vector.shape_cast %swap3A_386 : vector<1x16xf32> to vector<16xf32>
        %swap3A_388 = vector.shape_cast %get3A_383 : vector<16xf32> to vector<1x16xf32>
        tpu.vector_store %arg10[%swap3A_384, %swap3A_385], %swap3A_388 {add = true, strides = array<i32>} : memref<16x768xf32, #tpu.memory_space<vmem>>, vector<1x16xf32>,
        %get3A_389 = arith.index_cast %scan3A_192 : i32 to index
        %get3A_390 = arith.constant 352 : index
        %get3A_391 = tpu.vector_load %arg14[%get3A_389, %get3A_390] {strides = array<i32>} : memref<16x768xf32, #tpu.memory_space<vmem>>, vector<1x16xf32>,
        %get3A_392 = vector.shape_cast %get3A_391 : vector<1x16xf32> to vector<16xf32>
        %swap3A_393 = arith.index_cast %scan3A_192 : i32 to index
        %swap3A_394 = arith.constant 352 : index
        %swap3A_395 = tpu.vector_load %arg10[%swap3A_393, %swap3A_394] {strides = array<i32>} : memref<16x768xf32, #tpu.memory_space<vmem>>, vector<1x16xf32>,
        %swap3A_396 = vector.shape_cast %swap3A_395 : vector<1x16xf32> to vector<16xf32>
        %swap3A_397 = vector.shape_cast %get3A_392 : vector<16xf32> to vector<1x16xf32>
        tpu.vector_store %arg10[%swap3A_393, %swap3A_394], %swap3A_397 {add = true, strides = array<i32>} : memref<16x768xf32, #tpu.memory_space<vmem>>, vector<1x16xf32>,
        %get3A_398 = arith.index_cast %scan3A_192 : i32 to index
        %get3A_399 = arith.constant 368 : index
        %get3A_400 = tpu.vector_load %arg14[%get3A_398, %get3A_399] {strides = array<i32>} : memref<16x768xf32, #tpu.memory_space<vmem>>, vector<1x16xf32>,
        %get3A_401 = vector.shape_cast %get3A_400 : vector<1x16xf32> to vector<16xf32>
        %swap3A_402 = arith.index_cast %scan3A_192 : i32 to index
        %swap3A_403 = arith.constant 368 : index
        %swap3A_404 = tpu.vector_load %arg10[%swap3A_402, %swap3A_403] {strides = array<i32>} : memref<16x768xf32, #tpu.memory_space<vmem>>, vector<1x16xf32>,
        %swap3A_405 = vector.shape_cast %swap3A_404 : vector<1x16xf32> to vector<16xf32>
        %swap3A_406 = vector.shape_cast %get3A_401 : vector<16xf32> to vector<1x16xf32>
        tpu.vector_store %arg10[%swap3A_402, %swap3A_403], %swap3A_406 {add = true, strides = array<i32>} : memref<16x768xf32, #tpu.memory_space<vmem>>, vector<1x16xf32>,
        %get3A_407 = arith.index_cast %scan3A_192 : i32 to index
        %get3A_408 = arith.constant 384 : index
        %get3A_409 = tpu.vector_load %arg14[%get3A_407, %get3A_408] {strides = array<i32>} : memref<16x768xf32, #tpu.memory_space<vmem>>, vector<1x16xf32>,
        %get3A_410 = vector.shape_cast %get3A_409 : vector<1x16xf32> to vector<16xf32>
        %swap3A_411 = arith.index_cast %scan3A_192 : i32 to index
        %swap3A_412 = arith.constant 384 : index
        %swap3A_413 = tpu.vector_load %arg10[%swap3A_411, %swap3A_412] {strides = array<i32>} : memref<16x768xf32, #tpu.memory_space<vmem>>, vector<1x16xf32>,
        %swap3A_414 = vector.shape_cast %swap3A_413 : vector<1x16xf32> to vector<16xf32>
        %swap3A_415 = vector.shape_cast %get3A_410 : vector<16xf32> to vector<1x16xf32>
        tpu.vector_store %arg10[%swap3A_411, %swap3A_412], %swap3A_415 {add = true, strides = array<i32>} : memref<16x768xf32, #tpu.memory_space<vmem>>, vector<1x16xf32>,
        %get3A_416 = arith.index_cast %scan3A_192 : i32 to index
        %get3A_417 = arith.constant 400 : index
        %get3A_418 = tpu.vector_load %arg14[%get3A_416, %get3A_417] {strides = array<i32>} : memref<16x768xf32, #tpu.memory_space<vmem>>, vector<1x16xf32>,
        %get3A_419 = vector.shape_cast %get3A_418 : vector<1x16xf32> to vector<16xf32>
        %swap3A_420 = arith.index_cast %scan3A_192 : i32 to index
        %swap3A_421 = arith.constant 400 : index
        %swap3A_422 = tpu.vector_load %arg10[%swap3A_420, %swap3A_421] {strides = array<i32>} : memref<16x768xf32, #tpu.memory_space<vmem>>, vector<1x16xf32>,
        %swap3A_423 = vector.shape_cast %swap3A_422 : vector<1x16xf32> to vector<16xf32>
        %swap3A_424 = vector.shape_cast %get3A_419 : vector<16xf32> to vector<1x16xf32>
        tpu.vector_store %arg10[%swap3A_420, %swap3A_421], %swap3A_424 {add = true, strides = array<i32>} : memref<16x768xf32, #tpu.memory_space<vmem>>, vector<1x16xf32>,
        %get3A_425 = arith.index_cast %scan3A_192 : i32 to index
        %get3A_426 = arith.constant 416 : index
        %get3A_427 = tpu.vector_load %arg14[%get3A_425, %get3A_426] {strides = array<i32>} : memref<16x768xf32, #tpu.memory_space<vmem>>, vector<1x16xf32>,
        %get3A_428 = vector.shape_cast %get3A_427 : vector<1x16xf32> to vector<16xf32>
        %swap3A_429 = arith.index_cast %scan3A_192 : i32 to index
        %swap3A_430 = arith.constant 416 : index
        %swap3A_431 = tpu.vector_load %arg10[%swap3A_429, %swap3A_430] {strides = array<i32>} : memref<16x768xf32, #tpu.memory_space<vmem>>, vector<1x16xf32>,
        %swap3A_432 = vector.shape_cast %swap3A_431 : vector<1x16xf32> to vector<16xf32>
        %swap3A_433 = vector.shape_cast %get3A_428 : vector<16xf32> to vector<1x16xf32>
        tpu.vector_store %arg10[%swap3A_429, %swap3A_430], %swap3A_433 {add = true, strides = array<i32>} : memref<16x768xf32, #tpu.memory_space<vmem>>, vector<1x16xf32>,
        %get3A_434 = arith.index_cast %scan3A_192 : i32 to index
        %get3A_435 = arith.constant 432 : index
        %get3A_436 = tpu.vector_load %arg14[%get3A_434, %get3A_435] {strides = array<i32>} : memref<16x768xf32, #tpu.memory_space<vmem>>, vector<1x16xf32>,
        %get3A_437 = vector.shape_cast %get3A_436 : vector<1x16xf32> to vector<16xf32>
        %swap3A_438 = arith.index_cast %scan3A_192 : i32 to index
        %swap3A_439 = arith.constant 432 : index
        %swap3A_440 = tpu.vector_load %arg10[%swap3A_438, %swap3A_439] {strides = array<i32>} : memref<16x768xf32, #tpu.memory_space<vmem>>, vector<1x16xf32>,
        %swap3A_441 = vector.shape_cast %swap3A_440 : vector<1x16xf32> to vector<16xf32>
        %swap3A_442 = vector.shape_cast %get3A_437 : vector<16xf32> to vector<1x16xf32>
        tpu.vector_store %arg10[%swap3A_438, %swap3A_439], %swap3A_442 {add = true, strides = array<i32>} : memref<16x768xf32, #tpu.memory_space<vmem>>, vector<1x16xf32>,
        %get3A_443 = arith.index_cast %scan3A_192 : i32 to index
        %get3A_444 = arith.constant 448 : index
        %get3A_445 = tpu.vector_load %arg14[%get3A_443, %get3A_444] {strides = array<i32>} : memref<16x768xf32, #tpu.memory_space<vmem>>, vector<1x16xf32>,
        %get3A_446 = vector.shape_cast %get3A_445 : vector<1x16xf32> to vector<16xf32>
        %swap3A_447 = arith.index_cast %scan3A_192 : i32 to index
        %swap3A_448 = arith.constant 448 : index
        %swap3A_449 = tpu.vector_load %arg10[%swap3A_447, %swap3A_448] {strides = array<i32>} : memref<16x768xf32, #tpu.memory_space<vmem>>, vector<1x16xf32>,
        %swap3A_450 = vector.shape_cast %swap3A_449 : vector<1x16xf32> to vector<16xf32>
        %swap3A_451 = vector.shape_cast %get3A_446 : vector<16xf32> to vector<1x16xf32>
        tpu.vector_store %arg10[%swap3A_447, %swap3A_448], %swap3A_451 {add = true, strides = array<i32>} : memref<16x768xf32, #tpu.memory_space<vmem>>, vector<1x16xf32>,
        %get3A_452 = arith.index_cast %scan3A_192 : i32 to index
        %get3A_453 = arith.constant 464 : index
        %get3A_454 = tpu.vector_load %arg14[%get3A_452, %get3A_453] {strides = array<i32>} : memref<16x768xf32, #tpu.memory_space<vmem>>, vector<1x16xf32>,
        %get3A_455 = vector.shape_cast %get3A_454 : vector<1x16xf32> to vector<16xf32>
        %swap3A_456 = arith.index_cast %scan3A_192 : i32 to index
        %swap3A_457 = arith.constant 464 : index
        %swap3A_458 = tpu.vector_load %arg10[%swap3A_456, %swap3A_457] {strides = array<i32>} : memref<16x768xf32, #tpu.memory_space<vmem>>, vector<1x16xf32>,
        %swap3A_459 = vector.shape_cast %swap3A_458 : vector<1x16xf32> to vector<16xf32>
        %swap3A_460 = vector.shape_cast %get3A_455 : vector<16xf32> to vector<1x16xf32>
        tpu.vector_store %arg10[%swap3A_456, %swap3A_457], %swap3A_460 {add = true, strides = array<i32>} : memref<16x768xf32, #tpu.memory_space<vmem>>, vector<1x16xf32>,
        %get3A_461 = arith.index_cast %scan3A_192 : i32 to index
        %get3A_462 = arith.constant 480 : index
        %get3A_463 = tpu.vector_load %arg14[%get3A_461, %get3A_462] {strides = array<i32>} : memref<16x768xf32, #tpu.memory_space<vmem>>, vector<1x16xf32>,
        %get3A_464 = vector.shape_cast %get3A_463 : vector<1x16xf32> to vector<16xf32>
        %swap3A_465 = arith.index_cast %scan3A_192 : i32 to index
        %swap3A_466 = arith.constant 480 : index
        %swap3A_467 = tpu.vector_load %arg10[%swap3A_465, %swap3A_466] {strides = array<i32>} : memref<16x768xf32, #tpu.memory_space<vmem>>, vector<1x16xf32>,
        %swap3A_468 = vector.shape_cast %swap3A_467 : vector<1x16xf32> to vector<16xf32>
        %swap3A_469 = vector.shape_cast %get3A_464 : vector<16xf32> to vector<1x16xf32>
        tpu.vector_store %arg10[%swap3A_465, %swap3A_466], %swap3A_469 {add = true, strides = array<i32>} : memref<16x768xf32, #tpu.memory_space<vmem>>, vector<1x16xf32>,
        %get3A_470 = arith.index_cast %scan3A_192 : i32 to index
        %get3A_471 = arith.constant 496 : index
        %get3A_472 = tpu.vector_load %arg14[%get3A_470, %get3A_471] {strides = array<i32>} : memref<16x768xf32, #tpu.memory_space<vmem>>, vector<1x16xf32>,
        %get3A_473 = vector.shape_cast %get3A_472 : vector<1x16xf32> to vector<16xf32>
        %swap3A_474 = arith.index_cast %scan3A_192 : i32 to index
        %swap3A_475 = arith.constant 496 : index
        %swap3A_476 = tpu.vector_load %arg10[%swap3A_474, %swap3A_475] {strides = array<i32>} : memref<16x768xf32, #tpu.memory_space<vmem>>, vector<1x16xf32>,
        %swap3A_477 = vector.shape_cast %swap3A_476 : vector<1x16xf32> to vector<16xf32>
        %swap3A_478 = vector.shape_cast %get3A_473 : vector<16xf32> to vector<1x16xf32>
        tpu.vector_store %arg10[%swap3A_474, %swap3A_475], %swap3A_478 {add = true, strides = array<i32>} : memref<16x768xf32, #tpu.memory_space<vmem>>, vector<1x16xf32>,
        %get3A_479 = arith.index_cast %scan3A_192 : i32 to index
        %get3A_480 = arith.constant 512 : index
        %get3A_481 = tpu.vector_load %arg14[%get3A_479, %get3A_480] {strides = array<i32>} : memref<16x768xf32, #tpu.memory_space<vmem>>, vector<1x16xf32>,
        %get3A_482 = vector.shape_cast %get3A_481 : vector<1x16xf32> to vector<16xf32>
        %swap3A_483 = arith.index_cast %scan3A_192 : i32 to index
        %swap3A_484 = arith.constant 512 : index
        %swap3A_485 = tpu.vector_load %arg10[%swap3A_483, %swap3A_484] {strides = array<i32>} : memref<16x768xf32, #tpu.memory_space<vmem>>, vector<1x16xf32>,
        %swap3A_486 = vector.shape_cast %swap3A_485 : vector<1x16xf32> to vector<16xf32>
        %swap3A_487 = vector.shape_cast %get3A_482 : vector<16xf32> to vector<1x16xf32>
        tpu.vector_store %arg10[%swap3A_483, %swap3A_484], %swap3A_487 {add = true, strides = array<i32>} : memref<16x768xf32, #tpu.memory_space<vmem>>, vector<1x16xf32>,
        %get3A_488 = arith.index_cast %scan3A_192 : i32 to index
        %get3A_489 = arith.constant 528 : index
        %get3A_490 = tpu.vector_load %arg14[%get3A_488, %get3A_489] {strides = array<i32>} : memref<16x768xf32, #tpu.memory_space<vmem>>, vector<1x16xf32>,
        %get3A_491 = vector.shape_cast %get3A_490 : vector<1x16xf32> to vector<16xf32>
        %swap3A_492 = arith.index_cast %scan3A_192 : i32 to index
        %swap3A_493 = arith.constant 528 : index
        %swap3A_494 = tpu.vector_load %arg10[%swap3A_492, %swap3A_493] {strides = array<i32>} : memref<16x768xf32, #tpu.memory_space<vmem>>, vector<1x16xf32>,
        %swap3A_495 = vector.shape_cast %swap3A_494 : vector<1x16xf32> to vector<16xf32>
        %swap3A_496 = vector.shape_cast %get3A_491 : vector<16xf32> to vector<1x16xf32>
        tpu.vector_store %arg10[%swap3A_492, %swap3A_493], %swap3A_496 {add = true, strides = array<i32>} : memref<16x768xf32, #tpu.memory_space<vmem>>, vector<1x16xf32>,
        %get3A_497 = arith.index_cast %scan3A_192 : i32 to index
        %get3A_498 = arith.constant 544 : index
        %get3A_499 = tpu.vector_load %arg14[%get3A_497, %get3A_498] {strides = array<i32>} : memref<16x768xf32, #tpu.memory_space<vmem>>, vector<1x16xf32>,
        %get3A_500 = vector.shape_cast %get3A_499 : vector<1x16xf32> to vector<16xf32>
        %swap3A_501 = arith.index_cast %scan3A_192 : i32 to index
        %swap3A_502 = arith.constant 544 : index
        %swap3A_503 = tpu.vector_load %arg10[%swap3A_501, %swap3A_502] {strides = array<i32>} : memref<16x768xf32, #tpu.memory_space<vmem>>, vector<1x16xf32>,
        %swap3A_504 = vector.shape_cast %swap3A_503 : vector<1x16xf32> to vector<16xf32>
        %swap3A_505 = vector.shape_cast %get3A_500 : vector<16xf32> to vector<1x16xf32>
        tpu.vector_store %arg10[%swap3A_501, %swap3A_502], %swap3A_505 {add = true, strides = array<i32>} : memref<16x768xf32, #tpu.memory_space<vmem>>, vector<1x16xf32>,
        %get3A_506 = arith.index_cast %scan3A_192 : i32 to index
        %get3A_507 = arith.constant 560 : index
        %get3A_508 = tpu.vector_load %arg14[%get3A_506, %get3A_507] {strides = array<i32>} : memref<16x768xf32, #tpu.memory_space<vmem>>, vector<1x16xf32>,
        %get3A_509 = vector.shape_cast %get3A_508 : vector<1x16xf32> to vector<16xf32>
        %swap3A_510 = arith.index_cast %scan3A_192 : i32 to index
        %swap3A_511 = arith.constant 560 : index
        %swap3A_512 = tpu.vector_load %arg10[%swap3A_510, %swap3A_511] {strides = array<i32>} : memref<16x768xf32, #tpu.memory_space<vmem>>, vector<1x16xf32>,
        %swap3A_513 = vector.shape_cast %swap3A_512 : vector<1x16xf32> to vector<16xf32>
        %swap3A_514 = vector.shape_cast %get3A_509 : vector<16xf32> to vector<1x16xf32>
        tpu.vector_store %arg10[%swap3A_510, %swap3A_511], %swap3A_514 {add = true, strides = array<i32>} : memref<16x768xf32, #tpu.memory_space<vmem>>, vector<1x16xf32>,
        %get3A_515 = arith.index_cast %scan3A_192 : i32 to index
        %get3A_516 = arith.constant 576 : index
        %get3A_517 = tpu.vector_load %arg14[%get3A_515, %get3A_516] {strides = array<i32>} : memref<16x768xf32, #tpu.memory_space<vmem>>, vector<1x16xf32>,
        %get3A_518 = vector.shape_cast %get3A_517 : vector<1x16xf32> to vector<16xf32>
        %swap3A_519 = arith.index_cast %scan3A_192 : i32 to index
        %swap3A_520 = arith.constant 576 : index
        %swap3A_521 = tpu.vector_load %arg10[%swap3A_519, %swap3A_520] {strides = array<i32>} : memref<16x768xf32, #tpu.memory_space<vmem>>, vector<1x16xf32>,
        %swap3A_522 = vector.shape_cast %swap3A_521 : vector<1x16xf32> to vector<16xf32>
        %swap3A_523 = vector.shape_cast %get3A_518 : vector<16xf32> to vector<1x16xf32>
        tpu.vector_store %arg10[%swap3A_519, %swap3A_520], %swap3A_523 {add = true, strides = array<i32>} : memref<16x768xf32, #tpu.memory_space<vmem>>, vector<1x16xf32>,
        %get3A_524 = arith.index_cast %scan3A_192 : i32 to index
        %get3A_525 = arith.constant 592 : index
        %get3A_526 = tpu.vector_load %arg14[%get3A_524, %get3A_525] {strides = array<i32>} : memref<16x768xf32, #tpu.memory_space<vmem>>, vector<1x16xf32>,
        %get3A_527 = vector.shape_cast %get3A_526 : vector<1x16xf32> to vector<16xf32>
        %swap3A_528 = arith.index_cast %scan3A_192 : i32 to index
        %swap3A_529 = arith.constant 592 : index
        %swap3A_530 = tpu.vector_load %arg10[%swap3A_528, %swap3A_529] {strides = array<i32>} : memref<16x768xf32, #tpu.memory_space<vmem>>, vector<1x16xf32>,
        %swap3A_531 = vector.shape_cast %swap3A_530 : vector<1x16xf32> to vector<16xf32>
        %swap3A_532 = vector.shape_cast %get3A_527 : vector<16xf32> to vector<1x16xf32>
        tpu.vector_store %arg10[%swap3A_528, %swap3A_529], %swap3A_532 {add = true, strides = array<i32>} : memref<16x768xf32, #tpu.memory_space<vmem>>, vector<1x16xf32>,
        %get3A_533 = arith.index_cast %scan3A_192 : i32 to index
        %get3A_534 = arith.constant 608 : index
        %get3A_535 = tpu.vector_load %arg14[%get3A_533, %get3A_534] {strides = array<i32>} : memref<16x768xf32, #tpu.memory_space<vmem>>, vector<1x16xf32>,
        %get3A_536 = vector.shape_cast %get3A_535 : vector<1x16xf32> to vector<16xf32>
        %swap3A_537 = arith.index_cast %scan3A_192 : i32 to index
        %swap3A_538 = arith.constant 608 : index
        %swap3A_539 = tpu.vector_load %arg10[%swap3A_537, %swap3A_538] {strides = array<i32>} : memref<16x768xf32, #tpu.memory_space<vmem>>, vector<1x16xf32>,
        %swap3A_540 = vector.shape_cast %swap3A_539 : vector<1x16xf32> to vector<16xf32>
        %swap3A_541 = vector.shape_cast %get3A_536 : vector<16xf32> to vector<1x16xf32>
        tpu.vector_store %arg10[%swap3A_537, %swap3A_538], %swap3A_541 {add = true, strides = array<i32>} : memref<16x768xf32, #tpu.memory_space<vmem>>, vector<1x16xf32>,
        %get3A_542 = arith.index_cast %scan3A_192 : i32 to index
        %get3A_543 = arith.constant 624 : index
        %get3A_544 = tpu.vector_load %arg14[%get3A_542, %get3A_543] {strides = array<i32>} : memref<16x768xf32, #tpu.memory_space<vmem>>, vector<1x16xf32>,
        %get3A_545 = vector.shape_cast %get3A_544 : vector<1x16xf32> to vector<16xf32>
        %swap3A_546 = arith.index_cast %scan3A_192 : i32 to index
        %swap3A_547 = arith.constant 624 : index
        %swap3A_548 = tpu.vector_load %arg10[%swap3A_546, %swap3A_547] {strides = array<i32>} : memref<16x768xf32, #tpu.memory_space<vmem>>, vector<1x16xf32>,
        %swap3A_549 = vector.shape_cast %swap3A_548 : vector<1x16xf32> to vector<16xf32>
        %swap3A_550 = vector.shape_cast %get3A_545 : vector<16xf32> to vector<1x16xf32>
        tpu.vector_store %arg10[%swap3A_546, %swap3A_547], %swap3A_550 {add = true, strides = array<i32>} : memref<16x768xf32, #tpu.memory_space<vmem>>, vector<1x16xf32>,
        %get3A_551 = arith.index_cast %scan3A_192 : i32 to index
        %get3A_552 = arith.constant 640 : index
        %get3A_553 = tpu.vector_load %arg14[%get3A_551, %get3A_552] {strides = array<i32>} : memref<16x768xf32, #tpu.memory_space<vmem>>, vector<1x16xf32>,
        %get3A_554 = vector.shape_cast %get3A_553 : vector<1x16xf32> to vector<16xf32>
        %swap3A_555 = arith.index_cast %scan3A_192 : i32 to index
        %swap3A_556 = arith.constant 640 : index
        %swap3A_557 = tpu.vector_load %arg10[%swap3A_555, %swap3A_556] {strides = array<i32>} : memref<16x768xf32, #tpu.memory_space<vmem>>, vector<1x16xf32>,
        %swap3A_558 = vector.shape_cast %swap3A_557 : vector<1x16xf32> to vector<16xf32>
        %swap3A_559 = vector.shape_cast %get3A_554 : vector<16xf32> to vector<1x16xf32>
        tpu.vector_store %arg10[%swap3A_555, %swap3A_556], %swap3A_559 {add = true, strides = array<i32>} : memref<16x768xf32, #tpu.memory_space<vmem>>, vector<1x16xf32>,
        %get3A_560 = arith.index_cast %scan3A_192 : i32 to index
        %get3A_561 = arith.constant 656 : index
        %get3A_562 = tpu.vector_load %arg14[%get3A_560, %get3A_561] {strides = array<i32>} : memref<16x768xf32, #tpu.memory_space<vmem>>, vector<1x16xf32>,
        %get3A_563 = vector.shape_cast %get3A_562 : vector<1x16xf32> to vector<16xf32>
        %swap3A_564 = arith.index_cast %scan3A_192 : i32 to index
        %swap3A_565 = arith.constant 656 : index
        %swap3A_566 = tpu.vector_load %arg10[%swap3A_564, %swap3A_565] {strides = array<i32>} : memref<16x768xf32, #tpu.memory_space<vmem>>, vector<1x16xf32>,
        %swap3A_567 = vector.shape_cast %swap3A_566 : vector<1x16xf32> to vector<16xf32>
        %swap3A_568 = vector.shape_cast %get3A_563 : vector<16xf32> to vector<1x16xf32>
        tpu.vector_store %arg10[%swap3A_564, %swap3A_565], %swap3A_568 {add = true, strides = array<i32>} : memref<16x768xf32, #tpu.memory_space<vmem>>, vector<1x16xf32>,
        %get3A_569 = arith.index_cast %scan3A_192 : i32 to index
        %get3A_570 = arith.constant 672 : index
        %get3A_571 = tpu.vector_load %arg14[%get3A_569, %get3A_570] {strides = array<i32>} : memref<16x768xf32, #tpu.memory_space<vmem>>, vector<1x16xf32>,
        %get3A_572 = vector.shape_cast %get3A_571 : vector<1x16xf32> to vector<16xf32>
        %swap3A_573 = arith.index_cast %scan3A_192 : i32 to index
        %swap3A_574 = arith.constant 672 : index
        %swap3A_575 = tpu.vector_load %arg10[%swap3A_573, %swap3A_574] {strides = array<i32>} : memref<16x768xf32, #tpu.memory_space<vmem>>, vector<1x16xf32>,
        %swap3A_576 = vector.shape_cast %swap3A_575 : vector<1x16xf32> to vector<16xf32>
        %swap3A_577 = vector.shape_cast %get3A_572 : vector<16xf32> to vector<1x16xf32>
        tpu.vector_store %arg10[%swap3A_573, %swap3A_574], %swap3A_577 {add = true, strides = array<i32>} : memref<16x768xf32, #tpu.memory_space<vmem>>, vector<1x16xf32>,
        %get3A_578 = arith.index_cast %scan3A_192 : i32 to index
        %get3A_579 = arith.constant 688 : index
        %get3A_580 = tpu.vector_load %arg14[%get3A_578, %get3A_579] {strides = array<i32>} : memref<16x768xf32, #tpu.memory_space<vmem>>, vector<1x16xf32>,
        %get3A_581 = vector.shape_cast %get3A_580 : vector<1x16xf32> to vector<16xf32>
        %swap3A_582 = arith.index_cast %scan3A_192 : i32 to index
        %swap3A_583 = arith.constant 688 : index
        %swap3A_584 = tpu.vector_load %arg10[%swap3A_582, %swap3A_583] {strides = array<i32>} : memref<16x768xf32, #tpu.memory_space<vmem>>, vector<1x16xf32>,
        %swap3A_585 = vector.shape_cast %swap3A_584 : vector<1x16xf32> to vector<16xf32>
        %swap3A_586 = vector.shape_cast %get3A_581 : vector<16xf32> to vector<1x16xf32>
        tpu.vector_store %arg10[%swap3A_582, %swap3A_583], %swap3A_586 {add = true, strides = array<i32>} : memref<16x768xf32, #tpu.memory_space<vmem>>, vector<1x16xf32>,
        %get3A_587 = arith.index_cast %scan3A_192 : i32 to index
        %get3A_588 = arith.constant 704 : index
        %get3A_589 = tpu.vector_load %arg14[%get3A_587, %get3A_588] {strides = array<i32>} : memref<16x768xf32, #tpu.memory_space<vmem>>, vector<1x16xf32>,
        %get3A_590 = vector.shape_cast %get3A_589 : vector<1x16xf32> to vector<16xf32>
        %swap3A_591 = arith.index_cast %scan3A_192 : i32 to index
        %swap3A_592 = arith.constant 704 : index
        %swap3A_593 = tpu.vector_load %arg10[%swap3A_591, %swap3A_592] {strides = array<i32>} : memref<16x768xf32, #tpu.memory_space<vmem>>, vector<1x16xf32>,
        %swap3A_594 = vector.shape_cast %swap3A_593 : vector<1x16xf32> to vector<16xf32>
        %swap3A_595 = vector.shape_cast %get3A_590 : vector<16xf32> to vector<1x16xf32>
        tpu.vector_store %arg10[%swap3A_591, %swap3A_592], %swap3A_595 {add = true, strides = array<i32>} : memref<16x768xf32, #tpu.memory_space<vmem>>, vector<1x16xf32>,
        %get3A_596 = arith.index_cast %scan3A_192 : i32 to index
        %get3A_597 = arith.constant 720 : index
        %get3A_598 = tpu.vector_load %arg14[%get3A_596, %get3A_597] {strides = array<i32>} : memref<16x768xf32, #tpu.memory_space<vmem>>, vector<1x16xf32>,
        %get3A_599 = vector.shape_cast %get3A_598 : vector<1x16xf32> to vector<16xf32>
        %swap3A_600 = arith.index_cast %scan3A_192 : i32 to index
        %swap3A_601 = arith.constant 720 : index
        %swap3A_602 = tpu.vector_load %arg10[%swap3A_600, %swap3A_601] {strides = array<i32>} : memref<16x768xf32, #tpu.memory_space<vmem>>, vector<1x16xf32>,
        %swap3A_603 = vector.shape_cast %swap3A_602 : vector<1x16xf32> to vector<16xf32>
        %swap3A_604 = vector.shape_cast %get3A_599 : vector<16xf32> to vector<1x16xf32>
        tpu.vector_store %arg10[%swap3A_600, %swap3A_601], %swap3A_604 {add = true, strides = array<i32>} : memref<16x768xf32, #tpu.memory_space<vmem>>, vector<1x16xf32>,
        %get3A_605 = arith.index_cast %scan3A_192 : i32 to index
        %get3A_606 = arith.constant 736 : index
        %get3A_607 = tpu.vector_load %arg14[%get3A_605, %get3A_606] {strides = array<i32>} : memref<16x768xf32, #tpu.memory_space<vmem>>, vector<1x16xf32>,
        %get3A_608 = vector.shape_cast %get3A_607 : vector<1x16xf32> to vector<16xf32>
        %swap3A_609 = arith.index_cast %scan3A_192 : i32 to index
        %swap3A_610 = arith.constant 736 : index
        %swap3A_611 = tpu.vector_load %arg10[%swap3A_609, %swap3A_610] {strides = array<i32>} : memref<16x768xf32, #tpu.memory_space<vmem>>, vector<1x16xf32>,
        %swap3A_612 = vector.shape_cast %swap3A_611 : vector<1x16xf32> to vector<16xf32>
        %swap3A_613 = vector.shape_cast %get3A_608 : vector<16xf32> to vector<1x16xf32>
        tpu.vector_store %arg10[%swap3A_609, %swap3A_610], %swap3A_613 {add = true, strides = array<i32>} : memref<16x768xf32, #tpu.memory_space<vmem>>, vector<1x16xf32>,
        %get3A_614 = arith.index_cast %scan3A_192 : i32 to index
        %get3A_615 = arith.constant 752 : index
        %get3A_616 = tpu.vector_load %arg14[%get3A_614, %get3A_615] {strides = array<i32>} : memref<16x768xf32, #tpu.memory_space<vmem>>, vector<1x16xf32>,
        %get3A_617 = vector.shape_cast %get3A_616 : vector<1x16xf32> to vector<16xf32>
        %swap3A_618 = arith.index_cast %scan3A_192 : i32 to index
        %swap3A_619 = arith.constant 752 : index
        %swap3A_620 = tpu.vector_load %arg10[%swap3A_618, %swap3A_619] {strides = array<i32>} : memref<16x768xf32, #tpu.memory_space<vmem>>, vector<1x16xf32>,
        %swap3A_621 = vector.shape_cast %swap3A_620 : vector<1x16xf32> to vector<16xf32>
        %swap3A_622 = vector.shape_cast %get3A_617 : vector<16xf32> to vector<1x16xf32>
        tpu.vector_store %arg10[%swap3A_618, %swap3A_619], %swap3A_622 {add = true, strides = array<i32>} : memref<16x768xf32, #tpu.memory_space<vmem>>, vector<1x16xf32>,
      }
      %scan3A_184 = arith.constant 16 : i32
      %mul3A_185 = arith.constant 16 : i32
      %mul3A_186 = arith.muli %add3A_158, %mul3A_185 : i32
      %add3A_187 = arith.addi %mul3A_2, %mul3A_186 : i32
      %dma_start3A_188 = arith.constant 0 : i32
      %dma_start3A_189 = tpu.memref_slice %arg5[%add3A_187, %dma_start3A_188] : memref<32768x768xf32, #tpu.memory_space<hbm>> -> memref<16x768xf32, #tpu.memory_space<hbm>>
      %dma_start3A_190 = arith.constant 0 : i32
      %dma_start3A_191 = tpu.memref_slice %arg5[%add3A_187, %dma_start3A_190] : memref<32768x768xf32, #tpu.memory_space<hbm>> -> memref<16x768xf32, #tpu.memory_space<hbm>>
      tpu.enqueue_dma source(%arg10 : memref<16x768xf32, #tpu.memory_space<vmem>>) target(%dma_start3A_191 : memref<16x768xf32, #tpu.memory_space<hbm>>) target_semaphore(%arg26 : memref<!tpu.dma_semaphore, #tpu.memory_space<semaphore_mem>>)
    }
    %scan3A_28 = arith.constant 16 : i32
    %add3A_29 = arith.constant 960 : i32
    %add3A_30 = arith.addi %mul3A_2, %add3A_29 : i32
    %dma_wait3A = arith.constant 0 : i32
    %dma_wait3A_31 = tpu.memref_slice %arg5[%add3A_30, %dma_wait3A] : memref<32768x768xf32, #tpu.memory_space<hbm>> -> memref<16x768xf32, #tpu.memory_space<hbm>>
    %dma_wait3A_32 = arith.constant 0 : i32
    %dma_wait3A_33 = tpu.memref_slice %arg5[%add3A_30, %dma_wait3A_32] : memref<32768x768xf32, #tpu.memory_space<hbm>> -> memref<16x768xf32, #tpu.memory_space<hbm>>
    tpu.wait_dma2 semaphore(%arg23 : memref<!tpu.dma_semaphore, #tpu.memory_space<semaphore_mem>>) src(%arg7 : memref<16x768xf32, #tpu.memory_space<vmem>>) dst(%dma_wait3A_33 : memref<16x768xf32, #tpu.memory_space<hbm>>)
    %add3A_34 = arith.constant 976 : i32
    %add3A_35 = arith.addi %mul3A_2, %add3A_34 : i32
    %dma_wait3A_36 = arith.constant 0 : i32
    %dma_wait3A_37 = tpu.memref_slice %arg5[%add3A_35, %dma_wait3A_36] : memref<32768x768xf32, #tpu.memory_space<hbm>> -> memref<16x768xf32, #tpu.memory_space<hbm>>
    %dma_wait3A_38 = arith.constant 0 : i32
    %dma_wait3A_39 = tpu.memref_slice %arg5[%add3A_35, %dma_wait3A_38] : memref<32768x768xf32, #tpu.memory_space<hbm>> -> memref<16x768xf32, #tpu.memory_space<hbm>>
    tpu.wait_dma2 semaphore(%arg24 : memref<!tpu.dma_semaphore, #tpu.memory_space<semaphore_mem>>) src(%arg8 : memref<16x768xf32, #tpu.memory_space<vmem>>) dst(%dma_wait3A_39 : memref<16x768xf32, #tpu.memory_space<hbm>>)
    %add3A_40 = arith.constant 992 : i32
    %add3A_41 = arith.addi %mul3A_2, %add3A_40 : i32
    %dma_wait3A_42 = arith.constant 0 : i32
    %dma_wait3A_43 = tpu.memref_slice %arg5[%add3A_41, %dma_wait3A_42] : memref<32768x768xf32, #tpu.memory_space<hbm>> -> memref<16x768xf32, #tpu.memory_space<hbm>>
    %dma_wait3A_44 = arith.constant 0 : i32
    %dma_wait3A_45 = tpu.memref_slice %arg5[%add3A_41, %dma_wait3A_44] : memref<32768x768xf32, #tpu.memory_space<hbm>> -> memref<16x768xf32, #tpu.memory_space<hbm>>
    tpu.wait_dma2 semaphore(%arg25 : memref<!tpu.dma_semaphore, #tpu.memory_space<semaphore_mem>>) src(%arg9 : memref<16x768xf32, #tpu.memory_space<vmem>>) dst(%dma_wait3A_45 : memref<16x768xf32, #tpu.memory_space<hbm>>)
    %add3A_46 = arith.constant 1008 : i32
    %add3A_47 = arith.addi %mul3A_2, %add3A_46 : i32
    %dma_wait3A_48 = arith.constant 0 : i32
    %dma_wait3A_49 = tpu.memref_slice %arg5[%add3A_47, %dma_wait3A_48] : memref<32768x768xf32, #tpu.memory_space<hbm>> -> memref<16x768xf32, #tpu.memory_space<hbm>>
    %dma_wait3A_50 = arith.constant 0 : i32
    %dma_wait3A_51 = tpu.memref_slice %arg5[%add3A_47, %dma_wait3A_50] : memref<32768x768xf32, #tpu.memory_space<hbm>> -> memref<16x768xf32, #tpu.memory_space<hbm>>
    tpu.wait_dma2 semaphore(%arg26 : memref<!tpu.dma_semaphore, #tpu.memory_space<semaphore_mem>>) src(%arg10 : memref<16x768xf32, #tpu.memory_space<vmem>>) dst(%dma_wait3A_51 : memref<16x768xf32, #tpu.memory_space<hbm>>)
    return
  }
}

</mosaic_0001>

<sc_bundles>
// kernel: kernel.3.cloned.1.call-start
scs
__scs_entry_jumppad:
0x0: {  	(pc) =	sbr.rel $0x88, $3  }
0x1: {  	(tag) =	ssettag $0x0;
	lr =	simm.s32 $0x1  }
0x2: {  	[smem:$0x3F9E] =	sst lr;
	_ =	strace $0xD0000000  }
0x3: {  	_ = 	snop  }
0x4: {  	_ = 	snop  }
0x5: {  	_ = 	snop  }
0x6: {  	_ = 	snop  }
0x7: {  	_ = 	snop  }
__scs_overlays_trampoline_lowered:
0x8: {  	[smem:$0x3FAD] =	sst s0  }
0x9: {  	[smem:$0x3FAE] =	sst s1  }
0xa: {  	[smem:$0x3FAF] =	sst s2  }
0xb: {  	[smem:$0x3FB0] =	sst s3  }
0xc: {  	[smem:$0x3FB1] =	sst s4  }
0xd: {  	[smem:$0x3FB2] =	sst s5  }
0xe: {  	[smem:$0x3FB3] =	sst s6  }
0xf: {  	[smem:$0x3FB4] =	sst s7  }
0x10: {  	[smem:$0x3FB5] =	sst s8  }
0x11: {  	[smem:$0x3FB6] =	sst s9;
	s0 =	simm.s32 @!p0 $0x0  }
0x12: {  	s1 =	sld [smem:$0x3F9C];
	s0 =	simm.s32 @p0 $0x1  }
0x13: {  	[smem:$0x3FB7] =	sst s0;
	s0 =	simm.s32 @!p1 $0x0  }
0x14: {  	s2 =	sld [smem:$0x3F9B];
	s0 =	simm.s32 @p1 $0x1  }
0x15: {  	[smem:$0x3FB8] =	sst s0;
	s0 =	simm.s32 @!p2 $0x0  }
0x16: {  	s3 =	sld [smem:$0x3FDB];
	s0 =	simm.s32 @p2 $0x1  }
0x17: {  	s4 =	simm.s32 $0x1BF5;
	[smem:$0x3FBA] =	sst s0  }
0x18: {  	s0 =	sld [smem:$0x3F9D];
	_ =	swait.ge [sflag:s4], $0x0  }
0x19: {  	s7 =	sld [smem:$0x3F9E]  }
0x1a: {  	s8 =	sadd.s32 $0xFFFFE003, lr  }
0x1b: {  	s9 =	sadd.s32 $0xFFFFFEF7, lr;
	s5 =	simm.s32 $0xFFFFFFFF;
	p2 =	slt.u32 s8, $0xFFFFF086  }
0x1c: {  	p1 =	slt.u32 s9, $0xF7A;
	s5 =	simm.s32 @!p2 $0x0  }
0x1d: {  	s5 =	simm.s32 @p1 $0x1;
	p0 =	seq.s32 s7, s2  }
0x1e: {  	s7 =	smul.u32 @!p0 $0xF7A, s2;
	p2 =	seq.s32 @!p0 s5, $0x0  }
0x1f: {  	s9 =	smul.u32 $0xF7A, s1;
	s8 =	simm.s32 @!p0 $0x1BF5;
	p2 =	por !p2, p0  }
0x20: {  	[sflag:s8] =	ssyncset.s32 @!p0 $0xFFFFF086;
	s6 =	sadd.s32 @!p0 s3, s7;
	s7 =	simm.s32 @!p0 $0x108  }
0x21: {  	s3 =	sadd.s32 s3, s9;
	s6 =	sadd.s32 @!p0 $0x88, s6;
	s7 =	simm.s32 @p2 $0x1082  }
0x22: {  	[simem:s7], [sflag:s8] =	dma.local @!p0 [hbm:s6], $0xF7A  }
0x23: {  	s9 =	sor.u32 $0xD0000000, s2;
	s6 =	simm.s32 $0x108;
	_ =	swait.ge @!p0 [sflag:s8], $0x0  }
0x24: {  	s3 =	sadd.s32 $0x88, s3;
	s6 =	simm.s32 @!p1 $0x1082;
	[sflag:s4] =	ssyncset.s32 $0xFFFFF086  }
0x25: {  	[simem:s6], [sflag:s4] =	dma.local [hbm:s3], $0xF7A  }
0x26: {  	[smem:$0x3F9E] =	sst s1;
	(tag) =	ssettag s2;
	_ =	strace s9  }
0x27: {  	s1 =	sld [smem:$0x3FAE]  }
0x28: {  	s2 =	sld [smem:$0x3FAF]  }
0x29: {  	s4 =	sld [smem:$0x3FB1]  }
0x2a: {  	p0 =	seq.s32 s5, $0x0;
	s5 =	sld [smem:$0x3FB2]  }
0x2b: {  	s6 =	sld [smem:$0x3FB3]  }
0x2c: {  	s7 =	sld [smem:$0x3FB4]  }
0x2d: {  	s3 =	simm.s32 $0x108;
	s8 =	sld [smem:$0x3FB5]  }
0x2e: {  	s3 =	simm.s32 @!p0 $0x1082;
	s9 =	sld [smem:$0x3FB6]  }
0x2f: {  	lr =	sadd.s32 s0, s3;
	s0 =	sld [smem:$0x3FAD]  }
0x30: {  	s3 =	sld [smem:$0x3FB0]  }
0x31: {  	[smem:$0x3FB9] =	sst s10  }
0x32: {  	s10 =	sld [smem:$0x3FB7];
	_ =	sdelay $0x3  }
0x33: {  	p0 =	seq.s32 s10, $0x1;
	s10 =	sld [smem:$0x3FB9];
	_ =	sdelay $0x3  }
0x34: {  	[smem:$0x3FB9] =	sst s10  }
0x35: {  	s10 =	sld [smem:$0x3FB8];
	_ =	sdelay $0x3  }
0x36: {  	p1 =	seq.s32 s10, $0x1;
	s10 =	sld [smem:$0x3FB9];
	_ =	sdelay $0x3  }
0x37: {  	[smem:$0x3FB9] =	sst s10  }
0x38: {  	s10 =	sld [smem:$0x3FBA]  }
0x39: {  	_ = 	snop;
	(pc) =	sbr.ind lr, $3  }
0x3a: {  	_ = 	snop  }
0x3b: {  	_ = 	snop  }
0x3c: {  	p2 =	seq.s32 s10, $0x1;
	s10 =	sld [smem:$0x3FB9]  }
0x3d: {  	_ =	shalt  }
0x3e: {  	_ =	shalt  }
0x3f: {  	_ =	shalt  }
0x40: {  	_ =	shalt  }
0x41: {  	_ =	shalt  }
0x42: {  	_ =	shalt  }
0x43: {  	_ =	shalt  }
0x44: {  	_ =	shalt  }
0x45: {  	_ =	shalt  }
0x46: {  	_ =	shalt  }
0x47: {  	_ =	shalt  }
0x48: {  	_ =	shalt  }
0x49: {  	_ =	shalt  }
0x4a: {  	_ =	shalt  }
0x4b: {  	_ =	shalt  }
0x4c: {  	_ =	shalt  }
0x4d: {  	_ =	shalt  }
0x4e: {  	_ =	shalt  }
0x4f: {  	_ =	shalt  }
0x50: {  	_ =	shalt  }
0x51: {  	_ =	shalt  }
0x52: {  	_ =	shalt  }
0x53: {  	_ =	shalt  }
0x54: {  	_ =	shalt  }
0x55: {  	_ =	shalt  }
0x56: {  	_ =	shalt  }
0x57: {  	_ =	shalt  }
0x58: {  	_ =	shalt  }
0x59: {  	_ =	shalt  }
0x5a: {  	_ =	shalt  }
0x5b: {  	_ =	shalt  }
0x5c: {  	_ =	shalt  }
0x5d: {  	_ =	shalt  }
0x5e: {  	_ =	shalt  }
0x5f: {  	_ =	shalt  }
0x60: {  	_ =	shalt  }
0x61: {  	_ =	shalt  }
0x62: {  	_ =	shalt  }
0x63: {  	_ =	shalt  }
0x64: {  	_ =	shalt  }
0x65: {  	_ =	shalt  }
0x66: {  	_ =	shalt  }
0x67: {  	_ =	shalt  }
0x68: {  	_ =	shalt  }
0x69: {  	_ =	shalt  }
0x6a: {  	_ =	shalt  }
0x6b: {  	_ =	shalt  }
0x6c: {  	_ =	shalt  }
0x6d: {  	_ =	shalt  }
0x6e: {  	_ =	shalt  }
0x6f: {  	_ =	shalt  }
0x70: {  	_ =	shalt  }
0x71: {  	_ =	shalt  }
0x72: {  	_ =	shalt  }
0x73: {  	_ =	shalt  }
0x74: {  	_ =	shalt  }
0x75: {  	_ =	shalt  }
0x76: {  	_ =	shalt  }
0x77: {  	_ =	shalt  }
0x78: {  	_ =	shalt  }
0x79: {  	_ =	shalt  }
0x7a: {  	_ =	shalt  }
0x7b: {  	_ =	shalt  }
0x7c: {  	_ =	shalt  }
0x7d: {  	_ =	shalt  }
0x7e: {  	_ =	shalt  }
0x7f: {  	_ =	shalt  }
0x80: {  	_ =	shalt  }
0x81: {  	_ =	shalt  }
0x82: {  	_ =	shalt  }
0x83: {  	_ =	shalt  }
0x84: {  	_ =	shalt  }
0x85: {  	_ =	shalt  }
0x86: {  	_ =	shalt  }
0x87: {  	_ =	shalt  }
.Lfunc_end0:
.L_simem_size_0:
called_computation_lowered:
.L_overlay_start_0:
0x88: {  	s2 =	sld [smem:$0x3FD9]  }
0x89: {  	s3 =	sld [smem:$0x3FFE];
	_ =	sdelay $0x1  }
0x8a: {  	s1 =	srdreg.scid  }
0x8b: {  	s0 =	sand.u32 $0x1, s1  }
0x8c: {  	s17 =	sshll.u32 s0, $0xA;
	s2 =	sadd.s32 s3, s2  }
0x8d: {  	s2 =	sadd.s32 s2, s17  }
0x8e: {  	[smem:$0x3FC5] =	sst s2  }
0x8f: {  	_ = 	snop  }
0x90: {  	s2 =	sld [smem:$0x3FC9]  }
0x91: {  	s18 =	sld [smem:$0x3FC7]  }
0x92: {  	s4 =	sld [smem:$0x3FD0];
	(tm) =	ssettm $0x1  }
0x93: {  	s5 =	sld [smem:$0x3FFB];
	_ =	sdelay $0x3  }
0x94: {  	_ =	strace s5  }
0x95: {  	s5 =	sld [smem:$0x3FFC];
	_ =	sdelay $0x3  }
0x96: {  	_ =	strace s5  }
0x97: {  	s5 =	sld [smem:$0x3FFD];
	_ =	sdelay $0x3  }
0x98: {  	_ =	strace s5  }
0x99: {  	_ =	strace $0x8FFFFFFF  }
0x9a: {  	s19 =	sld [smem:$0x3FDB];
	_ =	sdelay $0x1  }
0x9b: {  	s6 =	simm.s32 $_scs_section_size  }
0x9c: {  	s7 =	simm.s32 $_size__tile_overlayer_lowered;
	s8 =	simm.s32 $_tile_overlayer_lowered  }
0x9d: {  	s22 =	simm.s32 $0x1BFF;
	s21 =	sshll.u32 s8, $0x1;
	s5 =	sadd.s32 s6, s19  }
0x9e: {  	s9 =	simm.s32 $0x0;
	s20 =	sshll.u32 s7, $0x1;
	s7 =	sadd.s32 s21, s5  }
0x9f: {  	[timem:s9], [sflag:s22] =	dma.local [hbm:s7], s20  }
0xa0: {  	_ =	swait.ge [sflag:s22], s20  }
0xa1: {  	s6 =	ssub.s32 $0x0, s20;
	[sflag:s22] =	ssyncset.done $0x0  }
0xa2: {  	[sflag:s22] =	ssyncadd.s32 s6;
	_ =	sdelay $0x1  }
0xa3: {  	s23 =	simm.s32 $0x1B8B  }
0xa4: {  	_ =	swait.ge [sflag:s23], $0x1  }
0xa5: {  	[sflag:s23] =	ssyncset.done $0x0  }
0xa6: {  	s25 =	simm.s32 $0x1B8E;
	s24 =	sld [smem:$0x3FFE];
	[sflag:s23] =	ssyncadd.s32 $0xFFFFFFFF  }
0xa7: {  	s26 =	simm.s32 $execute0_lowered;
	[smem:$0x3FD2] =	sst s25  }
0xa8: {  	s7 =	sshll.u32 s26, $0x1;
	_ =	strace $0x80000046;
	[dreg:$0x1] =	wrdreg $0xFFFFFFFF  }
0xa9: {  	s28 =	simm.s32 $_size_execute0_lowered;
	s5 =	sadd.s32 s5, s7;
	[dreg:$0x0] =	wrdreg $0x0  }
0xaa: {  	s7 =	sshll.u32 s28, $0x1;
	[dreg:$0x2] =	wrdreg s5  }
0xab: {  	[dreg:$0x3] =	wrdreg s7  }
0xac: {  	[dreg:$0x4] =	wrdreg $0xC0  }
0xad: {  	_ =	task [dreg:s9], $0x5FFFF  }
0xae: {  	[dreg:$0x1] =	wrdreg $0xFFFFFFFF  }
0xaf: {  	[dreg:$0x0] =	wrdreg $0x60  }
0xb0: {  	[dreg:$0x2] =	wrdreg s2  }
0xb1: {  	[dreg:$0x3] =	wrdreg s24  }
0xb2: {  	[dreg:$0x4] =	wrdreg s18  }
0xb3: {  	[dreg:$0x5] =	wrdreg s4  }
0xb4: {  	[dreg:$0x6] =	wrdreg $0x9  }
0xb5: {  	_ =	task.clear_ibuf [dreg:s9], $0x7FFFF;
	_ =	strace $0x90000046  }
0xb6: {  	s29 =	simm.s32 $0x9;
	_ =	strace $0x80000048  }
0xb7: {  	_ =	swait.ge [sflag:s29], $0x1  }
0xb8: {  	[sflag:s29] =	ssyncadd.s32 $0xFFFFFFFF  }
0xb9: {  	_ =	strace $0x90000048  }
0xba: {  	_ =	sfence  }
0xbb: {  	s30 =	sld [smem:$0x0];
	_ =	sdelay $0x2  }
0xbc: {  	s31 =	sshll.u32 s1, $0xD;
	s1 =	sshrl.u32 s1, $0x2  }
0xbd: {  	s3 =	sand.u32 $0x4000, s31;
	s1 =	sadd.s32 s1, s30  }
0xbe: {  	s0 =	sor.u32 s3, s0;
	s1 =	sshll.u32 s1, $0x11  }
0xbf: {  	s0 =	sor.u32 s1, s0  }
0xc0: {  	s0 =	sadd.s32 $0x8F2B, s0  }
0xc1: {  	[sflag:s0] =	ssyncadd.remote.s32 $0x1  }
0xc2: {  	_ =	sfence.sel $0xFFFF  }
0xc3: {  	[dreg:$0x0] =	wrdreg $0xFFFFFFFF;
	(pc) =	sbr.abs _section_cstart, $3  }
0xc4: {  	[dreg:$0x1] =	wrdreg $0xFFFFFFFF  }
0xc5: {  	_ =	task.clear_ibuf [dreg:s9], $0x2FFFF;
	_ =	strace $0x9FFFFFFF  }
0xc6: {  	(tm) =	ssettm $0x7FFFFFFF  }
0xc7: {  	_ =	shalt  }
tec
execute0_lowered:
.L_overlay_start_1:
0x0: {  	(tag) =	ssettag $0x1  }
0x1: {  	s1 =	rddreg [dreg:$0x0]  }
0x2: {  	s0 =	rddreg [dreg:$0x1];
	s2 =	srdreg.scid  }
0x3: {  	s3 =	rddreg [dreg:$0x2];
	s5 =	stileid.u32  }
0x4: {  	s4 =	rddreg [dreg:$0x3];
	s14 =	simm.s32 $0x400;
	s21 =	simm.s32 $0x3400  }
0x5: {  	s29 =	simm.s32 $0x1;
	s30 =	simm.s32 $0x5;
	s31 =	simm.s32 $0x6400  }
0x6: {  	s19 =	simm.s32 $0x2;
	s20 =	simm.s32 $0x6;
	s22 =	simm.s32 $0x9400  }
0x7: {  	s28 =	simm.s32 $0x17400;
	s11 =	simm.s32 $0x3;
	s12 =	simm.s32 $0x7  }
0x8: {  	s13 =	simm.s32 $0x8;
	s15 =	simm.s32 $0x0;
	s2 =	sand.u32 $0x1, s2  }
0x9: {  	s5 =	sshll.u32 s5, $0xB;
	s6 =	sshll.u32 s2, $0xA;
	s2 =	ssub.s32 $0x2, s2  }
0xa: {  	s5 =	sor.u32 s6, s5;
	s6 =	simm.s32 $0x0;
	s8 =	sshrl.u32 s2, $0x1  }
0xb: {  	s7 =	sshrl.u32 s5, $0x3;
	[smem:$0x7FF] =	sst s6;
	s2 =	ssub.s32 s2, s8  }
0xc: {  	s9 =	smul.u32 $0x300, s7;
	s0 =	sadd.s32 s7, s0;
	s26 =	smax.u32 s2, $0x1  }
0xd: {  	_ =	strace $0x80000047;
	s0 =	sadd.s32 $0x400, s0;
	[dreg:$0x8] =	wrdreg s26  }
0xe: {  	v2 =	vlaneseq.u32;
	s10 =	sadd.s32 $0x200, s3;
	[dreg:$0x5] =	wrdreg s0;
	s25 =	sadd.s32 s1, s9  }
0xf: {  	vm0 =	vmmov $0xffff;
	v1 =	vshrl.u32 v2, $0x3;
	s8 =	simm.s32 $0x4;
	[dreg:$0x6] =	wrdreg s25;
	s0 =	sadd.s32 $0x600, s25  }
0x10: {  	v0 =	vand.u32 $0x7, v2;
	v2 =	vor.u32 $0x8, v2;
	v1 =	vmul.u32 $0x8, v1;
	s7 =	simm.s32 $0x17C00;
	s9 =	sadd.s32 $0x100, s3;
	[dreg:$0x7] =	wrdreg s0  }
.LBB2_1:
0x11: {  	[dreg:$0x9] =	wrdreg s15  }
0x12: {  	s0 =	rddreg [dreg:$0x5];
	s17 =	simm.s32 $0xD  }
0x13: {  	[tilespmem:s6], [sflag:$0xD] =	stream.linear.gather [hbm4b:s0+s6], $0x400, $0x38;
	[tilespmem:$0x18400] =	vst v63  }
0x14: {  	_ =	swait.ge [sflag:s17], $0x400  }
0x15: {  	[sflag:s17] =	ssyncset.done $0x0  }
0x16: {  	s18 =	rddreg [dreg:$0x6];
	[sflag:s17] =	ssyncadd.s32 $0xFFFFFC00  }
0x17: {  	[tilespmem:s14], [sflag:$0x1] =	stream.linear.gather [hbm4b:s18+s6], $0x3000, $0x38;
	[tilespmem:$0x18400] =	vst v63  }
0x18: {  	v3 =	vld [tilespmem:$0x0];
	_ =	sdelay $0x4  }
0x19: {  	v4 =	vshrl.u32 v3, $0x3  }
0x1a: {  	v4 =	vmul.u32 $0x30, v4  }
0x1b: {  	v3 =	vand.u32 $0x7, v3  }
0x1c: {  	v3 =	vor.u32 v3, v4  }
0x1d: {  	v4 =	vperm.xlane v3, v0;
	_ =	sdelay $0x1  }
0x1e: {  	v4 =	vadd.s32 v1, v4;
	_ =	sdelay $0x3  }
0x1f: {  	s23 =	simm.s32 $0xC400;
	v3 =	vperm.xlane v3, v2  }
0x20: {  	[tilespmem:s23], [sflag:$0x5] =	stream.indirect_vreg.gather [hbm4b:s3+s6], $0x80, v4, vm0, $0xb8;
	[tilespmem:$0x18400] =	vst v63  }
0x21: {  	s24 =	simm.s32 $0xCC00;
	v3 =	vadd.s32 v1, v3  }
0x22: {  	[tilespmem:s24], [sflag:$0x5] =	stream.indirect_vreg.gather [hbm4b:s9+s6], $0x80, v4, vm0, $0xb8;
	[tilespmem:$0x18400] =	vst v63  }
0x23: {  	s25 =	simm.s32 $0xD400  }
0x24: {  	[tilespmem:s25], [sflag:$0x5] =	stream.indirect_vreg.gather [hbm4b:s10+s6], $0x80, v4, vm0, $0xb8;
	[tilespmem:$0x18400] =	vst v63  }
0x25: {  	s26 =	simm.s32 $0xDC00  }
0x26: {  	[tilespmem:s26], [sflag:$0x5] =	stream.indirect_vreg.gather [hbm4b:s3+s6], $0x80, v3, vm0, $0xb8;
	[tilespmem:$0x18400] =	vst v63  }
0x27: {  	s2 =	simm.s32 $0xE400  }
0x28: {  	[tilespmem:s2], [sflag:$0x5] =	stream.indirect_vreg.gather [hbm4b:s9+s6], $0x80, v3, vm0, $0xb8;
	[tilespmem:$0x18400] =	vst v63  }
0x29: {  	s15 =	simm.s32 $0xEC00  }
0x2a: {  	[tilespmem:s15], [sflag:$0x5] =	stream.indirect_vreg.gather [hbm4b:s10+s6], $0x80, v3, vm0, $0xb8;
	[tilespmem:$0x18400] =	vst v63  }
0x2b: {  	s16 =	rddreg [dreg:$0x7]  }
0x2c: {  	[tilespmem:s21], [sflag:$0x2] =	stream.linear.gather [hbm4b:s16+s6], $0x3000, $0x38;
	[tilespmem:$0x18400] =	vst v63  }
0x2d: {  	v3 =	vld [tilespmem:$0x10];
	_ =	sdelay $0x4  }
0x2e: {  	v63 =	vshrl.u32 v3, $0x3  }
0x2f: {  	v4 =	vmul.u32 $0x30, v63  }
0x30: {  	v3 =	vand.u32 $0x7, v3  }
0x31: {  	v3 =	vor.u32 v3, v4  }
0x32: {  	v4 =	vperm.xlane v3, v0;
	_ =	sdelay $0x1  }
0x33: {  	v4 =	vadd.s32 v1, v4;
	_ =	sdelay $0x3  }
0x34: {  	s17 =	simm.s32 $0xF400;
	v3 =	vperm.xlane v3, v2  }
0x35: {  	[tilespmem:s17], [sflag:$0x6] =	stream.indirect_vreg.gather [hbm4b:s3+s6], $0x80, v4, vm0, $0xb8;
	[tilespmem:$0x18400] =	vst v63  }
0x36: {  	s18 =	simm.s32 $0xFC00;
	v3 =	vadd.s32 v1, v3  }
0x37: {  	[tilespmem:s18], [sflag:$0x6] =	stream.indirect_vreg.gather [hbm4b:s9+s6], $0x80, v4, vm0, $0xb8;
	[tilespmem:$0x18400] =	vst v63  }
0x38: {  	s23 =	simm.s32 $0x10400  }
0x39: {  	[tilespmem:s23], [sflag:$0x6] =	stream.indirect_vreg.gather [hbm4b:s10+s6], $0x80, v4, vm0, $0xb8;
	[tilespmem:$0x18400] =	vst v63  }
0x3a: {  	s24 =	simm.s32 $0x10C00  }
0x3b: {  	[tilespmem:s24], [sflag:$0x6] =	stream.indirect_vreg.gather [hbm4b:s3+s6], $0x80, v3, vm0, $0xb8;
	[tilespmem:$0x18400] =	vst v63  }
0x3c: {  	s25 =	simm.s32 $0x11400  }
0x3d: {  	[tilespmem:s25], [sflag:$0x6] =	stream.indirect_vreg.gather [hbm4b:s9+s6], $0x80, v3, vm0, $0xb8;
	[tilespmem:$0x18400] =	vst v63  }
0x3e: {  	s26 =	simm.s32 $0x11C00;
	s2 =	simm.s32 $0x0  }
0x3f: {  	[tilespmem:s26], [sflag:$0x6] =	stream.indirect_vreg.gather [hbm4b:s10+s6], $0x80, v3, vm0, $0xb8;
	[tilespmem:$0x18400] =	vst v63  }
.LBB2_2:
0x40: {  	_ =	swait.ge [sflag:s29], $0x3000  }
0x41: {  	[sflag:s29] =	ssyncset.done $0x0  }
0x42: {  	s15 =	sshll.u32 s2, $0x6;
	[sflag:s29] =	ssyncadd.s32 $0xFFFFD000  }
0x43: {  	s17 =	sor.u32 $0x20, s15;
	_ =	swait.ge [sflag:s30], $0x3000  }
0x44: {  	p0 =	seq.s32 s2, $0x0;
	s0 =	sor.u32 s5, s17;
	[sflag:s30] =	ssyncset.done $0x0  }
0x45: {  	s18 =	simm.s32 @!p0 $0xB;
	s0 =	sshrl.u32 s0, $0x3;
	[sflag:s30] =	ssyncadd.s32 $0xFFFFD000  }
0x46: {  	s16 =	smul.u32 $0x300, s0;
	_ =	swait.ge @!p0 [sflag:s18], $0x3000  }
0x47: {  	[sflag:s18] =	ssyncset.done @!p0 $0x0  }
0x48: {  	s0 =	simm.s32 $0x0;
	s25 =	sadd.s32 s1, s16;
	[sflag:s18] =	ssyncadd.s32 @!p0 $0xFFFFD000  }
0x49: {  	[tilespmem:s31], [sflag:$0x3] =	stream.linear.gather [hbm4b:s25+s0], $0x3000, $0x38;
	[tilespmem:$0x18400] =	vst v63  }
0x4a: {  	v3 =	vld [tilespmem:s17+$0x0];
	_ =	sdelay $0x4  }
0x4b: {  	v4 =	vshrl.u32 v3, $0x3  }
0x4c: {  	v4 =	vmul.u32 $0x30, v4  }
0x4d: {  	v3 =	vand.u32 $0x7, v3  }
0x4e: {  	v3 =	vor.u32 v3, v4  }
0x4f: {  	v4 =	vperm.xlane v3, v0;
	_ =	sdelay $0x1  }
0x50: {  	v4 =	vadd.s32 v1, v4;
	_ =	sdelay $0x3  }
0x51: {  	s26 =	simm.s32 $0x12400;
	v3 =	vperm.xlane v3, v2  }
0x52: {  	[tilespmem:s26], [sflag:$0x7] =	stream.indirect_vreg.gather [hbm4b:s3+s0], $0x80, v4, vm0, $0xb8;
	[tilespmem:$0x18400] =	vst v63  }
0x53: {  	s18 =	simm.s32 $0x12C00;
	v3 =	vadd.s32 v1, v3  }
0x54: {  	[tilespmem:s18], [sflag:$0x7] =	stream.indirect_vreg.gather [hbm4b:s9+s0], $0x80, v4, vm0, $0xb8;
	[tilespmem:$0x18400] =	vst v63  }
0x55: {  	s23 =	simm.s32 $0x13400  }
0x56: {  	[tilespmem:s23], [sflag:$0x7] =	stream.indirect_vreg.gather [hbm4b:s10+s0], $0x80, v4, vm0, $0xb8;
	[tilespmem:$0x18400] =	vst v63  }
0x57: {  	s24 =	simm.s32 $0x13C00  }
0x58: {  	[tilespmem:s24], [sflag:$0x7] =	stream.indirect_vreg.gather [hbm4b:s3+s0], $0x80, v3, vm0, $0xb8;
	[tilespmem:$0x18400] =	vst v63  }
0x59: {  	s25 =	simm.s32 $0x14400  }
0x5a: {  	[tilespmem:s25], [sflag:$0x7] =	stream.indirect_vreg.gather [hbm4b:s9+s0], $0x80, v3, vm0, $0xb8;
	[tilespmem:$0x18400] =	vst v63  }
0x5b: {  	s17 =	sor.u32 s5, s15;
	s26 =	simm.s32 $0x14C00;
	s18 =	simm.s32 $0x0  }
0x5c: {  	[tilespmem:s26], [sflag:$0x7] =	stream.indirect_vreg.gather [hbm4b:s10+s0], $0x80, v3, vm0, $0xb8;
	[tilespmem:$0x18400] =	vst v63  }
.LBB2_3:
0x5d: {  	s23 =	sshrl.u32 s18, $0x3  }
0x5e: {  	s23 =	smul.u32 $0x1800, s23  }
0x5f: {  	s24 =	sand.u32 $0x380, s0  }
0x60: {  	s23 =	sor.u32 s24, s23  }
0x61: {  	v3 =	vld [tilespmem:s23+$0xC400];
	_ =	sdelay $0x3  }
0x62: {  	s24 =	sor.u32 $0x400, s23  }
0x63: {  	[tilespmem:s24+$0x0] =	vst.add.f32.msk $0xffff, v3  }
0x64: {  	v3 =	vld [tilespmem:s23+$0xC410];
	_ =	sdelay $0x3  }
0x65: {  	s26 =	sor.u32 $0x410, s23  }
0x66: {  	[tilespmem:s26+$0x0] =	vst.add.f32.msk $0xffff, v3  }
0x67: {  	v3 =	vld [tilespmem:s23+$0xC420];
	_ =	sdelay $0x3  }
0x68: {  	s25 =	sor.u32 $0x420, s23  }
0x69: {  	[tilespmem:s25+$0x0] =	vst.add.f32.msk $0xffff, v3  }
0x6a: {  	v3 =	vld [tilespmem:s23+$0xC430];
	_ =	sdelay $0x3  }
0x6b: {  	s26 =	sor.u32 $0x430, s23  }
0x6c: {  	[tilespmem:s26+$0x0] =	vst.add.f32.msk $0xffff, v3  }
0x6d: {  	v3 =	vld [tilespmem:s23+$0xC440];
	_ =	sdelay $0x3  }
0x6e: {  	s25 =	sor.u32 $0x440, s23  }
0x6f: {  	[tilespmem:s25+$0x0] =	vst.add.f32.msk $0xffff, v3  }
0x70: {  	v3 =	vld [tilespmem:s23+$0xC450];
	_ =	sdelay $0x3  }
0x71: {  	s26 =	sor.u32 $0x450, s23  }
0x72: {  	[tilespmem:s26+$0x0] =	vst.add.f32.msk $0xffff, v3  }
0x73: {  	v3 =	vld [tilespmem:s23+$0xC460];
	_ =	sdelay $0x3  }
0x74: {  	s25 =	sor.u32 $0x460, s23  }
0x75: {  	[tilespmem:s25+$0x0] =	vst.add.f32.msk $0xffff, v3  }
0x76: {  	v3 =	vld [tilespmem:s23+$0xC470];
	_ =	sdelay $0x3  }
0x77: {  	s26 =	sor.u32 $0x470, s23  }
0x78: {  	[tilespmem:s26+$0x0] =	vst.add.f32.msk $0xffff, v3  }
0x79: {  	v3 =	vld [tilespmem:s23+$0xC800]  }
0x7a: {  	v4 =	vld [tilespmem:s23+$0xC810]  }
0x7b: {  	v5 =	vld [tilespmem:s23+$0xC820]  }
0x7c: {  	v6 =	vld [tilespmem:s23+$0xC830]  }
0x7d: {  	v7 =	vld [tilespmem:s23+$0xC840]  }
0x7e: {  	v36 =	vld [tilespmem:s23+$0xC860]  }
0x7f: {  	v37 =	vld [tilespmem:s23+$0xC870]  }
0x80: {  	v38 =	vld [tilespmem:s23+$0xCC00]  }
0x81: {  	v39 =	vld [tilespmem:s23+$0xCC10]  }
0x82: {  	v40 =	vld [tilespmem:s23+$0xCC30]  }
0x83: {  	v41 =	vld [tilespmem:s23+$0xCC40]  }
0x84: {  	v42 =	vld [tilespmem:s23+$0xCC50]  }
0x85: {  	v43 =	vld [tilespmem:s23+$0xCC60]  }
0x86: {  	v44 =	vld [tilespmem:s23+$0xD000]  }
0x87: {  	v45 =	vld [tilespmem:s23+$0xD010]  }
0x88: {  	v46 =	vld [tilespmem:s23+$0xD020]  }
0x89: {  	v47 =	vld [tilespmem:s23+$0xD030]  }
0x8a: {  	v48 =	vld [tilespmem:s23+$0xD050]  }
0x8b: {  	v49 =	vld [tilespmem:s23+$0xD060]  }
0x8c: {  	v50 =	vld [tilespmem:s23+$0xD070]  }
0x8d: {  	v51 =	vld [tilespmem:s23+$0xD400]  }
0x8e: {  	v52 =	vld [tilespmem:s23+$0xD420]  }
0x8f: {  	v53 =	vld [tilespmem:s23+$0xD430]  }
0x90: {  	v54 =	vld [tilespmem:s23+$0xD440]  }
0x91: {  	v55 =	vld [tilespmem:s23+$0xD450]  }
0x92: {  	v56 =	vld [tilespmem:s23+$0xD470]  }
0x93: {  	v57 =	vld [tilespmem:s23+$0xD800]  }
0x94: {  	v58 =	vld [tilespmem:s23+$0xD810]  }
0x95: {  	v59 =	vld [tilespmem:s23+$0xD820]  }
0x96: {  	v60 =	vld [tilespmem:s23+$0xD840]  }
0x97: {  	v61 =	vld [tilespmem:s23+$0xD850]  }
0x98: {  	v62 =	vld [tilespmem:s23+$0xD860]  }
0x99: {  	v63 =	vld [tilespmem:s23+$0xD870]  }
0x9a: {  	[tilespmem:s23+$0x800] =	vst.add.f32.msk $0xffff, v3  }
0x9b: {  	[tilespmem:s23+$0x810] =	vst.add.f32.msk $0xffff, v4  }
0x9c: {  	[tilespmem:s23+$0x820] =	vst.add.f32.msk $0xffff, v5  }
0x9d: {  	[tilespmem:s23+$0x830] =	vst.add.f32.msk $0xffff, v6  }
0x9e: {  	[tilespmem:s23+$0x840] =	vst.add.f32.msk $0xffff, v7  }
0x9f: {  	v3 =	vld [tilespmem:s23+$0xC850]  }
0xa0: {  	[tilespmem:s23+$0x860] =	vst.add.f32.msk $0xffff, v36  }
0xa1: {  	[tilespmem:s23+$0x870] =	vst.add.f32.msk $0xffff, v37  }
0xa2: {  	[tilespmem:s23+$0xC00] =	vst.add.f32.msk $0xffff, v38  }
0xa3: {  	[tilespmem:s23+$0xC10] =	vst.add.f32.msk $0xffff, v39  }
0xa4: {  	[tilespmem:s23+$0x850] =	vst.add.f32.msk $0xffff, v3  }
0xa5: {  	v3 =	vld [tilespmem:s23+$0xCC20]  }
0xa6: {  	[tilespmem:s23+$0xC30] =	vst.add.f32.msk $0xffff, v40  }
0xa7: {  	[tilespmem:s23+$0xC40] =	vst.add.f32.msk $0xffff, v41  }
0xa8: {  	[tilespmem:s23+$0xC50] =	vst.add.f32.msk $0xffff, v42  }
0xa9: {  	[tilespmem:s23+$0xC60] =	vst.add.f32.msk $0xffff, v43  }
0xaa: {  	[tilespmem:s23+$0xC20] =	vst.add.f32.msk $0xffff, v3  }
0xab: {  	v3 =	vld [tilespmem:s23+$0xCC70]  }
0xac: {  	[tilespmem:s23+$0x1000] =	vst.add.f32.msk $0xffff, v44  }
0xad: {  	[tilespmem:s23+$0x1010] =	vst.add.f32.msk $0xffff, v45  }
0xae: {  	[tilespmem:s23+$0x1020] =	vst.add.f32.msk $0xffff, v46  }
0xaf: {  	[tilespmem:s23+$0x1030] =	vst.add.f32.msk $0xffff, v47  }
0xb0: {  	[tilespmem:s23+$0xC70] =	vst.add.f32.msk $0xffff, v3  }
0xb1: {  	v3 =	vld [tilespmem:s23+$0xD040]  }
0xb2: {  	[tilespmem:s23+$0x1050] =	vst.add.f32.msk $0xffff, v48  }
0xb3: {  	[tilespmem:s23+$0x1060] =	vst.add.f32.msk $0xffff, v49  }
0xb4: {  	[tilespmem:s23+$0x1070] =	vst.add.f32.msk $0xffff, v50  }
0xb5: {  	[tilespmem:s23+$0x1400] =	vst.add.f32.msk $0xffff, v51  }
0xb6: {  	[tilespmem:s23+$0x1040] =	vst.add.f32.msk $0xffff, v3  }
0xb7: {  	v3 =	vld [tilespmem:s23+$0xD410]  }
0xb8: {  	[tilespmem:s23+$0x1420] =	vst.add.f32.msk $0xffff, v52  }
0xb9: {  	[tilespmem:s23+$0x1430] =	vst.add.f32.msk $0xffff, v53  }
0xba: {  	[tilespmem:s23+$0x1440] =	vst.add.f32.msk $0xffff, v54  }
0xbb: {  	[tilespmem:s23+$0x1450] =	vst.add.f32.msk $0xffff, v55  }
0xbc: {  	[tilespmem:s23+$0x1410] =	vst.add.f32.msk $0xffff, v3  }
0xbd: {  	v3 =	vld [tilespmem:s23+$0xD460]  }
0xbe: {  	[tilespmem:s23+$0x1470] =	vst.add.f32.msk $0xffff, v56  }
0xbf: {  	[tilespmem:s23+$0x1800] =	vst.add.f32.msk $0xffff, v57  }
0xc0: {  	[tilespmem:s23+$0x1810] =	vst.add.f32.msk $0xffff, v58  }
0xc1: {  	[tilespmem:s23+$0x1820] =	vst.add.f32.msk $0xffff, v59  }
0xc2: {  	[tilespmem:s23+$0x1460] =	vst.add.f32.msk $0xffff, v3  }
0xc3: {  	p1 =	sne.s32 s18, $0xF;
	v3 =	vld [tilespmem:s23+$0xD830]  }
.Ltmp0:
0xc4: {  	[tilespmem:s23+$0x1840] =	vst.add.f32.msk $0xffff, v60;
	(pc) =	sbr.rel @p1 .LBB2_3-.Ltmp0, $4  }
0xc5: {  	[tilespmem:s23+$0x1850] =	vst.add.f32.msk $0xffff, v61  }
0xc6: {  	[tilespmem:s23+$0x1860] =	vst.add.f32.msk $0xffff, v62  }
0xc7: {  	[tilespmem:s23+$0x1870] =	vst.add.f32.msk $0xffff, v63  }
0xc8: {  	s0 =	sadd.s32 $0x80, s0;
	s18 =	sadd.s32 $0x1, s18;
	[tilespmem:s23+$0x1830] =	vst.add.f32.msk $0xffff, v3  }
0xc9: {  	s0 =	sshrl.u32 s17, $0x3  }
0xca: {  	s17 =	smul.u32 $0x300, s0;
	_ =	sdelay $0x1  }
0xcb: {  	s0 =	sadd.s32 s4, s17  }
0xcc: {  	[hbm4b:s0+s6] =	stream.linear.scatter [tilespmem:s14], [sflag:$0x9], $0x3000, $0x38;
	[tilespmem:$0x18400] =	vst v63  }
0xcd: {  	_ =	swait.ge [sflag:s19], $0x3000  }
0xce: {  	[sflag:s19] =	ssyncset.done $0x0  }
0xcf: {  	[sflag:s19] =	ssyncadd.s32 $0xFFFFD000  }
0xd0: {  	s23 =	sor.u32 $0x30, s15;
	_ =	swait.ge [sflag:s20], $0x3000  }
0xd1: {  	s25 =	sor.u32 s5, s23;
	[sflag:s20] =	ssyncset.done $0x0  }
0xd2: {  	s18 =	simm.s32 @!p0 $0xC;
	s0 =	sshrl.u32 s25, $0x3;
	[sflag:s20] =	ssyncadd.s32 $0xFFFFD000  }
0xd3: {  	s0 =	smul.u32 $0x300, s0;
	_ =	swait.ge @!p0 [sflag:s18], $0x3000  }
0xd4: {  	[sflag:s18] =	ssyncset.done @!p0 $0x0  }
0xd5: {  	s24 =	sadd.s32 s1, s0;
	[sflag:s18] =	ssyncadd.s32 @!p0 $0xFFFFD000;
	s18 =	simm.s32 $0x0  }
0xd6: {  	[tilespmem:s22], [sflag:$0x4] =	stream.linear.gather [hbm4b:s24+s18], $0x3000, $0x38;
	[tilespmem:$0x18400] =	vst v63  }
0xd7: {  	v3 =	vld [tilespmem:s23+$0x0];
	_ =	sdelay $0x4  }
0xd8: {  	v4 =	vshrl.u32 v3, $0x3  }
0xd9: {  	v4 =	vmul.u32 $0x30, v4  }
0xda: {  	v3 =	vand.u32 $0x7, v3  }
0xdb: {  	v3 =	vor.u32 v3, v4  }
0xdc: {  	v4 =	vperm.xlane v3, v0;
	_ =	sdelay $0x1  }
0xdd: {  	v4 =	vadd.s32 v1, v4;
	_ =	sdelay $0x3  }
0xde: {  	s26 =	simm.s32 $0x15400;
	v3 =	vperm.xlane v3, v2  }
0xdf: {  	[tilespmem:s26], [sflag:$0x8] =	stream.indirect_vreg.gather [hbm4b:s3+s18], $0x80, v4, vm0, $0xb8;
	[tilespmem:$0x18400] =	vst v63  }
0xe0: {  	s24 =	simm.s32 $0x15C00;
	v3 =	vadd.s32 v1, v3  }
0xe1: {  	[tilespmem:s24], [sflag:$0x8] =	stream.indirect_vreg.gather [hbm4b:s9+s18], $0x80, v4, vm0, $0xb8;
	[tilespmem:$0x18400] =	vst v63  }
0xe2: {  	s25 =	simm.s32 $0x16400  }
0xe3: {  	[tilespmem:s25], [sflag:$0x8] =	stream.indirect_vreg.gather [hbm4b:s10+s18], $0x80, v4, vm0, $0xb8;
	[tilespmem:$0x18400] =	vst v63  }
0xe4: {  	s26 =	simm.s32 $0x16C00;
	s24 =	simm.s32 $0x0  }
0xe5: {  	[tilespmem:s26], [sflag:$0x8] =	stream.indirect_vreg.gather [hbm4b:s3+s18], $0x80, v3, vm0, $0xb8;
	[tilespmem:$0x18400] =	vst v63  }
0xe6: {  	s23 =	smul.u32 $0x1800, s24;
	s25 =	sand.u32 $0x380, s18  }
0xe7: {  	[tilespmem:s28], [sflag:$0x8] =	stream.indirect_vreg.gather [hbm4b:s9+s18], $0x80, v3, vm0, $0xb8;
	[tilespmem:$0x18400] =	vst v63  }
0xe8: {  	s23 =	sor.u32 s25, s23  }
0xe9: {  	[tilespmem:s7], [sflag:$0x8] =	stream.indirect_vreg.gather [hbm4b:s10+s18], $0x80, v3, vm0, $0xb8;
	[tilespmem:$0x18400] =	vst v63  }
0xea: {  	v3 =	vld [tilespmem:s23+$0xFC70]  }
0xeb: {  	v4 =	vld [tilespmem:s23+$0xFC50]  }
0xec: {  	v5 =	vld [tilespmem:s23+$0xFC30]  }
0xed: {  	v6 =	vld [tilespmem:s23+$0xFC10]  }
0xee: {  	v7 =	vld [tilespmem:s23+$0xF870]  }
0xef: {  	v8 =	vld [tilespmem:s23+$0xFC60]  }
0xf0: {  	v9 =	vld [tilespmem:s23+$0xFC20]  }
0xf1: {  	v59 =	vld [tilespmem:s23+$0xF400]  }
0xf2: {  	v60 =	vld [tilespmem:s23+$0xF830]  }
0xf3: {  	v61 =	vld [tilespmem:s23+$0xF840]  }
0xf4: {  	v62 =	vld [tilespmem:s23+$0xF820]  }
0xf5: {  	v10 =	vld [tilespmem:s23+$0xF440]  }
0xf6: {  	v63 =	vld [tilespmem:s23+$0xF470]  }
0xf7: {  	v11 =	vld [tilespmem:s23+$0xF450]  }
0xf8: {  	v12 =	vld [tilespmem:s23+$0xF800]  }
0xf9: {  	v13 =	vld [tilespmem:s23+$0xF430]  }
0xfa: {  	v14 =	vld [tilespmem:s23+$0xF420]  }
0xfb: {  	[tilespmem:s23+$0x3C70] =	vst.add.f32.msk $0xffff, v3  }
0xfc: {  	v3 =	vld [tilespmem:s23+$0xFC40]  }
0xfd: {  	[tilespmem:s23+$0x3C50] =	vst.add.f32.msk $0xffff, v4  }
0xfe: {  	[tilespmem:s23+$0x3C30] =	vst.add.f32.msk $0xffff, v5  }
0xff: {  	[tilespmem:s23+$0x3C10] =	vst.add.f32.msk $0xffff, v6  }
0x100: {  	v4 =	vld [tilespmem:s23+$0xFC00]  }
0x101: {  	[tilespmem:s23+$0x3870] =	vst.add.f32.msk $0xffff, v7  }
0x102: {  	v5 =	vld [tilespmem:s23+$0xF850]  }
0x103: {  	[tilespmem:s23+$0x3C60] =	vst.add.f32.msk $0xffff, v8  }
0x104: {  	[tilespmem:s23+$0x3C20] =	vst.add.f32.msk $0xffff, v9  }
0x105: {  	[tilespmem:s23+$0x3830] =	vst.add.f32.msk $0xffff, v60  }
0x106: {  	[tilespmem:s23+$0x3840] =	vst.add.f32.msk $0xffff, v61  }
0x107: {  	[tilespmem:s23+$0x3820] =	vst.add.f32.msk $0xffff, v62  }
0x108: {  	[tilespmem:s23+$0x3440] =	vst.add.f32.msk $0xffff, v10  }
0x109: {  	[tilespmem:s23+$0x3800] =	vst.add.f32.msk $0xffff, v12  }
0x10a: {  	[tilespmem:s23+$0x3450] =	vst.add.f32.msk $0xffff, v11  }
0x10b: {  	[tilespmem:s23+$0x3470] =	vst.add.f32.msk $0xffff, v63  }
0x10c: {  	[tilespmem:s23+$0x3420] =	vst.add.f32.msk $0xffff, v14  }
0x10d: {  	[tilespmem:s23+$0x3C40] =	vst.add.f32.msk $0xffff, v3  }
0x10e: {  	v3 =	vld [tilespmem:s23+$0xF860]  }
0x10f: {  	[tilespmem:s23+$0x3C00] =	vst.add.f32.msk $0xffff, v4  }
0x110: {  	v4 =	vld [tilespmem:s23+$0xF810]  }
0x111: {  	[tilespmem:s23+$0x3850] =	vst.add.f32.msk $0xffff, v5  }
0x112: {  	v5 =	vld [tilespmem:s23+$0xF410]  }
0x113: {  	[tilespmem:s23+$0x3860] =	vst.add.f32.msk $0xffff, v3  }
0x114: {  	v3 =	vld [tilespmem:s23+$0xF460]  }
0x115: {  	[tilespmem:s23+$0x3430] =	vst.add.f32.msk $0xffff, v13  }
0x116: {  	[tilespmem:s23+$0x3400] =	vst.add.f32.msk $0xffff, v59  }
0x117: {  	[tilespmem:s23+$0x3810] =	vst.add.f32.msk $0xffff, v4  }
0x118: {  	[tilespmem:s23+$0x3410] =	vst.add.f32.msk $0xffff, v5  }
0x119: {  	s24 =	sadd.s32 $0xC00, s23;
	[tilespmem:s23+$0x3460] =	vst.add.f32.msk $0xffff, v3  }
0x11a: {  	v3 =	vld [tilespmem:s24+$0xF400];
	_ =	sdelay $0x4  }
0x11b: {  	[tilespmem:s23+$0x4000] =	vst.add.f32.msk $0xffff, v3  }
0x11c: {  	v3 =	vld [tilespmem:s24+$0xF410];
	_ =	sdelay $0x4  }
0x11d: {  	[tilespmem:s23+$0x4010] =	vst.add.f32.msk $0xffff, v3  }
0x11e: {  	v3 =	vld [tilespmem:s24+$0xF420];
	_ =	sdelay $0x4  }
0x11f: {  	[tilespmem:s23+$0x4020] =	vst.add.f32.msk $0xffff, v3  }
0x120: {  	v3 =	vld [tilespmem:s24+$0xF430];
	_ =	sdelay $0x4  }
0x121: {  	[tilespmem:s23+$0x4030] =	vst.add.f32.msk $0xffff, v3  }
0x122: {  	v3 =	vld [tilespmem:s24+$0xF440];
	_ =	sdelay $0x4  }
0x123: {  	[tilespmem:s23+$0x4040] =	vst.add.f32.msk $0xffff, v3  }
0x124: {  	v3 =	vld [tilespmem:s24+$0xF450];
	_ =	sdelay $0x4  }
0x125: {  	[tilespmem:s23+$0x4050] =	vst.add.f32.msk $0xffff, v3  }
0x126: {  	v3 =	vld [tilespmem:s24+$0xF460];
	_ =	sdelay $0x4  }
0x127: {  	[tilespmem:s23+$0x4060] =	vst.add.f32.msk $0xffff, v3  }
0x128: {  	v3 =	vld [tilespmem:s24+$0xF470];
	_ =	sdelay $0x4  }
0x129: {  	s26 =	sadd.s32 $0x1000, s23;
	[tilespmem:s23+$0x4070] =	vst.add.f32.msk $0xffff, v3  }
0x12a: {  	v3 =	vld [tilespmem:s26+$0xF400];
	_ =	sdelay $0x4  }
0x12b: {  	[tilespmem:s23+$0x4400] =	vst.add.f32.msk $0xffff, v3  }
0x12c: {  	v3 =	vld [tilespmem:s26+$0xF410];
	_ =	sdelay $0x4  }
0x12d: {  	[tilespmem:s23+$0x4410] =	vst.add.f32.msk $0xffff, v3  }
0x12e: {  	v3 =	vld [tilespmem:s26+$0xF420];
	_ =	sdelay $0x4  }
0x12f: {  	[tilespmem:s23+$0x4420] =	vst.add.f32.msk $0xffff, v3  }
0x130: {  	v3 =	vld [tilespmem:s26+$0xF430];
	_ =	sdelay $0x4  }
0x131: {  	[tilespmem:s23+$0x4430] =	vst.add.f32.msk $0xffff, v3  }
0x132: {  	v3 =	vld [tilespmem:s26+$0xF440];
	_ =	sdelay $0x4  }
0x133: {  	[tilespmem:s23+$0x4440] =	vst.add.f32.msk $0xffff, v3  }
0x134: {  	v3 =	vld [tilespmem:s26+$0xF450];
	_ =	sdelay $0x4  }
0x135: {  	[tilespmem:s23+$0x4450] =	vst.add.f32.msk $0xffff, v3  }
0x136: {  	v3 =	vld [tilespmem:s26+$0xF460];
	_ =	sdelay $0x4  }
0x137: {  	[tilespmem:s23+$0x4460] =	vst.add.f32.msk $0xffff, v3  }
0x138: {  	v3 =	vld [tilespmem:s26+$0xF470];
	_ =	sdelay $0x4  }
0x139: {  	s25 =	sadd.s32 $0x1400, s23;
	[tilespmem:s23+$0x4470] =	vst.add.f32.msk $0xffff, v3  }
0x13a: {  	s24 =	simm.s32 $0x1;
	v3 =	vld [tilespmem:s25+$0xF400]  }
.LBB2_5:
0x13b: {  	_ =	sdelay $0x2  }
0x13c: {  	p0 =	sne.s32 s24, $0xF  }
0x13d: {  	s18 =	sadd.s32 $0x80, s18;
	s26 =	smov.u32 s24;
	s24 =	sadd.s32 $0x1, s24;
	[tilespmem:s23+$0x4800] =	vst.add.f32.msk $0xffff, v3  }
0x13e: {  	v3 =	vld [tilespmem:s25+$0xF410];
	_ =	sdelay $0x4  }
0x13f: {  	[tilespmem:s23+$0x4810] =	vst.add.f32.msk $0xffff, v3  }
0x140: {  	v3 =	vld [tilespmem:s25+$0xF420];
	_ =	sdelay $0x4  }
0x141: {  	[tilespmem:s23+$0x4820] =	vst.add.f32.msk $0xffff, v3  }
0x142: {  	v3 =	vld [tilespmem:s25+$0xF430];
	_ =	sdelay $0x4  }
0x143: {  	[tilespmem:s23+$0x4830] =	vst.add.f32.msk $0xffff, v3  }
0x144: {  	v3 =	vld [tilespmem:s25+$0xF440];
	_ =	sdelay $0x4  }
0x145: {  	[tilespmem:s23+$0x4840] =	vst.add.f32.msk $0xffff, v3  }
0x146: {  	v3 =	vld [tilespmem:s25+$0xF450];
	_ =	sdelay $0x4  }
0x147: {  	[tilespmem:s23+$0x4850] =	vst.add.f32.msk $0xffff, v3  }
0x148: {  	v3 =	vld [tilespmem:s25+$0xF460];
	_ =	sdelay $0x4  }
0x149: {  	[tilespmem:s23+$0x4860] =	vst.add.f32.msk $0xffff, v3  }
0x14a: {  	v3 =	vld [tilespmem:s25+$0xF470];
	_ =	sdelay $0x1  }
0x14b: {  	s25 =	sshrl.u32 s26, $0x3  }
0x14c: {  	s25 =	smul.u32 $0x1800, s25  }
0x14d: {  	s26 =	sand.u32 $0x380, s18  }
0x14e: {  	[tilespmem:s23+$0x4870] =	vst.add.f32.msk $0xffff, v3;
	s23 =	sor.u32 s26, s25  }
0x14f: {  	v3 =	vld [tilespmem:s23+$0xFC70]  }
0x150: {  	v4 =	vld [tilespmem:s23+$0xFC50]  }
0x151: {  	v5 =	vld [tilespmem:s23+$0xFC30]  }
0x152: {  	v6 =	vld [tilespmem:s23+$0xFC10]  }
0x153: {  	v7 =	vld [tilespmem:s23+$0xF870]  }
0x154: {  	v8 =	vld [tilespmem:s23+$0xFC60]  }
0x155: {  	[tilespmem:s23+$0x3C70] =	vst.add.f32.msk $0xffff, v3  }
0x156: {  	v3 =	vld [tilespmem:s23+$0xFC40]  }
0x157: {  	v9 =	vld [tilespmem:s23+$0xFC20]  }
0x158: {  	[tilespmem:s23+$0x3C50] =	vst.add.f32.msk $0xffff, v4  }
0x159: {  	[tilespmem:s23+$0x3C30] =	vst.add.f32.msk $0xffff, v5  }
0x15a: {  	[tilespmem:s23+$0x3C10] =	vst.add.f32.msk $0xffff, v6  }
0x15b: {  	v4 =	vld [tilespmem:s23+$0xFC00]  }
0x15c: {  	[tilespmem:s23+$0x3870] =	vst.add.f32.msk $0xffff, v7  }
0x15d: {  	v5 =	vld [tilespmem:s23+$0xF850]  }
0x15e: {  	v6 =	vld [tilespmem:s23+$0xF400]  }
0x15f: {  	[tilespmem:s23+$0x3C60] =	vst.add.f32.msk $0xffff, v8  }
0x160: {  	v7 =	vld [tilespmem:s23+$0xF830]  }
0x161: {  	[tilespmem:s23+$0x3C40] =	vst.add.f32.msk $0xffff, v3  }
0x162: {  	v3 =	vld [tilespmem:s23+$0xF860]  }
0x163: {  	[tilespmem:s23+$0x3C20] =	vst.add.f32.msk $0xffff, v9  }
0x164: {  	v8 =	vld [tilespmem:s23+$0xF840]  }
0x165: {  	[tilespmem:s23+$0x3C00] =	vst.add.f32.msk $0xffff, v4  }
0x166: {  	v4 =	vld [tilespmem:s23+$0xF810]  }
0x167: {  	[tilespmem:s23+$0x3850] =	vst.add.f32.msk $0xffff, v5  }
0x168: {  	v5 =	vld [tilespmem:s23+$0xF410]  }
0x169: {  	v9 =	vld [tilespmem:s23+$0xF820]  }
0x16a: {  	v10 =	vld [tilespmem:s23+$0xF440]  }
0x16b: {  	[tilespmem:s23+$0x3830] =	vst.add.f32.msk $0xffff, v7  }
0x16c: {  	v7 =	vld [tilespmem:s23+$0xF470]  }
0x16d: {  	[tilespmem:s23+$0x3860] =	vst.add.f32.msk $0xffff, v3  }
0x16e: {  	v3 =	vld [tilespmem:s23+$0xF460]  }
0x16f: {  	v11 =	vld [tilespmem:s23+$0xF450]  }
0x170: {  	v12 =	vld [tilespmem:s23+$0xF800]  }
0x171: {  	v13 =	vld [tilespmem:s23+$0xF430]  }
0x172: {  	v14 =	vld [tilespmem:s23+$0xF420]  }
0x173: {  	[tilespmem:s23+$0x3840] =	vst.add.f32.msk $0xffff, v8  }
0x174: {  	[tilespmem:s23+$0x3820] =	vst.add.f32.msk $0xffff, v9  }
0x175: {  	[tilespmem:s23+$0x3440] =	vst.add.f32.msk $0xffff, v10  }
0x176: {  	[tilespmem:s23+$0x3810] =	vst.add.f32.msk $0xffff, v4  }
0x177: {  	[tilespmem:s23+$0x3800] =	vst.add.f32.msk $0xffff, v12  }
0x178: {  	[tilespmem:s23+$0x3450] =	vst.add.f32.msk $0xffff, v11  }
0x179: {  	[tilespmem:s23+$0x3470] =	vst.add.f32.msk $0xffff, v7  }
0x17a: {  	[tilespmem:s23+$0x3420] =	vst.add.f32.msk $0xffff, v14  }
0x17b: {  	[tilespmem:s23+$0x3430] =	vst.add.f32.msk $0xffff, v13  }
0x17c: {  	[tilespmem:s23+$0x3460] =	vst.add.f32.msk $0xffff, v3  }
0x17d: {  	s25 =	sadd.s32 $0xC00, s23;
	[tilespmem:s23+$0x3410] =	vst.add.f32.msk $0xffff, v5  }
0x17e: {  	[tilespmem:s23+$0x3400] =	vst.add.f32.msk $0xffff, v6  }
0x17f: {  	v3 =	vld [tilespmem:s25+$0xF400];
	_ =	sdelay $0x4  }
0x180: {  	[tilespmem:s23+$0x4000] =	vst.add.f32.msk $0xffff, v3  }
0x181: {  	v3 =	vld [tilespmem:s25+$0xF410];
	_ =	sdelay $0x4  }
0x182: {  	[tilespmem:s23+$0x4010] =	vst.add.f32.msk $0xffff, v3  }
0x183: {  	v3 =	vld [tilespmem:s25+$0xF420];
	_ =	sdelay $0x4  }
0x184: {  	[tilespmem:s23+$0x4020] =	vst.add.f32.msk $0xffff, v3  }
0x185: {  	v3 =	vld [tilespmem:s25+$0xF430];
	_ =	sdelay $0x4  }
0x186: {  	[tilespmem:s23+$0x4030] =	vst.add.f32.msk $0xffff, v3  }
0x187: {  	v3 =	vld [tilespmem:s25+$0xF440];
	_ =	sdelay $0x4  }
0x188: {  	[tilespmem:s23+$0x4040] =	vst.add.f32.msk $0xffff, v3  }
0x189: {  	v3 =	vld [tilespmem:s25+$0xF450];
	_ =	sdelay $0x4  }
0x18a: {  	[tilespmem:s23+$0x4050] =	vst.add.f32.msk $0xffff, v3  }
0x18b: {  	v3 =	vld [tilespmem:s25+$0xF460];
	_ =	sdelay $0x4  }
0x18c: {  	[tilespmem:s23+$0x4060] =	vst.add.f32.msk $0xffff, v3  }
0x18d: {  	v3 =	vld [tilespmem:s25+$0xF470];
	_ =	sdelay $0x3  }
0x18e: {  	s25 =	sadd.s32 $0x1000, s23  }
0x18f: {  	[tilespmem:s23+$0x4070] =	vst.add.f32.msk $0xffff, v3  }
0x190: {  	v3 =	vld [tilespmem:s25+$0xF400];
	_ =	sdelay $0x4  }
0x191: {  	[tilespmem:s23+$0x4400] =	vst.add.f32.msk $0xffff, v3  }
0x192: {  	v3 =	vld [tilespmem:s25+$0xF410];
	_ =	sdelay $0x4  }
0x193: {  	[tilespmem:s23+$0x4410] =	vst.add.f32.msk $0xffff, v3  }
0x194: {  	v3 =	vld [tilespmem:s25+$0xF420];
	_ =	sdelay $0x4  }
0x195: {  	[tilespmem:s23+$0x4420] =	vst.add.f32.msk $0xffff, v3  }
0x196: {  	v3 =	vld [tilespmem:s25+$0xF430];
	_ =	sdelay $0x4  }
0x197: {  	[tilespmem:s23+$0x4430] =	vst.add.f32.msk $0xffff, v3  }
0x198: {  	v3 =	vld [tilespmem:s25+$0xF440];
	_ =	sdelay $0x4  }
0x199: {  	[tilespmem:s23+$0x4440] =	vst.add.f32.msk $0xffff, v3  }
0x19a: {  	v3 =	vld [tilespmem:s25+$0xF450];
	_ =	sdelay $0x4  }
0x19b: {  	[tilespmem:s23+$0x4450] =	vst.add.f32.msk $0xffff, v3  }
0x19c: {  	v3 =	vld [tilespmem:s25+$0xF460];
	_ =	sdelay $0x4  }
0x19d: {  	[tilespmem:s23+$0x4460] =	vst.add.f32.msk $0xffff, v3  }
0x19e: {  	v3 =	vld [tilespmem:s25+$0xF470];
	_ =	sdelay $0x1  }
.Ltmp1:
0x19f: {  	(pc) =	sbr.rel @p0 .LBB2_5-.Ltmp1, $4  }
0x1a0: {  	_ = 	snop  }
0x1a1: {  	s25 =	sadd.s32 $0x1400, s23  }
0x1a2: {  	[tilespmem:s23+$0x4470] =	vst.add.f32.msk $0xffff, v3  }
0x1a3: {  	v3 =	vld [tilespmem:s25+$0xF400]  }
0x1a4: {  	_ =	sdelay $0x3  }
0x1a5: {  	[tilespmem:s23+$0x4800] =	vst.add.f32.msk $0xffff, v3  }
0x1a6: {  	v3 =	vld [tilespmem:s25+$0xF410];
	_ =	sdelay $0x4  }
0x1a7: {  	[tilespmem:s23+$0x4810] =	vst.add.f32.msk $0xffff, v3  }
0x1a8: {  	v3 =	vld [tilespmem:s25+$0xF420];
	_ =	sdelay $0x4  }
0x1a9: {  	[tilespmem:s23+$0x4820] =	vst.add.f32.msk $0xffff, v3  }
0x1aa: {  	v3 =	vld [tilespmem:s25+$0xF430];
	_ =	sdelay $0x4  }
0x1ab: {  	[tilespmem:s23+$0x4830] =	vst.add.f32.msk $0xffff, v3  }
0x1ac: {  	v3 =	vld [tilespmem:s25+$0xF440];
	_ =	sdelay $0x4  }
0x1ad: {  	[tilespmem:s23+$0x4840] =	vst.add.f32.msk $0xffff, v3  }
0x1ae: {  	v3 =	vld [tilespmem:s25+$0xF450];
	_ =	sdelay $0x4  }
0x1af: {  	[tilespmem:s23+$0x4850] =	vst.add.f32.msk $0xffff, v3  }
0x1b0: {  	v3 =	vld [tilespmem:s25+$0xF460];
	_ =	sdelay $0x4  }
0x1b1: {  	[tilespmem:s23+$0x4860] =	vst.add.f32.msk $0xffff, v3  }
0x1b2: {  	v3 =	vld [tilespmem:s25+$0xF470];
	_ =	sdelay $0x3  }
0x1b3: {  	s17 =	sadd.s32 s17, s4  }
0x1b4: {  	s17 =	sadd.s32 $0x600, s17;
	[tilespmem:s23+$0x4870] =	vst.add.f32.msk $0xffff, v3  }
0x1b5: {  	[hbm4b:s17+s6] =	stream.linear.scatter [tilespmem:s21], [sflag:$0xA], $0x3000, $0x38;
	[tilespmem:$0x18400] =	vst v63  }
0x1b6: {  	_ =	swait.ge [sflag:s11], $0x3000  }
0x1b7: {  	[sflag:s11] =	ssyncset.done $0x0  }
0x1b8: {  	p0 =	seq.s32 s2, $0xF;
	[sflag:s11] =	ssyncadd.s32 $0xFFFFD000  }
0x1b9: {  	s17 =	sadd.s32 @!p0 $0x40, s15;
	_ =	swait.ge [sflag:s12], $0x3000  }
0x1ba: {  	s17 =	sadd.s32 @!p0 s5, s17;
	[sflag:s12] =	ssyncset.done $0x0  }
0x1bb: {  	s18 =	simm.s32 @!p0 $0x9;
	s17 =	sshrl.u32 @!p0 s17, $0x3;
	[sflag:s12] =	ssyncadd.s32 $0xFFFFD000  }
0x1bc: {  	s17 =	smul.u32 @!p0 $0x300, s17;
	_ =	swait.ge @!p0 [sflag:s18], $0x3000  }
0x1bd: {  	s23 =	simm.s32 @!p0 $0x400;
	[sflag:s18] =	ssyncset.done @!p0 $0x0  }
0x1be: {  	s17 =	sadd.s32 @!p0 s1, s17;
	[sflag:s18] =	ssyncadd.s32 @!p0 $0xFFFFD000;
	s18 =	simm.s32 @!p0 $0x0  }
0x1bf: {  	[tilespmem:s23], [sflag:$0x1] =	stream.linear.gather @!p0 [hbm4b:s17+s18], $0x3000, $0x38;
	[tilespmem:$0x18400] =	vst v63  }
0x1c0: {  	v3 =	vld @!p0 [tilespmem:s15+$0x40];
	_ =	sdelay $0x4  }
0x1c1: {  	v4 =	vshrl.u32 @!p0 v3, $0x3  }
0x1c2: {  	v4 =	vmul.u32 @!p0 $0x30, v4  }
0x1c3: {  	v5 =	vlaneseq.u32 @!p0;
	v3 =	vand.u32 @!p0 $0x7, v3  }
0x1c4: {  	v6 =	vshrl.u32 @!p0 v5, $0x3;
	v3 =	vor.u32 @!p0 v3, v4;
	v4 =	vand.u32 @!p0 $0x7, v5  }
0x1c5: {  	v6 =	vmul.u32 @!p0 $0x8, v6;
	v4 =	vperm.xlane @!p0 v3, v4;
	_ =	sdelay $0x1  }
0x1c6: {  	v4 =	vadd.s32 @!p0 v6, v4;
	_ =	sdelay $0x2  }
0x1c7: {  	v5 =	vor.u32 @!p0 $0x8, v5  }
0x1c8: {  	vm1 =	vmmov @!p0 $0xffff;
	s17 =	simm.s32 @!p0 $0xC400;
	v3 =	vperm.xlane @!p0 v3, v5  }
0x1c9: {  	[tilespmem:s17], [sflag:$0x5] =	stream.indirect_vreg.gather @!p0 [hbm4b:s3+s18], $0x80, v4, vm1, $0xb8;
	[tilespmem:$0x18400] =	vst v63  }
0x1ca: {  	v3 =	vadd.s32 @!p0 v6, v3;
	s17 =	simm.s32 @!p0 $0xCC00  }
0x1cb: {  	[tilespmem:s17], [sflag:$0x5] =	stream.indirect_vreg.gather @!p0 [hbm4b:s9+s18], $0x80, v4, vm1, $0xb8;
	[tilespmem:$0x18400] =	vst v63  }
0x1cc: {  	s17 =	simm.s32 @!p0 $0xD400  }
0x1cd: {  	[tilespmem:s17], [sflag:$0x5] =	stream.indirect_vreg.gather @!p0 [hbm4b:s10+s18], $0x80, v4, vm1, $0xb8;
	[tilespmem:$0x18400] =	vst v63  }
0x1ce: {  	s17 =	simm.s32 @!p0 $0xDC00  }
0x1cf: {  	[tilespmem:s17], [sflag:$0x5] =	stream.indirect_vreg.gather @!p0 [hbm4b:s3+s18], $0x80, v3, vm1, $0xb8;
	[tilespmem:$0x18400] =	vst v63  }
0x1d0: {  	s17 =	simm.s32 @!p0 $0xE400  }
0x1d1: {  	[tilespmem:s17], [sflag:$0x5] =	stream.indirect_vreg.gather @!p0 [hbm4b:s9+s18], $0x80, v3, vm1, $0xb8;
	[tilespmem:$0x18400] =	vst v63  }
0x1d2: {  	s25 =	simm.s32 $0x0;
	s17 =	simm.s32 @!p0 $0xEC00  }
0x1d3: {  	[tilespmem:s17], [sflag:$0x5] =	stream.indirect_vreg.gather @!p0 [hbm4b:s10+s18], $0x80, v3, vm1, $0xb8;
	[tilespmem:$0x18400] =	vst v63  }
0x1d4: {  	s18 =	simm.s32 $0x0;
	s17 =	smul.u32 $0x1800, s25  }
0x1d5: {  	s26 =	sand.u32 $0x380, s18  }
0x1d6: {  	s17 =	sor.u32 s26, s17  }
0x1d7: {  	v3 =	vld [tilespmem:s17+$0x13870]  }
0x1d8: {  	v6 =	vld [tilespmem:s17+$0x12400]  }
0x1d9: {  	v7 =	vld [tilespmem:s17+$0x12410]  }
0x1da: {  	v8 =	vld [tilespmem:s17+$0x12420]  }
0x1db: {  	v9 =	vld [tilespmem:s17+$0x12430]  }
0x1dc: {  	v10 =	vld [tilespmem:s17+$0x12440]  }
0x1dd: {  	v11 =	vld [tilespmem:s17+$0x12450]  }
0x1de: {  	v12 =	vld [tilespmem:s17+$0x12460]  }
0x1df: {  	v13 =	vld [tilespmem:s17+$0x12470]  }
0x1e0: {  	v14 =	vld [tilespmem:s17+$0x12800]  }
0x1e1: {  	v15 =	vld [tilespmem:s17+$0x12810]  }
0x1e2: {  	v16 =	vld [tilespmem:s17+$0x12820]  }
0x1e3: {  	v17 =	vld [tilespmem:s17+$0x12830]  }
0x1e4: {  	v18 =	vld [tilespmem:s17+$0x12840]  }
0x1e5: {  	v19 =	vld [tilespmem:s17+$0x12850]  }
0x1e6: {  	v20 =	vld [tilespmem:s17+$0x12860]  }
0x1e7: {  	v21 =	vld [tilespmem:s17+$0x12870]  }
0x1e8: {  	v22 =	vld [tilespmem:s17+$0x12C00]  }
0x1e9: {  	v23 =	vld [tilespmem:s17+$0x12C10]  }
0x1ea: {  	v24 =	vld [tilespmem:s17+$0x12C20]  }
0x1eb: {  	v25 =	vld [tilespmem:s17+$0x12C30]  }
0x1ec: {  	v26 =	vld [tilespmem:s17+$0x12C40]  }
0x1ed: {  	v27 =	vld [tilespmem:s17+$0x12C50]  }
0x1ee: {  	v28 =	vld [tilespmem:s17+$0x12C60]  }
0x1ef: {  	v29 =	vld [tilespmem:s17+$0x12C70]  }
0x1f0: {  	v30 =	vld [tilespmem:s17+$0x13000]  }
0x1f1: {  	v31 =	vld [tilespmem:s17+$0x13010]  }
0x1f2: {  	v32 =	vld [tilespmem:s17+$0x13020]  }
0x1f3: {  	v33 =	vld [tilespmem:s17+$0x13030]  }
0x1f4: {  	v34 =	vld [tilespmem:s17+$0x13040]  }
0x1f5: {  	v35 =	vld [tilespmem:s17+$0x13050]  }
0x1f6: {  	v36 =	vld [tilespmem:s17+$0x13060]  }
0x1f7: {  	v37 =	vld [tilespmem:s17+$0x13070]  }
0x1f8: {  	v38 =	vld [tilespmem:s17+$0x13400]  }
0x1f9: {  	v39 =	vld [tilespmem:s17+$0x13410]  }
0x1fa: {  	v40 =	vld [tilespmem:s17+$0x13420]  }
0x1fb: {  	v41 =	vld [tilespmem:s17+$0x13430]  }
0x1fc: {  	v42 =	vld [tilespmem:s17+$0x13440]  }
0x1fd: {  	v43 =	vld [tilespmem:s17+$0x13450]  }
0x1fe: {  	v44 =	vld [tilespmem:s17+$0x13460]  }
0x1ff: {  	v45 =	vld [tilespmem:s17+$0x13470]  }
0x200: {  	v46 =	vld [tilespmem:s17+$0x13800]  }
0x201: {  	v47 =	vld [tilespmem:s17+$0x13810]  }
0x202: {  	v48 =	vld [tilespmem:s17+$0x13820]  }
0x203: {  	v49 =	vld [tilespmem:s17+$0x13830]  }
0x204: {  	v5 =	vld [tilespmem:s17+$0x13840]  }
0x205: {  	v4 =	vld [tilespmem:s17+$0x13850]  }
0x206: {  	[tilespmem:s17+$0x7870] =	vst.add.f32.msk $0xffff, v3  }
0x207: {  	v3 =	vld [tilespmem:s17+$0x13860]  }
0x208: {  	[tilespmem:s17+$0x6400] =	vst.add.f32.msk $0xffff, v6  }
0x209: {  	[tilespmem:s17+$0x6410] =	vst.add.f32.msk $0xffff, v7  }
0x20a: {  	[tilespmem:s17+$0x6420] =	vst.add.f32.msk $0xffff, v8  }
0x20b: {  	[tilespmem:s17+$0x6430] =	vst.add.f32.msk $0xffff, v9  }
0x20c: {  	[tilespmem:s17+$0x6440] =	vst.add.f32.msk $0xffff, v10  }
0x20d: {  	[tilespmem:s17+$0x6450] =	vst.add.f32.msk $0xffff, v11  }
0x20e: {  	[tilespmem:s17+$0x6460] =	vst.add.f32.msk $0xffff, v12  }
0x20f: {  	[tilespmem:s17+$0x6470] =	vst.add.f32.msk $0xffff, v13  }
0x210: {  	[tilespmem:s17+$0x6800] =	vst.add.f32.msk $0xffff, v14  }
0x211: {  	[tilespmem:s17+$0x6810] =	vst.add.f32.msk $0xffff, v15  }
0x212: {  	[tilespmem:s17+$0x6820] =	vst.add.f32.msk $0xffff, v16  }
0x213: {  	[tilespmem:s17+$0x6830] =	vst.add.f32.msk $0xffff, v17  }
0x214: {  	[tilespmem:s17+$0x6840] =	vst.add.f32.msk $0xffff, v18  }
0x215: {  	[tilespmem:s17+$0x6850] =	vst.add.f32.msk $0xffff, v19  }
0x216: {  	[tilespmem:s17+$0x6860] =	vst.add.f32.msk $0xffff, v20  }
0x217: {  	[tilespmem:s17+$0x6870] =	vst.add.f32.msk $0xffff, v21  }
0x218: {  	[tilespmem:s17+$0x6C00] =	vst.add.f32.msk $0xffff, v22  }
0x219: {  	[tilespmem:s17+$0x6C10] =	vst.add.f32.msk $0xffff, v23  }
0x21a: {  	[tilespmem:s17+$0x6C20] =	vst.add.f32.msk $0xffff, v24  }
0x21b: {  	[tilespmem:s17+$0x6C30] =	vst.add.f32.msk $0xffff, v25  }
0x21c: {  	[tilespmem:s17+$0x6C40] =	vst.add.f32.msk $0xffff, v26  }
0x21d: {  	[tilespmem:s17+$0x6C50] =	vst.add.f32.msk $0xffff, v27  }
0x21e: {  	[tilespmem:s17+$0x6C60] =	vst.add.f32.msk $0xffff, v28  }
0x21f: {  	[tilespmem:s17+$0x6C70] =	vst.add.f32.msk $0xffff, v29  }
0x220: {  	[tilespmem:s17+$0x7000] =	vst.add.f32.msk $0xffff, v30  }
0x221: {  	[tilespmem:s17+$0x7010] =	vst.add.f32.msk $0xffff, v31  }
0x222: {  	[tilespmem:s17+$0x7020] =	vst.add.f32.msk $0xffff, v32  }
0x223: {  	[tilespmem:s17+$0x7030] =	vst.add.f32.msk $0xffff, v33  }
0x224: {  	[tilespmem:s17+$0x7040] =	vst.add.f32.msk $0xffff, v34  }
0x225: {  	[tilespmem:s17+$0x7050] =	vst.add.f32.msk $0xffff, v35  }
0x226: {  	[tilespmem:s17+$0x7060] =	vst.add.f32.msk $0xffff, v36  }
0x227: {  	[tilespmem:s17+$0x7070] =	vst.add.f32.msk $0xffff, v37  }
0x228: {  	[tilespmem:s17+$0x7400] =	vst.add.f32.msk $0xffff, v38  }
0x229: {  	[tilespmem:s17+$0x7410] =	vst.add.f32.msk $0xffff, v39  }
0x22a: {  	[tilespmem:s17+$0x7420] =	vst.add.f32.msk $0xffff, v40  }
0x22b: {  	[tilespmem:s17+$0x7430] =	vst.add.f32.msk $0xffff, v41  }
0x22c: {  	[tilespmem:s17+$0x7440] =	vst.add.f32.msk $0xffff, v42  }
0x22d: {  	[tilespmem:s17+$0x7450] =	vst.add.f32.msk $0xffff, v43  }
0x22e: {  	[tilespmem:s17+$0x7460] =	vst.add.f32.msk $0xffff, v44  }
0x22f: {  	[tilespmem:s17+$0x7470] =	vst.add.f32.msk $0xffff, v45  }
0x230: {  	[tilespmem:s17+$0x7800] =	vst.add.f32.msk $0xffff, v46  }
0x231: {  	[tilespmem:s17+$0x7810] =	vst.add.f32.msk $0xffff, v47  }
0x232: {  	[tilespmem:s17+$0x7820] =	vst.add.f32.msk $0xffff, v48  }
0x233: {  	s24 =	simm.s32 $0x0;
	s23 =	simm.s32 $0x2;
	[tilespmem:s17+$0x7830] =	vst.add.f32.msk $0xffff, v49  }
.LBB2_7:
0x234: {  	p1 =	sne.s32 s23, $0xF;
	s24 =	smul.u32 $0x1800, s24;
	[tilespmem:s17+$0x7840] =	vst.add.f32.msk $0xffff, v5;
	s18 =	sadd.s32 $0x80, s18  }
0x235: {  	s25 =	sand.u32 $0x380, s18;
	[tilespmem:s17+$0x7850] =	vst.add.f32.msk $0xffff, v4  }
0x236: {  	[tilespmem:s17+$0x7860] =	vst.add.f32.msk $0xffff, v3;
	s17 =	sor.u32 s25, s24  }
0x237: {  	v3 =	vld [tilespmem:s17+$0x13870]  }
0x238: {  	v6 =	vld [tilespmem:s17+$0x12400]  }
0x239: {  	v7 =	vld [tilespmem:s17+$0x12410]  }
0x23a: {  	v8 =	vld [tilespmem:s17+$0x12420]  }
0x23b: {  	v9 =	vld [tilespmem:s17+$0x12430]  }
0x23c: {  	[tilespmem:s17+$0x7870] =	vst.add.f32.msk $0xffff, v3  }
0x23d: {  	v10 =	vld [tilespmem:s17+$0x12440]  }
0x23e: {  	v11 =	vld [tilespmem:s17+$0x12450]  }
0x23f: {  	v12 =	vld [tilespmem:s17+$0x12460]  }
0x240: {  	v13 =	vld [tilespmem:s17+$0x12470]  }
0x241: {  	v14 =	vld [tilespmem:s17+$0x12800]  }
0x242: {  	v15 =	vld [tilespmem:s17+$0x12810]  }
0x243: {  	v16 =	vld [tilespmem:s17+$0x12820]  }
0x244: {  	v17 =	vld [tilespmem:s17+$0x12830]  }
0x245: {  	v18 =	vld [tilespmem:s17+$0x12840]  }
0x246: {  	v19 =	vld [tilespmem:s17+$0x12850]  }
0x247: {  	v20 =	vld [tilespmem:s17+$0x12860]  }
0x248: {  	v21 =	vld [tilespmem:s17+$0x12870]  }
0x249: {  	v22 =	vld [tilespmem:s17+$0x12C00]  }
0x24a: {  	v23 =	vld [tilespmem:s17+$0x12C10]  }
0x24b: {  	v24 =	vld [tilespmem:s17+$0x12C20]  }
0x24c: {  	v25 =	vld [tilespmem:s17+$0x12C30]  }
0x24d: {  	v26 =	vld [tilespmem:s17+$0x12C40]  }
0x24e: {  	v27 =	vld [tilespmem:s17+$0x12C50]  }
0x24f: {  	v28 =	vld [tilespmem:s17+$0x12C60]  }
0x250: {  	v29 =	vld [tilespmem:s17+$0x12C70]  }
0x251: {  	v30 =	vld [tilespmem:s17+$0x13000]  }
0x252: {  	v31 =	vld [tilespmem:s17+$0x13010]  }
0x253: {  	v32 =	vld [tilespmem:s17+$0x13020]  }
0x254: {  	v33 =	vld [tilespmem:s17+$0x13030]  }
0x255: {  	v34 =	vld [tilespmem:s17+$0x13040]  }
0x256: {  	v35 =	vld [tilespmem:s17+$0x13050]  }
0x257: {  	v36 =	vld [tilespmem:s17+$0x13060]  }
0x258: {  	v37 =	vld [tilespmem:s17+$0x13070]  }
0x259: {  	v38 =	vld [tilespmem:s17+$0x13400]  }
0x25a: {  	v39 =	vld [tilespmem:s17+$0x13410]  }
0x25b: {  	v40 =	vld [tilespmem:s17+$0x13420]  }
0x25c: {  	v41 =	vld [tilespmem:s17+$0x13430]  }
0x25d: {  	v42 =	vld [tilespmem:s17+$0x13440]  }
0x25e: {  	v43 =	vld [tilespmem:s17+$0x13450]  }
0x25f: {  	v44 =	vld [tilespmem:s17+$0x13460]  }
0x260: {  	v45 =	vld [tilespmem:s17+$0x13470]  }
0x261: {  	v46 =	vld [tilespmem:s17+$0x13800]  }
0x262: {  	v47 =	vld [tilespmem:s17+$0x13810]  }
0x263: {  	v48 =	vld [tilespmem:s17+$0x13820]  }
0x264: {  	v49 =	vld [tilespmem:s17+$0x13830]  }
0x265: {  	v5 =	vld [tilespmem:s17+$0x13840]  }
0x266: {  	v4 =	vld [tilespmem:s17+$0x13850]  }
0x267: {  	v3 =	vld [tilespmem:s17+$0x13860]  }
0x268: {  	[tilespmem:s17+$0x6400] =	vst.add.f32.msk $0xffff, v6  }
0x269: {  	[tilespmem:s17+$0x6410] =	vst.add.f32.msk $0xffff, v7  }
0x26a: {  	[tilespmem:s17+$0x6420] =	vst.add.f32.msk $0xffff, v8  }
0x26b: {  	[tilespmem:s17+$0x6430] =	vst.add.f32.msk $0xffff, v9  }
0x26c: {  	[tilespmem:s17+$0x6440] =	vst.add.f32.msk $0xffff, v10  }
0x26d: {  	[tilespmem:s17+$0x6450] =	vst.add.f32.msk $0xffff, v11  }
0x26e: {  	[tilespmem:s17+$0x6460] =	vst.add.f32.msk $0xffff, v12  }
0x26f: {  	[tilespmem:s17+$0x6470] =	vst.add.f32.msk $0xffff, v13  }
0x270: {  	[tilespmem:s17+$0x6800] =	vst.add.f32.msk $0xffff, v14  }
0x271: {  	[tilespmem:s17+$0x6810] =	vst.add.f32.msk $0xffff, v15  }
0x272: {  	[tilespmem:s17+$0x6820] =	vst.add.f32.msk $0xffff, v16  }
0x273: {  	[tilespmem:s17+$0x6830] =	vst.add.f32.msk $0xffff, v17  }
0x274: {  	[tilespmem:s17+$0x6840] =	vst.add.f32.msk $0xffff, v18  }
0x275: {  	[tilespmem:s17+$0x6850] =	vst.add.f32.msk $0xffff, v19  }
0x276: {  	[tilespmem:s17+$0x6860] =	vst.add.f32.msk $0xffff, v20  }
0x277: {  	[tilespmem:s17+$0x6870] =	vst.add.f32.msk $0xffff, v21  }
0x278: {  	[tilespmem:s17+$0x6C00] =	vst.add.f32.msk $0xffff, v22  }
0x279: {  	[tilespmem:s17+$0x6C10] =	vst.add.f32.msk $0xffff, v23  }
0x27a: {  	[tilespmem:s17+$0x6C20] =	vst.add.f32.msk $0xffff, v24  }
0x27b: {  	[tilespmem:s17+$0x6C30] =	vst.add.f32.msk $0xffff, v25  }
0x27c: {  	[tilespmem:s17+$0x6C40] =	vst.add.f32.msk $0xffff, v26  }
0x27d: {  	[tilespmem:s17+$0x6C50] =	vst.add.f32.msk $0xffff, v27  }
0x27e: {  	[tilespmem:s17+$0x6C60] =	vst.add.f32.msk $0xffff, v28  }
0x27f: {  	[tilespmem:s17+$0x6C70] =	vst.add.f32.msk $0xffff, v29  }
0x280: {  	[tilespmem:s17+$0x7000] =	vst.add.f32.msk $0xffff, v30  }
0x281: {  	[tilespmem:s17+$0x7010] =	vst.add.f32.msk $0xffff, v31  }
0x282: {  	[tilespmem:s17+$0x7020] =	vst.add.f32.msk $0xffff, v32  }
0x283: {  	[tilespmem:s17+$0x7030] =	vst.add.f32.msk $0xffff, v33  }
0x284: {  	[tilespmem:s17+$0x7040] =	vst.add.f32.msk $0xffff, v34  }
0x285: {  	[tilespmem:s17+$0x7050] =	vst.add.f32.msk $0xffff, v35  }
0x286: {  	[tilespmem:s17+$0x7060] =	vst.add.f32.msk $0xffff, v36  }
0x287: {  	[tilespmem:s17+$0x7070] =	vst.add.f32.msk $0xffff, v37  }
0x288: {  	[tilespmem:s17+$0x7400] =	vst.add.f32.msk $0xffff, v38  }
0x289: {  	[tilespmem:s17+$0x7410] =	vst.add.f32.msk $0xffff, v39  }
0x28a: {  	[tilespmem:s17+$0x7420] =	vst.add.f32.msk $0xffff, v40  }
0x28b: {  	[tilespmem:s17+$0x7430] =	vst.add.f32.msk $0xffff, v41  }
0x28c: {  	[tilespmem:s17+$0x7440] =	vst.add.f32.msk $0xffff, v42  }
0x28d: {  	[tilespmem:s17+$0x7450] =	vst.add.f32.msk $0xffff, v43  }
0x28e: {  	[tilespmem:s17+$0x7460] =	vst.add.f32.msk $0xffff, v44  }
.Ltmp2:
0x28f: {  	[tilespmem:s17+$0x7470] =	vst.add.f32.msk $0xffff, v45;
	(pc) =	sbr.rel @p1 .LBB2_7-.Ltmp2, $4  }
0x290: {  	[tilespmem:s17+$0x7800] =	vst.add.f32.msk $0xffff, v46  }
0x291: {  	[tilespmem:s17+$0x7810] =	vst.add.f32.msk $0xffff, v47  }
0x292: {  	[tilespmem:s17+$0x7820] =	vst.add.f32.msk $0xffff, v48  }
0x293: {  	s24 =	sshrl.u32 s23, $0x3;
	s23 =	sadd.s32 $0x1, s23;
	[tilespmem:s17+$0x7830] =	vst.add.f32.msk $0xffff, v49  }
0x294: {  	s23 =	smul.u32 $0x1800, s24;
	[tilespmem:s17+$0x7840] =	vst.add.f32.msk $0xffff, v5;
	s18 =	sadd.s32 $0x80, s18  }
0x295: {  	[tilespmem:s17+$0x7850] =	vst.add.f32.msk $0xffff, v4;
	s18 =	sand.u32 $0x380, s18  }
0x296: {  	[tilespmem:s17+$0x7860] =	vst.add.f32.msk $0xffff, v3;
	s18 =	sor.u32 s18, s23  }
0x297: {  	v3 =	vld [tilespmem:s18+$0x13870]  }
0x298: {  	v4 =	vld [tilespmem:s18+$0x12400]  }
0x299: {  	v5 =	vld [tilespmem:s18+$0x12410]  }
0x29a: {  	v6 =	vld [tilespmem:s18+$0x12420]  }
0x29b: {  	v7 =	vld [tilespmem:s18+$0x12430]  }
0x29c: {  	v8 =	vld [tilespmem:s18+$0x12450]  }
0x29d: {  	v9 =	vld [tilespmem:s18+$0x12460]  }
0x29e: {  	v10 =	vld [tilespmem:s18+$0x12470]  }
0x29f: {  	v11 =	vld [tilespmem:s18+$0x12800]  }
0x2a0: {  	v12 =	vld [tilespmem:s18+$0x12810]  }
0x2a1: {  	v13 =	vld [tilespmem:s18+$0x12820]  }
0x2a2: {  	v14 =	vld [tilespmem:s18+$0x12830]  }
0x2a3: {  	v15 =	vld [tilespmem:s18+$0x12840]  }
0x2a4: {  	v16 =	vld [tilespmem:s18+$0x12850]  }
0x2a5: {  	v17 =	vld [tilespmem:s18+$0x12860]  }
0x2a6: {  	v18 =	vld [tilespmem:s18+$0x12870]  }
0x2a7: {  	v19 =	vld [tilespmem:s18+$0x12C00]  }
0x2a8: {  	v20 =	vld [tilespmem:s18+$0x12C10]  }
0x2a9: {  	v21 =	vld [tilespmem:s18+$0x12C20]  }
0x2aa: {  	v22 =	vld [tilespmem:s18+$0x12C30]  }
0x2ab: {  	v23 =	vld [tilespmem:s18+$0x12C40]  }
0x2ac: {  	v24 =	vld [tilespmem:s18+$0x12C50]  }
0x2ad: {  	v25 =	vld [tilespmem:s18+$0x12C60]  }
0x2ae: {  	v26 =	vld [tilespmem:s18+$0x12C70]  }
0x2af: {  	v27 =	vld [tilespmem:s18+$0x13000]  }
0x2b0: {  	v28 =	vld [tilespmem:s18+$0x13010]  }
0x2b1: {  	v29 =	vld [tilespmem:s18+$0x13020]  }
0x2b2: {  	v30 =	vld [tilespmem:s18+$0x13030]  }
0x2b3: {  	v31 =	vld [tilespmem:s18+$0x13040]  }
0x2b4: {  	v32 =	vld [tilespmem:s18+$0x13050]  }
0x2b5: {  	v33 =	vld [tilespmem:s18+$0x13060]  }
0x2b6: {  	v34 =	vld [tilespmem:s18+$0x13070]  }
0x2b7: {  	v35 =	vld [tilespmem:s18+$0x13400]  }
0x2b8: {  	v36 =	vld [tilespmem:s18+$0x13410]  }
0x2b9: {  	v37 =	vld [tilespmem:s18+$0x13420]  }
0x2ba: {  	v38 =	vld [tilespmem:s18+$0x13430]  }
0x2bb: {  	v39 =	vld [tilespmem:s18+$0x13440]  }
0x2bc: {  	v40 =	vld [tilespmem:s18+$0x13450]  }
0x2bd: {  	v41 =	vld [tilespmem:s18+$0x13460]  }
0x2be: {  	v42 =	vld [tilespmem:s18+$0x13470]  }
0x2bf: {  	v43 =	vld [tilespmem:s18+$0x13800]  }
0x2c0: {  	v44 =	vld [tilespmem:s18+$0x13810]  }
0x2c1: {  	v45 =	vld [tilespmem:s18+$0x13820]  }
0x2c2: {  	v46 =	vld [tilespmem:s18+$0x13830]  }
0x2c3: {  	v47 =	vld [tilespmem:s18+$0x13840]  }
0x2c4: {  	v48 =	vld [tilespmem:s18+$0x13850]  }
0x2c5: {  	v49 =	vld [tilespmem:s18+$0x13860]  }
0x2c6: {  	[tilespmem:s18+$0x7870] =	vst.add.f32.msk $0xffff, v3  }
0x2c7: {  	v3 =	vld [tilespmem:s18+$0x12440]  }
0x2c8: {  	[tilespmem:s18+$0x6400] =	vst.add.f32.msk $0xffff, v4  }
0x2c9: {  	[tilespmem:s18+$0x6410] =	vst.add.f32.msk $0xffff, v5  }
0x2ca: {  	[tilespmem:s18+$0x6420] =	vst.add.f32.msk $0xffff, v6  }
0x2cb: {  	[tilespmem:s18+$0x6430] =	vst.add.f32.msk $0xffff, v7  }
0x2cc: {  	[tilespmem:s18+$0x6450] =	vst.add.f32.msk $0xffff, v8  }
0x2cd: {  	[tilespmem:s18+$0x6460] =	vst.add.f32.msk $0xffff, v9  }
0x2ce: {  	[tilespmem:s18+$0x6470] =	vst.add.f32.msk $0xffff, v10  }
0x2cf: {  	[tilespmem:s18+$0x6800] =	vst.add.f32.msk $0xffff, v11  }
0x2d0: {  	[tilespmem:s18+$0x6810] =	vst.add.f32.msk $0xffff, v12  }
0x2d1: {  	[tilespmem:s18+$0x6820] =	vst.add.f32.msk $0xffff, v13  }
0x2d2: {  	[tilespmem:s18+$0x6830] =	vst.add.f32.msk $0xffff, v14  }
0x2d3: {  	[tilespmem:s18+$0x6840] =	vst.add.f32.msk $0xffff, v15  }
0x2d4: {  	[tilespmem:s18+$0x6850] =	vst.add.f32.msk $0xffff, v16  }
0x2d5: {  	[tilespmem:s18+$0x6860] =	vst.add.f32.msk $0xffff, v17  }
0x2d6: {  	[tilespmem:s18+$0x6870] =	vst.add.f32.msk $0xffff, v18  }
0x2d7: {  	[tilespmem:s18+$0x6C00] =	vst.add.f32.msk $0xffff, v19  }
0x2d8: {  	[tilespmem:s18+$0x6C10] =	vst.add.f32.msk $0xffff, v20  }
0x2d9: {  	[tilespmem:s18+$0x6C20] =	vst.add.f32.msk $0xffff, v21  }
0x2da: {  	[tilespmem:s18+$0x6C30] =	vst.add.f32.msk $0xffff, v22  }
0x2db: {  	[tilespmem:s18+$0x6C40] =	vst.add.f32.msk $0xffff, v23  }
0x2dc: {  	[tilespmem:s18+$0x6C50] =	vst.add.f32.msk $0xffff, v24  }
0x2dd: {  	[tilespmem:s18+$0x6C60] =	vst.add.f32.msk $0xffff, v25  }
0x2de: {  	[tilespmem:s18+$0x6C70] =	vst.add.f32.msk $0xffff, v26  }
0x2df: {  	[tilespmem:s18+$0x7000] =	vst.add.f32.msk $0xffff, v27  }
0x2e0: {  	[tilespmem:s18+$0x7010] =	vst.add.f32.msk $0xffff, v28  }
0x2e1: {  	[tilespmem:s18+$0x7020] =	vst.add.f32.msk $0xffff, v29  }
0x2e2: {  	[tilespmem:s18+$0x7030] =	vst.add.f32.msk $0xffff, v30  }
0x2e3: {  	[tilespmem:s18+$0x7040] =	vst.add.f32.msk $0xffff, v31  }
0x2e4: {  	[tilespmem:s18+$0x7050] =	vst.add.f32.msk $0xffff, v32  }
0x2e5: {  	[tilespmem:s18+$0x7060] =	vst.add.f32.msk $0xffff, v33  }
0x2e6: {  	[tilespmem:s18+$0x7070] =	vst.add.f32.msk $0xffff, v34  }
0x2e7: {  	[tilespmem:s18+$0x7400] =	vst.add.f32.msk $0xffff, v35  }
0x2e8: {  	[tilespmem:s18+$0x7410] =	vst.add.f32.msk $0xffff, v36  }
0x2e9: {  	[tilespmem:s18+$0x7420] =	vst.add.f32.msk $0xffff, v37  }
0x2ea: {  	[tilespmem:s18+$0x7430] =	vst.add.f32.msk $0xffff, v38  }
0x2eb: {  	[tilespmem:s18+$0x7440] =	vst.add.f32.msk $0xffff, v39  }
0x2ec: {  	[tilespmem:s18+$0x7450] =	vst.add.f32.msk $0xffff, v40  }
0x2ed: {  	[tilespmem:s18+$0x7460] =	vst.add.f32.msk $0xffff, v41  }
0x2ee: {  	[tilespmem:s18+$0x7470] =	vst.add.f32.msk $0xffff, v42  }
0x2ef: {  	[tilespmem:s18+$0x7800] =	vst.add.f32.msk $0xffff, v43  }
0x2f0: {  	[tilespmem:s18+$0x7810] =	vst.add.f32.msk $0xffff, v44  }
0x2f1: {  	[tilespmem:s18+$0x7820] =	vst.add.f32.msk $0xffff, v45  }
0x2f2: {  	[tilespmem:s18+$0x7830] =	vst.add.f32.msk $0xffff, v46  }
0x2f3: {  	[tilespmem:s18+$0x7840] =	vst.add.f32.msk $0xffff, v47  }
0x2f4: {  	[tilespmem:s18+$0x7850] =	vst.add.f32.msk $0xffff, v48  }
0x2f5: {  	[tilespmem:s18+$0x7860] =	vst.add.f32.msk $0xffff, v49  }
0x2f6: {  	s16 =	sadd.s32 s4, s16;
	[tilespmem:s18+$0x6440] =	vst.add.f32.msk $0xffff, v3  }
0x2f7: {  	[hbm4b:s16+s6] =	stream.linear.scatter [tilespmem:s31], [sflag:$0xB], $0x3000, $0x38;
	[tilespmem:$0x18400] =	vst v63  }
0x2f8: {  	_ =	swait.ge [sflag:s8], $0x3000  }
0x2f9: {  	[sflag:s8] =	ssyncset.done $0x0  }
0x2fa: {  	[sflag:s8] =	ssyncadd.s32 $0xFFFFD000  }
0x2fb: {  	s16 =	sadd.s32 @!p0 $0x50, s15;
	_ =	swait.ge [sflag:s13], $0x3000  }
0x2fc: {  	s16 =	sadd.s32 @!p0 s5, s16;
	[sflag:s13] =	ssyncset.done $0x0  }
0x2fd: {  	s17 =	simm.s32 @!p0 $0xA;
	s16 =	sshrl.u32 @!p0 s16, $0x3;
	[sflag:s13] =	ssyncadd.s32 $0xFFFFD000  }
0x2fe: {  	s16 =	smul.u32 @!p0 $0x300, s16;
	_ =	swait.ge @!p0 [sflag:s17], $0x3000  }
0x2ff: {  	s18 =	simm.s32 @!p0 $0x3400;
	[sflag:s17] =	ssyncset.done @!p0 $0x0  }
0x300: {  	s16 =	sadd.s32 @!p0 s1, s16;
	[sflag:s17] =	ssyncadd.s32 @!p0 $0xFFFFD000;
	s17 =	simm.s32 @!p0 $0x0  }
0x301: {  	[tilespmem:s18], [sflag:$0x2] =	stream.linear.gather @!p0 [hbm4b:s16+s17], $0x3000, $0x38;
	[tilespmem:$0x18400] =	vst v63  }
0x302: {  	v3 =	vld @!p0 [tilespmem:s15+$0x50];
	_ =	sdelay $0x4  }
0x303: {  	v4 =	vshrl.u32 @!p0 v3, $0x3  }
0x304: {  	v4 =	vmul.u32 @!p0 $0x30, v4  }
0x305: {  	v5 =	vlaneseq.u32 @!p0;
	v3 =	vand.u32 @!p0 $0x7, v3  }
0x306: {  	v6 =	vshrl.u32 @!p0 v5, $0x3;
	v3 =	vor.u32 @!p0 v3, v4;
	v4 =	vand.u32 @!p0 $0x7, v5  }
0x307: {  	v6 =	vmul.u32 @!p0 $0x8, v6;
	v4 =	vperm.xlane @!p0 v3, v4;
	_ =	sdelay $0x1  }
0x308: {  	v4 =	vadd.s32 @!p0 v6, v4;
	_ =	sdelay $0x2  }
0x309: {  	v5 =	vor.u32 @!p0 $0x8, v5  }
0x30a: {  	s15 =	simm.s32 @!p0 $0xF400;
	v3 =	vperm.xlane @!p0 v3, v5  }
0x30b: {  	[tilespmem:s15], [sflag:$0x6] =	stream.indirect_vreg.gather @!p0 [hbm4b:s3+s17], $0x80, v4, vm1, $0xb8;
	[tilespmem:$0x18400] =	vst v63  }
0x30c: {  	v3 =	vadd.s32 @!p0 v6, v3;
	s15 =	simm.s32 @!p0 $0xFC00  }
0x30d: {  	[tilespmem:s15], [sflag:$0x6] =	stream.indirect_vreg.gather @!p0 [hbm4b:s9+s17], $0x80, v4, vm1, $0xb8;
	[tilespmem:$0x18400] =	vst v63  }
0x30e: {  	s15 =	simm.s32 @!p0 $0x10400  }
0x30f: {  	[tilespmem:s15], [sflag:$0x6] =	stream.indirect_vreg.gather @!p0 [hbm4b:s10+s17], $0x80, v4, vm1, $0xb8;
	[tilespmem:$0x18400] =	vst v63  }
0x310: {  	s15 =	simm.s32 @!p0 $0x10C00  }
0x311: {  	[tilespmem:s15], [sflag:$0x6] =	stream.indirect_vreg.gather @!p0 [hbm4b:s3+s17], $0x80, v3, vm1, $0xb8;
	[tilespmem:$0x18400] =	vst v63  }
0x312: {  	s15 =	simm.s32 @!p0 $0x11400  }
0x313: {  	[tilespmem:s15], [sflag:$0x6] =	stream.indirect_vreg.gather @!p0 [hbm4b:s9+s17], $0x80, v3, vm1, $0xb8;
	[tilespmem:$0x18400] =	vst v63  }
0x314: {  	s25 =	simm.s32 $0x0;
	s15 =	simm.s32 @!p0 $0x11C00  }
0x315: {  	[tilespmem:s15], [sflag:$0x6] =	stream.indirect_vreg.gather @!p0 [hbm4b:s10+s17], $0x80, v3, vm1, $0xb8;
	[tilespmem:$0x18400] =	vst v63  }
0x316: {  	s16 =	simm.s32 $0x0;
	s15 =	smul.u32 $0x1800, s25  }
0x317: {  	s26 =	sand.u32 $0x380, s16  }
0x318: {  	s15 =	sor.u32 s26, s15  }
0x319: {  	v3 =	vld [tilespmem:s15+$0x16870]  }
0x31a: {  	v6 =	vld [tilespmem:s15+$0x15400]  }
0x31b: {  	v7 =	vld [tilespmem:s15+$0x15410]  }
0x31c: {  	v8 =	vld [tilespmem:s15+$0x15420]  }
0x31d: {  	v9 =	vld [tilespmem:s15+$0x15430]  }
0x31e: {  	v10 =	vld [tilespmem:s15+$0x15440]  }
0x31f: {  	v11 =	vld [tilespmem:s15+$0x15450]  }
0x320: {  	v12 =	vld [tilespmem:s15+$0x15460]  }
0x321: {  	v13 =	vld [tilespmem:s15+$0x15470]  }
0x322: {  	v14 =	vld [tilespmem:s15+$0x15800]  }
0x323: {  	v15 =	vld [tilespmem:s15+$0x15810]  }
0x324: {  	v16 =	vld [tilespmem:s15+$0x15820]  }
0x325: {  	v17 =	vld [tilespmem:s15+$0x15830]  }
0x326: {  	v18 =	vld [tilespmem:s15+$0x15840]  }
0x327: {  	v19 =	vld [tilespmem:s15+$0x15850]  }
0x328: {  	v20 =	vld [tilespmem:s15+$0x15860]  }
0x329: {  	v21 =	vld [tilespmem:s15+$0x15870]  }
0x32a: {  	v22 =	vld [tilespmem:s15+$0x15C00]  }
0x32b: {  	v23 =	vld [tilespmem:s15+$0x15C10]  }
0x32c: {  	v24 =	vld [tilespmem:s15+$0x15C20]  }
0x32d: {  	v25 =	vld [tilespmem:s15+$0x15C30]  }
0x32e: {  	v26 =	vld [tilespmem:s15+$0x15C40]  }
0x32f: {  	v27 =	vld [tilespmem:s15+$0x15C50]  }
0x330: {  	v28 =	vld [tilespmem:s15+$0x15C60]  }
0x331: {  	v29 =	vld [tilespmem:s15+$0x15C70]  }
0x332: {  	v30 =	vld [tilespmem:s15+$0x16000]  }
0x333: {  	v31 =	vld [tilespmem:s15+$0x16010]  }
0x334: {  	v32 =	vld [tilespmem:s15+$0x16020]  }
0x335: {  	v33 =	vld [tilespmem:s15+$0x16030]  }
0x336: {  	v34 =	vld [tilespmem:s15+$0x16040]  }
0x337: {  	v35 =	vld [tilespmem:s15+$0x16050]  }
0x338: {  	v36 =	vld [tilespmem:s15+$0x16060]  }
0x339: {  	v37 =	vld [tilespmem:s15+$0x16070]  }
0x33a: {  	v52 =	vld [tilespmem:s15+$0x16400]  }
0x33b: {  	v53 =	vld [tilespmem:s15+$0x16410]  }
0x33c: {  	v54 =	vld [tilespmem:s15+$0x16420]  }
0x33d: {  	v55 =	vld [tilespmem:s15+$0x16430]  }
0x33e: {  	v56 =	vld [tilespmem:s15+$0x16440]  }
0x33f: {  	v57 =	vld [tilespmem:s15+$0x16450]  }
0x340: {  	v58 =	vld [tilespmem:s15+$0x16460]  }
0x341: {  	v59 =	vld [tilespmem:s15+$0x16470]  }
0x342: {  	v60 =	vld [tilespmem:s15+$0x16800]  }
0x343: {  	v61 =	vld [tilespmem:s15+$0x16810]  }
0x344: {  	v62 =	vld [tilespmem:s15+$0x16820]  }
0x345: {  	v63 =	vld [tilespmem:s15+$0x16830]  }
0x346: {  	v5 =	vld [tilespmem:s15+$0x16840]  }
0x347: {  	v4 =	vld [tilespmem:s15+$0x16850]  }
0x348: {  	[tilespmem:s15+$0xA870] =	vst.add.f32.msk $0xffff, v3  }
0x349: {  	v3 =	vld [tilespmem:s15+$0x16860]  }
0x34a: {  	[tilespmem:s15+$0x9400] =	vst.add.f32.msk $0xffff, v6  }
0x34b: {  	[tilespmem:s15+$0x9410] =	vst.add.f32.msk $0xffff, v7  }
0x34c: {  	[tilespmem:s15+$0x9420] =	vst.add.f32.msk $0xffff, v8  }
0x34d: {  	[tilespmem:s15+$0x9430] =	vst.add.f32.msk $0xffff, v9  }
0x34e: {  	[tilespmem:s15+$0x9440] =	vst.add.f32.msk $0xffff, v10  }
0x34f: {  	[tilespmem:s15+$0x9450] =	vst.add.f32.msk $0xffff, v11  }
0x350: {  	[tilespmem:s15+$0x9460] =	vst.add.f32.msk $0xffff, v12  }
0x351: {  	[tilespmem:s15+$0x9470] =	vst.add.f32.msk $0xffff, v13  }
0x352: {  	[tilespmem:s15+$0x9800] =	vst.add.f32.msk $0xffff, v14  }
0x353: {  	[tilespmem:s15+$0x9810] =	vst.add.f32.msk $0xffff, v15  }
0x354: {  	[tilespmem:s15+$0x9820] =	vst.add.f32.msk $0xffff, v16  }
0x355: {  	[tilespmem:s15+$0x9830] =	vst.add.f32.msk $0xffff, v17  }
0x356: {  	[tilespmem:s15+$0x9840] =	vst.add.f32.msk $0xffff, v18  }
0x357: {  	[tilespmem:s15+$0x9850] =	vst.add.f32.msk $0xffff, v19  }
0x358: {  	[tilespmem:s15+$0x9860] =	vst.add.f32.msk $0xffff, v20  }
0x359: {  	[tilespmem:s15+$0x9870] =	vst.add.f32.msk $0xffff, v21  }
0x35a: {  	[tilespmem:s15+$0x9C00] =	vst.add.f32.msk $0xffff, v22  }
0x35b: {  	[tilespmem:s15+$0x9C10] =	vst.add.f32.msk $0xffff, v23  }
0x35c: {  	[tilespmem:s15+$0x9C20] =	vst.add.f32.msk $0xffff, v24  }
0x35d: {  	[tilespmem:s15+$0x9C30] =	vst.add.f32.msk $0xffff, v25  }
0x35e: {  	[tilespmem:s15+$0x9C40] =	vst.add.f32.msk $0xffff, v26  }
0x35f: {  	[tilespmem:s15+$0x9C50] =	vst.add.f32.msk $0xffff, v27  }
0x360: {  	[tilespmem:s15+$0x9C60] =	vst.add.f32.msk $0xffff, v28  }
0x361: {  	[tilespmem:s15+$0x9C70] =	vst.add.f32.msk $0xffff, v29  }
0x362: {  	[tilespmem:s15+$0xA000] =	vst.add.f32.msk $0xffff, v30  }
0x363: {  	[tilespmem:s15+$0xA010] =	vst.add.f32.msk $0xffff, v31  }
0x364: {  	[tilespmem:s15+$0xA020] =	vst.add.f32.msk $0xffff, v32  }
0x365: {  	[tilespmem:s15+$0xA030] =	vst.add.f32.msk $0xffff, v33  }
0x366: {  	[tilespmem:s15+$0xA040] =	vst.add.f32.msk $0xffff, v34  }
0x367: {  	[tilespmem:s15+$0xA050] =	vst.add.f32.msk $0xffff, v35  }
0x368: {  	[tilespmem:s15+$0xA060] =	vst.add.f32.msk $0xffff, v36  }
0x369: {  	[tilespmem:s15+$0xA070] =	vst.add.f32.msk $0xffff, v37  }
0x36a: {  	[tilespmem:s15+$0xA400] =	vst.add.f32.msk $0xffff, v52  }
0x36b: {  	[tilespmem:s15+$0xA410] =	vst.add.f32.msk $0xffff, v53  }
0x36c: {  	[tilespmem:s15+$0xA420] =	vst.add.f32.msk $0xffff, v54  }
0x36d: {  	[tilespmem:s15+$0xA430] =	vst.add.f32.msk $0xffff, v55  }
0x36e: {  	[tilespmem:s15+$0xA440] =	vst.add.f32.msk $0xffff, v56  }
0x36f: {  	[tilespmem:s15+$0xA450] =	vst.add.f32.msk $0xffff, v57  }
0x370: {  	[tilespmem:s15+$0xA460] =	vst.add.f32.msk $0xffff, v58  }
0x371: {  	[tilespmem:s15+$0xA470] =	vst.add.f32.msk $0xffff, v59  }
0x372: {  	[tilespmem:s15+$0xA800] =	vst.add.f32.msk $0xffff, v60  }
0x373: {  	[tilespmem:s15+$0xA810] =	vst.add.f32.msk $0xffff, v61  }
0x374: {  	[tilespmem:s15+$0xA820] =	vst.add.f32.msk $0xffff, v62  }
0x375: {  	s18 =	simm.s32 $0x0;
	s17 =	simm.s32 $0x2;
	[tilespmem:s15+$0xA830] =	vst.add.f32.msk $0xffff, v63  }
.LBB2_9:
0x376: {  	p0 =	sne.s32 s17, $0xF;
	s18 =	smul.u32 $0x1800, s18;
	[tilespmem:s15+$0xA840] =	vst.add.f32.msk $0xffff, v5;
	s16 =	sadd.s32 $0x80, s16  }
0x377: {  	s23 =	sand.u32 $0x380, s16;
	[tilespmem:s15+$0xA850] =	vst.add.f32.msk $0xffff, v4  }
0x378: {  	[tilespmem:s15+$0xA860] =	vst.add.f32.msk $0xffff, v3;
	s15 =	sor.u32 s23, s18  }
0x379: {  	v3 =	vld [tilespmem:s15+$0x16870]  }
0x37a: {  	v6 =	vld [tilespmem:s15+$0x15400]  }
0x37b: {  	v7 =	vld [tilespmem:s15+$0x15410]  }
0x37c: {  	v8 =	vld [tilespmem:s15+$0x15420]  }
0x37d: {  	v9 =	vld [tilespmem:s15+$0x15430]  }
0x37e: {  	[tilespmem:s15+$0xA870] =	vst.add.f32.msk $0xffff, v3  }
0x37f: {  	v10 =	vld [tilespmem:s15+$0x15440]  }
0x380: {  	v11 =	vld [tilespmem:s15+$0x15450]  }
0x381: {  	v12 =	vld [tilespmem:s15+$0x15460]  }
0x382: {  	v13 =	vld [tilespmem:s15+$0x15470]  }
0x383: {  	v14 =	vld [tilespmem:s15+$0x15800]  }
0x384: {  	v15 =	vld [tilespmem:s15+$0x15810]  }
0x385: {  	v16 =	vld [tilespmem:s15+$0x15820]  }
0x386: {  	v17 =	vld [tilespmem:s15+$0x15830]  }
0x387: {  	v18 =	vld [tilespmem:s15+$0x15840]  }
0x388: {  	v19 =	vld [tilespmem:s15+$0x15850]  }
0x389: {  	v20 =	vld [tilespmem:s15+$0x15860]  }
0x38a: {  	v21 =	vld [tilespmem:s15+$0x15870]  }
0x38b: {  	v22 =	vld [tilespmem:s15+$0x15C00]  }
0x38c: {  	v23 =	vld [tilespmem:s15+$0x15C10]  }
0x38d: {  	v24 =	vld [tilespmem:s15+$0x15C20]  }
0x38e: {  	v25 =	vld [tilespmem:s15+$0x15C30]  }
0x38f: {  	v26 =	vld [tilespmem:s15+$0x15C40]  }
0x390: {  	v27 =	vld [tilespmem:s15+$0x15C50]  }
0x391: {  	v28 =	vld [tilespmem:s15+$0x15C60]  }
0x392: {  	v29 =	vld [tilespmem:s15+$0x15C70]  }
0x393: {  	v30 =	vld [tilespmem:s15+$0x16000]  }
0x394: {  	v31 =	vld [tilespmem:s15+$0x16010]  }
0x395: {  	v32 =	vld [tilespmem:s15+$0x16020]  }
0x396: {  	v33 =	vld [tilespmem:s15+$0x16030]  }
0x397: {  	v34 =	vld [tilespmem:s15+$0x16040]  }
0x398: {  	v35 =	vld [tilespmem:s15+$0x16050]  }
0x399: {  	v36 =	vld [tilespmem:s15+$0x16060]  }
0x39a: {  	v37 =	vld [tilespmem:s15+$0x16070]  }
0x39b: {  	v38 =	vld [tilespmem:s15+$0x16400]  }
0x39c: {  	v39 =	vld [tilespmem:s15+$0x16410]  }
0x39d: {  	v40 =	vld [tilespmem:s15+$0x16420]  }
0x39e: {  	v41 =	vld [tilespmem:s15+$0x16430]  }
0x39f: {  	v42 =	vld [tilespmem:s15+$0x16440]  }
0x3a0: {  	v43 =	vld [tilespmem:s15+$0x16450]  }
0x3a1: {  	v44 =	vld [tilespmem:s15+$0x16460]  }
0x3a2: {  	v45 =	vld [tilespmem:s15+$0x16470]  }
0x3a3: {  	v46 =	vld [tilespmem:s15+$0x16800]  }
0x3a4: {  	v47 =	vld [tilespmem:s15+$0x16810]  }
0x3a5: {  	v48 =	vld [tilespmem:s15+$0x16820]  }
0x3a6: {  	v49 =	vld [tilespmem:s15+$0x16830]  }
0x3a7: {  	v5 =	vld [tilespmem:s15+$0x16840]  }
0x3a8: {  	v4 =	vld [tilespmem:s15+$0x16850]  }
0x3a9: {  	v3 =	vld [tilespmem:s15+$0x16860]  }
0x3aa: {  	[tilespmem:s15+$0x9400] =	vst.add.f32.msk $0xffff, v6  }
0x3ab: {  	[tilespmem:s15+$0x9410] =	vst.add.f32.msk $0xffff, v7  }
0x3ac: {  	[tilespmem:s15+$0x9420] =	vst.add.f32.msk $0xffff, v8  }
0x3ad: {  	[tilespmem:s15+$0x9430] =	vst.add.f32.msk $0xffff, v9  }
0x3ae: {  	[tilespmem:s15+$0x9440] =	vst.add.f32.msk $0xffff, v10  }
0x3af: {  	[tilespmem:s15+$0x9450] =	vst.add.f32.msk $0xffff, v11  }
0x3b0: {  	[tilespmem:s15+$0x9460] =	vst.add.f32.msk $0xffff, v12  }
0x3b1: {  	[tilespmem:s15+$0x9470] =	vst.add.f32.msk $0xffff, v13  }
0x3b2: {  	[tilespmem:s15+$0x9800] =	vst.add.f32.msk $0xffff, v14  }
0x3b3: {  	[tilespmem:s15+$0x9810] =	vst.add.f32.msk $0xffff, v15  }
0x3b4: {  	[tilespmem:s15+$0x9820] =	vst.add.f32.msk $0xffff, v16  }
0x3b5: {  	[tilespmem:s15+$0x9830] =	vst.add.f32.msk $0xffff, v17  }
0x3b6: {  	[tilespmem:s15+$0x9840] =	vst.add.f32.msk $0xffff, v18  }
0x3b7: {  	[tilespmem:s15+$0x9850] =	vst.add.f32.msk $0xffff, v19  }
0x3b8: {  	[tilespmem:s15+$0x9860] =	vst.add.f32.msk $0xffff, v20  }
0x3b9: {  	[tilespmem:s15+$0x9870] =	vst.add.f32.msk $0xffff, v21  }
0x3ba: {  	[tilespmem:s15+$0x9C00] =	vst.add.f32.msk $0xffff, v22  }
0x3bb: {  	[tilespmem:s15+$0x9C10] =	vst.add.f32.msk $0xffff, v23  }
0x3bc: {  	[tilespmem:s15+$0x9C20] =	vst.add.f32.msk $0xffff, v24  }
0x3bd: {  	[tilespmem:s15+$0x9C30] =	vst.add.f32.msk $0xffff, v25  }
0x3be: {  	[tilespmem:s15+$0x9C40] =	vst.add.f32.msk $0xffff, v26  }
0x3bf: {  	[tilespmem:s15+$0x9C50] =	vst.add.f32.msk $0xffff, v27  }
0x3c0: {  	[tilespmem:s15+$0x9C60] =	vst.add.f32.msk $0xffff, v28  }
0x3c1: {  	[tilespmem:s15+$0x9C70] =	vst.add.f32.msk $0xffff, v29  }
0x3c2: {  	[tilespmem:s15+$0xA000] =	vst.add.f32.msk $0xffff, v30  }
0x3c3: {  	[tilespmem:s15+$0xA010] =	vst.add.f32.msk $0xffff, v31  }
0x3c4: {  	[tilespmem:s15+$0xA020] =	vst.add.f32.msk $0xffff, v32  }
0x3c5: {  	[tilespmem:s15+$0xA030] =	vst.add.f32.msk $0xffff, v33  }
0x3c6: {  	[tilespmem:s15+$0xA040] =	vst.add.f32.msk $0xffff, v34  }
0x3c7: {  	[tilespmem:s15+$0xA050] =	vst.add.f32.msk $0xffff, v35  }
0x3c8: {  	[tilespmem:s15+$0xA060] =	vst.add.f32.msk $0xffff, v36  }
0x3c9: {  	[tilespmem:s15+$0xA070] =	vst.add.f32.msk $0xffff, v37  }
0x3ca: {  	[tilespmem:s15+$0xA400] =	vst.add.f32.msk $0xffff, v38  }
0x3cb: {  	[tilespmem:s15+$0xA410] =	vst.add.f32.msk $0xffff, v39  }
0x3cc: {  	[tilespmem:s15+$0xA420] =	vst.add.f32.msk $0xffff, v40  }
0x3cd: {  	[tilespmem:s15+$0xA430] =	vst.add.f32.msk $0xffff, v41  }
0x3ce: {  	[tilespmem:s15+$0xA440] =	vst.add.f32.msk $0xffff, v42  }
0x3cf: {  	[tilespmem:s15+$0xA450] =	vst.add.f32.msk $0xffff, v43  }
0x3d0: {  	[tilespmem:s15+$0xA460] =	vst.add.f32.msk $0xffff, v44  }
.Ltmp3:
0x3d1: {  	[tilespmem:s15+$0xA470] =	vst.add.f32.msk $0xffff, v45;
	(pc) =	sbr.rel @p0 .LBB2_9-.Ltmp3, $4  }
0x3d2: {  	[tilespmem:s15+$0xA800] =	vst.add.f32.msk $0xffff, v46  }
0x3d3: {  	[tilespmem:s15+$0xA810] =	vst.add.f32.msk $0xffff, v47  }
0x3d4: {  	[tilespmem:s15+$0xA820] =	vst.add.f32.msk $0xffff, v48  }
0x3d5: {  	s18 =	sshrl.u32 s17, $0x3;
	s17 =	sadd.s32 $0x1, s17;
	[tilespmem:s15+$0xA830] =	vst.add.f32.msk $0xffff, v49  }
0x3d6: {  	s17 =	smul.u32 $0x1800, s18;
	[tilespmem:s15+$0xA840] =	vst.add.f32.msk $0xffff, v5;
	s16 =	sadd.s32 $0x80, s16  }
0x3d7: {  	[tilespmem:s15+$0xA850] =	vst.add.f32.msk $0xffff, v4;
	s16 =	sand.u32 $0x380, s16  }
0x3d8: {  	[tilespmem:s15+$0xA860] =	vst.add.f32.msk $0xffff, v3;
	s16 =	sor.u32 s16, s17  }
0x3d9: {  	v3 =	vld [tilespmem:s16+$0x16870]  }
0x3da: {  	v4 =	vld [tilespmem:s16+$0x15400]  }
0x3db: {  	v5 =	vld [tilespmem:s16+$0x15410]  }
0x3dc: {  	v6 =	vld [tilespmem:s16+$0x15420]  }
0x3dd: {  	v7 =	vld [tilespmem:s16+$0x15430]  }
0x3de: {  	v8 =	vld [tilespmem:s16+$0x15450]  }
0x3df: {  	v9 =	vld [tilespmem:s16+$0x15460]  }
0x3e0: {  	v10 =	vld [tilespmem:s16+$0x15470]  }
0x3e1: {  	v11 =	vld [tilespmem:s16+$0x15800]  }
0x3e2: {  	v12 =	vld [tilespmem:s16+$0x15810]  }
0x3e3: {  	v13 =	vld [tilespmem:s16+$0x15820]  }
0x3e4: {  	v14 =	vld [tilespmem:s16+$0x15830]  }
0x3e5: {  	v15 =	vld [tilespmem:s16+$0x15840]  }
0x3e6: {  	v16 =	vld [tilespmem:s16+$0x15850]  }
0x3e7: {  	v17 =	vld [tilespmem:s16+$0x15860]  }
0x3e8: {  	v18 =	vld [tilespmem:s16+$0x15870]  }
0x3e9: {  	v19 =	vld [tilespmem:s16+$0x15C00]  }
0x3ea: {  	v20 =	vld [tilespmem:s16+$0x15C10]  }
0x3eb: {  	v21 =	vld [tilespmem:s16+$0x15C20]  }
0x3ec: {  	v22 =	vld [tilespmem:s16+$0x15C30]  }
0x3ed: {  	v23 =	vld [tilespmem:s16+$0x15C40]  }
0x3ee: {  	v24 =	vld [tilespmem:s16+$0x15C50]  }
0x3ef: {  	v25 =	vld [tilespmem:s16+$0x15C60]  }
0x3f0: {  	v26 =	vld [tilespmem:s16+$0x15C70]  }
0x3f1: {  	v27 =	vld [tilespmem:s16+$0x16000]  }
0x3f2: {  	v28 =	vld [tilespmem:s16+$0x16010]  }
0x3f3: {  	v29 =	vld [tilespmem:s16+$0x16020]  }
0x3f4: {  	v30 =	vld [tilespmem:s16+$0x16030]  }
0x3f5: {  	v31 =	vld [tilespmem:s16+$0x16040]  }
0x3f6: {  	v32 =	vld [tilespmem:s16+$0x16050]  }
0x3f7: {  	v33 =	vld [tilespmem:s16+$0x16060]  }
0x3f8: {  	v34 =	vld [tilespmem:s16+$0x16070]  }
0x3f9: {  	v35 =	vld [tilespmem:s16+$0x16400]  }
0x3fa: {  	v36 =	vld [tilespmem:s16+$0x16410]  }
0x3fb: {  	v37 =	vld [tilespmem:s16+$0x16420]  }
0x3fc: {  	v38 =	vld [tilespmem:s16+$0x16430]  }
0x3fd: {  	v39 =	vld [tilespmem:s16+$0x16440]  }
0x3fe: {  	v40 =	vld [tilespmem:s16+$0x16450]  }
0x3ff: {  	v41 =	vld [tilespmem:s16+$0x16460]  }
0x400: {  	v42 =	vld [tilespmem:s16+$0x16470]  }
0x401: {  	v43 =	vld [tilespmem:s16+$0x16800]  }
0x402: {  	v44 =	vld [tilespmem:s16+$0x16810]  }
0x403: {  	v45 =	vld [tilespmem:s16+$0x16820]  }
0x404: {  	v46 =	vld [tilespmem:s16+$0x16830]  }
0x405: {  	v47 =	vld [tilespmem:s16+$0x16840]  }
0x406: {  	v48 =	vld [tilespmem:s16+$0x16850]  }
0x407: {  	v49 =	vld [tilespmem:s16+$0x16860]  }
0x408: {  	[tilespmem:s16+$0xA870] =	vst.add.f32.msk $0xffff, v3  }
0x409: {  	v3 =	vld [tilespmem:s16+$0x15440]  }
0x40a: {  	[tilespmem:s16+$0x9400] =	vst.add.f32.msk $0xffff, v4  }
0x40b: {  	[tilespmem:s16+$0x9410] =	vst.add.f32.msk $0xffff, v5  }
0x40c: {  	[tilespmem:s16+$0x9420] =	vst.add.f32.msk $0xffff, v6  }
0x40d: {  	[tilespmem:s16+$0x9430] =	vst.add.f32.msk $0xffff, v7  }
0x40e: {  	[tilespmem:s16+$0x9450] =	vst.add.f32.msk $0xffff, v8  }
0x40f: {  	[tilespmem:s16+$0x9460] =	vst.add.f32.msk $0xffff, v9  }
0x410: {  	[tilespmem:s16+$0x9470] =	vst.add.f32.msk $0xffff, v10  }
0x411: {  	[tilespmem:s16+$0x9800] =	vst.add.f32.msk $0xffff, v11  }
0x412: {  	[tilespmem:s16+$0x9810] =	vst.add.f32.msk $0xffff, v12  }
0x413: {  	[tilespmem:s16+$0x9820] =	vst.add.f32.msk $0xffff, v13  }
0x414: {  	[tilespmem:s16+$0x9830] =	vst.add.f32.msk $0xffff, v14  }
0x415: {  	[tilespmem:s16+$0x9840] =	vst.add.f32.msk $0xffff, v15  }
0x416: {  	[tilespmem:s16+$0x9850] =	vst.add.f32.msk $0xffff, v16  }
0x417: {  	[tilespmem:s16+$0x9860] =	vst.add.f32.msk $0xffff, v17  }
0x418: {  	[tilespmem:s16+$0x9870] =	vst.add.f32.msk $0xffff, v18  }
0x419: {  	[tilespmem:s16+$0x9C00] =	vst.add.f32.msk $0xffff, v19  }
0x41a: {  	[tilespmem:s16+$0x9C10] =	vst.add.f32.msk $0xffff, v20  }
0x41b: {  	[tilespmem:s16+$0x9C20] =	vst.add.f32.msk $0xffff, v21  }
0x41c: {  	[tilespmem:s16+$0x9C30] =	vst.add.f32.msk $0xffff, v22  }
0x41d: {  	[tilespmem:s16+$0x9C40] =	vst.add.f32.msk $0xffff, v23  }
0x41e: {  	[tilespmem:s16+$0x9C50] =	vst.add.f32.msk $0xffff, v24  }
0x41f: {  	[tilespmem:s16+$0x9C60] =	vst.add.f32.msk $0xffff, v25  }
0x420: {  	[tilespmem:s16+$0x9C70] =	vst.add.f32.msk $0xffff, v26  }
0x421: {  	[tilespmem:s16+$0xA000] =	vst.add.f32.msk $0xffff, v27  }
0x422: {  	[tilespmem:s16+$0xA010] =	vst.add.f32.msk $0xffff, v28  }
0x423: {  	[tilespmem:s16+$0xA020] =	vst.add.f32.msk $0xffff, v29  }
0x424: {  	[tilespmem:s16+$0xA030] =	vst.add.f32.msk $0xffff, v30  }
0x425: {  	[tilespmem:s16+$0xA040] =	vst.add.f32.msk $0xffff, v31  }
0x426: {  	[tilespmem:s16+$0xA050] =	vst.add.f32.msk $0xffff, v32  }
0x427: {  	[tilespmem:s16+$0xA060] =	vst.add.f32.msk $0xffff, v33  }
0x428: {  	[tilespmem:s16+$0xA070] =	vst.add.f32.msk $0xffff, v34  }
0x429: {  	[tilespmem:s16+$0xA400] =	vst.add.f32.msk $0xffff, v35  }
0x42a: {  	[tilespmem:s16+$0xA410] =	vst.add.f32.msk $0xffff, v36  }
0x42b: {  	[tilespmem:s16+$0xA420] =	vst.add.f32.msk $0xffff, v37  }
0x42c: {  	[tilespmem:s16+$0xA430] =	vst.add.f32.msk $0xffff, v38  }
0x42d: {  	[tilespmem:s16+$0xA440] =	vst.add.f32.msk $0xffff, v39  }
0x42e: {  	[tilespmem:s16+$0xA450] =	vst.add.f32.msk $0xffff, v40  }
0x42f: {  	[tilespmem:s16+$0xA460] =	vst.add.f32.msk $0xffff, v41  }
0x430: {  	[tilespmem:s16+$0xA470] =	vst.add.f32.msk $0xffff, v42  }
0x431: {  	[tilespmem:s16+$0xA800] =	vst.add.f32.msk $0xffff, v43  }
0x432: {  	[tilespmem:s16+$0xA810] =	vst.add.f32.msk $0xffff, v44  }
0x433: {  	s2 =	sadd.s32 $0x1, s2;
	[tilespmem:s16+$0xA820] =	vst.add.f32.msk $0xffff, v45  }
0x434: {  	p0 =	sne.s32 s2, $0x10;
	[tilespmem:s16+$0xA830] =	vst.add.f32.msk $0xffff, v46  }
.Ltmp4:
0x435: {  	[tilespmem:s16+$0xA840] =	vst.add.f32.msk $0xffff, v47;
	(pc) =	sbr.rel @p0 .LBB2_2-.Ltmp4, $4  }
0x436: {  	[tilespmem:s16+$0xA850] =	vst.add.f32.msk $0xffff, v48  }
0x437: {  	[tilespmem:s16+$0xA860] =	vst.add.f32.msk $0xffff, v49  }
0x438: {  	s0 =	sadd.s32 s4, s0;
	[tilespmem:s16+$0x9440] =	vst.add.f32.msk $0xffff, v3  }
0x439: {  	[hbm4b:s0+s6] =	stream.linear.scatter [tilespmem:s22], [sflag:$0xC], $0x3000, $0x38;
	[tilespmem:$0x18400] =	vst v63  }
0x43a: {  	s0 =	simm.s32 $0x9  }
0x43b: {  	_ =	swait.ge [sflag:s0], $0x3000  }
0x43c: {  	[sflag:s0] =	ssyncset.done $0x0  }
0x43d: {  	s24 =	simm.s32 $0xA;
	[sflag:s0] =	ssyncadd.s32 $0xFFFFD000  }
0x43e: {  	_ =	swait.ge [sflag:s24], $0x3000  }
0x43f: {  	[sflag:s24] =	ssyncset.done $0x0  }
0x440: {  	s25 =	simm.s32 $0xB;
	[sflag:s24] =	ssyncadd.s32 $0xFFFFD000  }
0x441: {  	_ =	swait.ge [sflag:s25], $0x3000  }
0x442: {  	[sflag:s25] =	ssyncset.done $0x0  }
0x443: {  	s2 =	simm.s32 $0xC;
	[sflag:s25] =	ssyncadd.s32 $0xFFFFD000  }
0x444: {  	_ =	swait.ge [sflag:s2], $0x3000  }
0x445: {  	s15 =	rddreg [dreg:$0x9]  }
0x446: {  	s26 =	rddreg [dreg:$0x8];
	s15 =	sadd.s32 $0x1, s15  }
0x447: {  	p0 =	sne.s32 s15, s26  }
.Ltmp5:
0x448: {  	_ = 	snop;
	(pc) =	sbr.rel @p0 .LBB2_1-.Ltmp5, $3  }
0x449: {  	_ =	sdelay $0x1  }
0x44a: {  	[sflag:s2] =	ssyncset.done $0x0  }
0x44b: {  	[sflag:s2] =	ssyncadd.s32 $0xFFFFD000  }
0x44c: {  	_ =	sfence.sel $0x180000  }
0x44d: {  	[bflag:$0x0] =	sbarrier.arrive $0xFFFF  }
0x44e: {  	_ =	strace $0x90000047  }
0x44f: {  	s0 =	stileid.u32;
	[bflag:$0x2] =	sbarrier.arrive $0xFFFF  }
0x450: {  	p0 =	sne.s32 s0, $0x0;
	s0 =	rddreg [dreg:$0x4]  }
0x451: {  	s0 =	sadd.s32 @!p0 $0x100000, s0  }
0x452: {  	[sflag:s0] =	ssyncadd.tile.s32 @!p0 $0x1;
	_ =	shalt  }
.Lfunc_end2:
_tile_overlayer_lowered:
.L_overlay_start_2:
0x453: {  	(tag) =	ssettag $0x2  }
0x454: {  	s0 =	rddreg [dreg:$0x0];
	s2 =	stileid.u32  }
0x455: {  	s1 =	rddreg [dreg:$0x1];
	p0 =	sne.s32 s2, $0x0  }
0x456: {  	s3 =	rddreg [dreg:$0x2];
	[bflag:$0x3] =	sbarrier.arrive $0xFFFF;
	s2 =	simm.s32 @!p0 $0x1C0D  }
0x457: {  	[timem:s3], [sflag:s2] =	dma.local @!p0 [hbm:s0], s1  }
0x458: {  	s0 =	simm.s32 @!p0 $0xD  }
0x459: {  	_ =	swait.ge @!p0 [sflag:s0], s1  }
0x45a: {  	s1 =	ssub.s32 @!p0 $0x0, s1;
	[sflag:s0] =	ssyncset.done @!p0 $0x0  }
0x45b: {  	[sflag:s0] =	ssyncadd.s32 @!p0 s1  }
0x45c: {  	[bflag:$0x3] =	sbarrier.arrive $0xFFFF  }
0x45d: {  	_ =	shalt  }

</sc_bundles>
